<compile_context>
chip_gen: v7x
topology: tpu7x:2x2x1
jax: 0.10.2.dev20260603
libtpu: 0.0.44.dev20260713+nightly
codegen_flags: <defaults>
</compile_context>

<pallas_src>
import functools

import jax
import jax.numpy as jnp
import numpy as np
from jax import lax
from jax.experimental import pallas as pl
from jax.experimental.pallas import tpu as pltpu
from jax.experimental.pallas import tpu_sc as plsc

B = 16384
C = 1000
SMOOTHING = 0.1
CONF = 1.0 - SMOOTHING
OFF = SMOOTHING / (C - 1)
KLSE = CONF - OFF + OFF * C
ENT = CONF * float(np.log(CONF)) + (C - 1) * OFF * float(np.log(OFF))

B_SC = 4096
B_TC = B - B_SC
COLS_PER_BLOCK = 2048



def _dense_body(x_ref, lab_ref, acc_ref):
    i = pl.program_id(0)
    x = x_ref[...]
    lab = lab_ref[0, 0, :]
    m = jnp.max(x, axis=0, keepdims=True)
    lse = m + jnp.log(jnp.sum(jnp.exp(x - m), axis=0, keepdims=True))
    row = lax.broadcasted_iota(jnp.int32, (C, COLS_PER_BLOCK), 0)
    g = jnp.sum(jnp.where(row == lab[None, :], x, 0.0))
    partial = jnp.reshape(
        OFF * jnp.sum(x) - KLSE * jnp.sum(lse) + (CONF - OFF) * g, (1, 1)
    )

    @pl.when(i == 0)
    def _():
        acc_ref[...] = jnp.zeros((1, 1), jnp.float32)

    acc_ref[...] += partial


_dense_call = pl.pallas_call(
    _dense_body,
    grid=(B_TC // COLS_PER_BLOCK,),
    in_specs=[
        pl.BlockSpec((C, COLS_PER_BLOCK), lambda i: (0, i)),
        pl.BlockSpec((1, 1, COLS_PER_BLOCK), lambda i: (i, 0, 0)),
    ],
    out_specs=pl.BlockSpec((1, 1), lambda i: (0, 0)),
    out_shape=jax.ShapeDtypeStruct((1, 1), jnp.float32),
)


_INFO = plsc.get_sparse_core_info()
_NC = _INFO.num_cores
_NS = _INFO.num_subcores
_NW = _NC * _NS
_CPT = B_SC // _NW
_NCG = _CPT // 16
_RS = 200
_NSL = C // _RS

_sc_mesh = plsc.VectorSubcoreMesh(core_axis_name="c", subcore_axis_name="s")


_LN2 = 0.6931471805599453


def _ln(s):
    bits = lax.bitcast_convert_type(s, jnp.int32)
    k = lax.shift_right_arithmetic(bits, 23) - 127
    f = lax.bitcast_convert_type(
        lax.bitwise_or(lax.bitwise_and(bits, 0x7FFFFF), 0x3F800000), jnp.float32
    )
    y = _LN2 * k.astype(jnp.float32) + 2.0 * (f - 1.0) / (f + 1.0)
    y = y - 1.0 + s * jnp.exp(-y)
    y = y - 1.0 + s * jnp.exp(-y)
    return y


@functools.partial(
    pl.kernel,
    out_type=jax.ShapeDtypeStruct((_NW, 16), jnp.float32),
    mesh=_sc_mesh,
    compiler_params=pltpu.CompilerParams(use_tc_tiling_on_sc=True),
    scratch_types=[
        pltpu.VMEM((_CPT,), jnp.int32),
        pltpu.VMEM((2, _RS, _CPT), jnp.float32),
        pltpu.VMEM((16,), jnp.float32),
        pltpu.SemaphoreType.DMA,
        pltpu.SemaphoreType.DMA,
    ],
)
def _sc_dense(xt_hbm, labels_hbm, out_hbm, lab_v, xbuf, st_v, sem0, sem1):
    cc = lax.axis_index("c")
    ss = lax.axis_index("s")
    wid = ss * _NC + cc
    col0 = B_TC + wid * _CPT
    pltpu.sync_copy(labels_hbm.at[pl.ds(col0, _CPT)], lab_v)
    labs = [lab_v[pl.ds(cg * 16, 16)] for cg in range(_NCG)]
    neg = jnp.full((16,), -jnp.inf, jnp.float32)
    zero = jnp.zeros((16,), jnp.float32)
    m = [neg] * _NCG
    s = [zero] * _NCG
    rs = [zero] * _NCG
    g = [zero] * _NCG
    sems = (sem0, sem1)
    copies = [None] * _NSL
    copies[0] = pltpu.async_copy(
        xt_hbm.at[pl.ds(0, _RS), pl.ds(col0, _CPT)], xbuf.at[0], sems[0]
    )
    for sl in range(_NSL):
        b = sl % 2
        copies[sl].wait()
        if sl + 1 < _NSL:
            copies[sl + 1] = pltpu.async_copy(
                xt_hbm.at[pl.ds((sl + 1) * _RS, _RS), pl.ds(col0, _CPT)],
                xbuf.at[1 - b],
                sems[1 - b],
            )

        def p1(r, carry, b=b):
            return tuple(
                jnp.maximum(carry[cg], xbuf[b, r, pl.ds(cg * 16, 16)])
                for cg in range(_NCG)
            )

        msl = lax.fori_loop(0, _RS, p1, tuple([neg] * _NCG))
        mnew = [jnp.maximum(m[cg], msl[cg]) for cg in range(_NCG)]
        s = [s[cg] * jnp.exp(m[cg] - mnew[cg]) for cg in range(_NCG)]
        m = mnew

        def p2(r, carry, b=b, sl=sl):
            cs, crs, cg_ = carry
            rowv = jnp.full((16,), sl * _RS, jnp.int32) + r
            ns, nrs, ng = [], [], []
            for cg in range(_NCG):
                x = xbuf[b, r, pl.ds(cg * 16, 16)]
                ns.append(cs[cg] + jnp.exp(x - m[cg]))
                nrs.append(crs[cg] + x)
                ng.append(cg_[cg] + jnp.where(rowv == labs[cg], x, 0.0))
            return tuple(ns), tuple(nrs), tuple(ng)

        s, rs, g = lax.fori_loop(0, _RS, p2, (tuple(s), tuple(rs), tuple(g)))
        s, rs, g = list(s), list(rs), list(g)
    part = zero
    for cg in range(_NCG):
        lse = m[cg] + _ln(s[cg])
        part = part + (OFF * rs[cg] - KLSE * lse + (CONF - OFF) * g[cg])
    st_v[...] = part
    pltpu.sync_copy(st_v, out_hbm.at[wid])


@jax.jit
def kernel(outputs, labels):
    xt = jnp.transpose(outputs)
    lab32 = labels.astype(jnp.int32)
    parts = _sc_dense(xt, lab32)
    lab3 = jnp.reshape(lab32, (B // COLS_PER_BLOCK, 1, COLS_PER_BLOCK))
    acc_tc = _dense_call(xt, lab3)[0, 0]
    return ENT - (acc_tc + jnp.sum(parts)) / B

# --- scband reference (transcript-rebuilt; emitter-appended) ---
"""Pipeline reference for scband-label-smoothing-cross-entropy-84576495993239 (READ-ONLY COPY).

The authoritative reference and input builder live on the scoring server;
editing this copy changes nothing except your own understanding.
"""

import jax, jax.numpy as jnp
import numpy as np

B = 16384
C = 1000
SMOOTHING = 0.1


def setup_inputs(seed: int = 0) -> dict:
    key = jax.random.key(seed)
    k1, k2 = jax.random.split(key)
    outputs = jax.random.normal(k1, (B, C), dtype=jnp.float32)
    labels = jax.random.randint(k2, (B,), 0, C, dtype=jnp.int64) if jax.config.jax_enable_x64 else jax.random.randint(k2, (B,), 0, C).astype(jnp.int32)
    return {"outputs": outputs, "labels": labels}


def _label_smooth(labels, classes, smoothing):
    confidence = 1.0 - smoothing
    off_value = smoothing / (classes - 1)
    true_dist = jnp.full((labels.shape[0], classes), off_value, dtype=jnp.float32)
    true_dist = true_dist.at[jnp.arange(labels.shape[0]), labels].set(confidence)
    return true_dist


def reference(outputs, labels):
    true_dist = jax.lax.stop_gradient(_label_smooth(labels, C, SMOOTHING))
    log_probs = jax.nn.log_softmax(outputs, axis=1)
    # KLDivLoss(reduction='batchmean'): sum(target * (log(target) - input)) / batch
    kl = true_dist * (jnp.log(true_dist) - log_probs)
    return jnp.sum(kl) / outputs.shape[0]

if __name__ == "__main__":
    import jax
    _d = setup_inputs()
    print(jax.jit(kernel)(*tuple(_d.values())))

</pallas_src>

<mosaic_0001>
#map = affine_map<(d0, d1) -> (0, 0)>
#map1 = affine_map<(d0, d1) -> (0)>
module attributes {stable_mosaic.version = 14 : i64} {
  func.func @_sc_dense(%arg0: i32, %arg1: i32, %arg2: memref<1000x16384xf32, #tpu.memory_space<hbm>>, %arg3: memref<16384xi32, #tpu.memory_space<hbm>>, %arg4: memref<32x16xf32, #tpu.memory_space<hbm>>, %arg5: memref<128xi32, #tpu.memory_space<vmem>>, %arg6: memref<2x200x128xf32, #tpu.memory_space<vmem>>, %arg7: memref<16xf32, #tpu.memory_space<vmem>>, %arg8: memref<!tpu.dma_semaphore, #tpu.memory_space<semaphore_mem>>, %arg9: memref<!tpu.dma_semaphore, #tpu.memory_space<semaphore_mem>>) attributes {dimension_semantics = [#tpu.dimension_semantics<core_parallel>, #tpu.dimension_semantics<subcore_parallel>], iteration_bounds = array<i64: 2, 16>, scalar_prefetch = 0 : i64, scratch_operands = 5 : i64, tpu.core_type = #tpu.core_type<sc_vector_subcore>, window_params = [{transform_indices = #map}, {transform_indices = #map1}, {transform_indices = #map}]} {
    %mul3A = arith.constant 2 : i32
    %mul3A_0 = arith.muli %arg1, %mul3A : i32
    %add3A = arith.addi %mul3A_0, %arg0 : i32
    %mul3A_1 = arith.constant 128 : i32
    %mul3A_2 = arith.muli %add3A, %mul3A_1 : i32
    %add3A_3 = arith.constant 12288 : i32
    %add3A_4 = arith.addi %add3A_3, %mul3A_2 : i32
    "tpu.region"() ({
      %run_scoped3A = tpu.sem_alloc : memref<!tpu.dma_semaphore, #tpu.memory_space<semaphore_mem>>
      %dma_start3A_851 = tpu.memref_slice %arg3[%add3A_4] : memref<16384xi32, #tpu.memory_space<hbm>> -> memref<128xi32, #tpu.memory_space<hbm>>
      %dma_start3A_852 = tpu.memref_slice %arg3[%add3A_4] : memref<16384xi32, #tpu.memory_space<hbm>> -> memref<128xi32, #tpu.memory_space<hbm>>
      tpu.enqueue_dma source(%dma_start3A_852 : memref<128xi32, #tpu.memory_space<hbm>>) target(%arg5 : memref<128xi32, #tpu.memory_space<vmem>>) target_semaphore(%run_scoped3A : memref<!tpu.dma_semaphore, #tpu.memory_space<semaphore_mem>>)
      %dma_wait3A_853 = tpu.memref_slice %arg3[%add3A_4] : memref<16384xi32, #tpu.memory_space<hbm>> -> memref<128xi32, #tpu.memory_space<hbm>>
      %dma_wait3A_854 = tpu.memref_slice %arg3[%add3A_4] : memref<16384xi32, #tpu.memory_space<hbm>> -> memref<128xi32, #tpu.memory_space<hbm>>
      tpu.wait_dma2 semaphore(%run_scoped3A : memref<!tpu.dma_semaphore, #tpu.memory_space<semaphore_mem>>) src(%dma_wait3A_854 : memref<128xi32, #tpu.memory_space<hbm>>) dst(%arg5 : memref<128xi32, #tpu.memory_space<vmem>>)
      tpu.yield
    }) : () -> ()
    %get3A = arith.constant 0 : index
    %get3A_5 = tpu.vector_load %arg5[%get3A] {strides = array<i32>} : memref<128xi32, #tpu.memory_space<vmem>>, vector<16xi32>,
    %get3A_6 = vector.shape_cast %get3A_5 : vector<16xi32> to vector<16xi32>
    %get3A_7 = arith.constant 16 : index
    %get3A_8 = tpu.vector_load %arg5[%get3A_7] {strides = array<i32>} : memref<128xi32, #tpu.memory_space<vmem>>, vector<16xi32>,
    %get3A_9 = vector.shape_cast %get3A_8 : vector<16xi32> to vector<16xi32>
    %get3A_10 = arith.constant 32 : index
    %get3A_11 = tpu.vector_load %arg5[%get3A_10] {strides = array<i32>} : memref<128xi32, #tpu.memory_space<vmem>>, vector<16xi32>,
    %get3A_12 = vector.shape_cast %get3A_11 : vector<16xi32> to vector<16xi32>
    %get3A_13 = arith.constant 48 : index
    %get3A_14 = tpu.vector_load %arg5[%get3A_13] {strides = array<i32>} : memref<128xi32, #tpu.memory_space<vmem>>, vector<16xi32>,
    %get3A_15 = vector.shape_cast %get3A_14 : vector<16xi32> to vector<16xi32>
    %get3A_16 = arith.constant 64 : index
    %get3A_17 = tpu.vector_load %arg5[%get3A_16] {strides = array<i32>} : memref<128xi32, #tpu.memory_space<vmem>>, vector<16xi32>,
    %get3A_18 = vector.shape_cast %get3A_17 : vector<16xi32> to vector<16xi32>
    %get3A_19 = arith.constant 80 : index
    %get3A_20 = tpu.vector_load %arg5[%get3A_19] {strides = array<i32>} : memref<128xi32, #tpu.memory_space<vmem>>, vector<16xi32>,
    %get3A_21 = vector.shape_cast %get3A_20 : vector<16xi32> to vector<16xi32>
    %get3A_22 = arith.constant 96 : index
    %get3A_23 = tpu.vector_load %arg5[%get3A_22] {strides = array<i32>} : memref<128xi32, #tpu.memory_space<vmem>>, vector<16xi32>,
    %get3A_24 = vector.shape_cast %get3A_23 : vector<16xi32> to vector<16xi32>
    %get3A_25 = arith.constant 112 : index
    %get3A_26 = tpu.vector_load %arg5[%get3A_25] {strides = array<i32>} : memref<128xi32, #tpu.memory_space<vmem>>, vector<16xi32>,
    %get3A_27 = vector.shape_cast %get3A_26 : vector<16xi32> to vector<16xi32>
    %broadcast_in_dim3A = arith.constant 0xFF800000 : f32
    %broadcast_in_dim3A_28 = vector.broadcast %broadcast_in_dim3A : f32 to vector<16xf32>
    %broadcast_in_dim3A_29 = arith.constant 0.000000e+00 : f32
    %broadcast_in_dim3A_30 = vector.broadcast %broadcast_in_dim3A_29 : f32 to vector<16xf32>
    %dma_start3A = arith.constant 0 : i32
    %dma_start3A_31 = arith.constant 0 : i32
    %dma_start3A_32 = arith.constant 0 : i32
    %dma_start3A_33 = tpu.memref_slice %arg6[%dma_start3A, %dma_start3A_31, %dma_start3A_32] : memref<2x200x128xf32, #tpu.memory_space<vmem>> -> memref<1x200x128xf32, #tpu.memory_space<vmem>>
    %dma_start3A_34 = tpu.memref_squeeze %dma_start3A_33 : memref<1x200x128xf32, #tpu.memory_space<vmem>> -> memref<200x128xf32, #tpu.memory_space<vmem>>
    %dma_start3A_35 = arith.constant 0 : i32
    %dma_start3A_36 = tpu.memref_slice %arg2[%dma_start3A_35, %add3A_4] : memref<1000x16384xf32, #tpu.memory_space<hbm>> -> memref<200x128xf32, #tpu.memory_space<hbm>>
    %dma_start3A_37 = arith.constant 0 : i32
    %dma_start3A_38 = arith.constant 0 : i32
    %dma_start3A_39 = tpu.memref_slice %arg6[%dma_start3A, %dma_start3A_37, %dma_start3A_38] : memref<2x200x128xf32, #tpu.memory_space<vmem>> -> memref<1x200x128xf32, #tpu.memory_space<vmem>>
    %dma_start3A_40 = tpu.memref_squeeze %dma_start3A_39 : memref<1x200x128xf32, #tpu.memory_space<vmem>> -> memref<200x128xf32, #tpu.memory_space<vmem>>
    %dma_start3A_41 = arith.constant 0 : i32
    %dma_start3A_42 = tpu.memref_slice %arg2[%dma_start3A_41, %add3A_4] : memref<1000x16384xf32, #tpu.memory_space<hbm>> -> memref<200x128xf32, #tpu.memory_space<hbm>>
    tpu.enqueue_dma source(%dma_start3A_42 : memref<200x128xf32, #tpu.memory_space<hbm>>) target(%dma_start3A_40 : memref<200x128xf32, #tpu.memory_space<vmem>>) target_semaphore(%arg8 : memref<!tpu.dma_semaphore, #tpu.memory_space<semaphore_mem>>)
    %dma_wait3A = arith.constant 0 : i32
    %dma_wait3A_43 = arith.constant 0 : i32
    %dma_wait3A_44 = arith.constant 0 : i32
    %dma_wait3A_45 = tpu.memref_slice %arg6[%dma_wait3A, %dma_wait3A_43, %dma_wait3A_44] : memref<2x200x128xf32, #tpu.memory_space<vmem>> -> memref<1x200x128xf32, #tpu.memory_space<vmem>>
    %dma_wait3A_46 = tpu.memref_squeeze %dma_wait3A_45 : memref<1x200x128xf32, #tpu.memory_space<vmem>> -> memref<200x128xf32, #tpu.memory_space<vmem>>
    %dma_wait3A_47 = arith.constant 0 : i32
    %dma_wait3A_48 = tpu.memref_slice %arg2[%dma_wait3A_47, %add3A_4] : memref<1000x16384xf32, #tpu.memory_space<hbm>> -> memref<200x128xf32, #tpu.memory_space<hbm>>
    %dma_wait3A_49 = arith.constant 0 : i32
    %dma_wait3A_50 = arith.constant 0 : i32
    %dma_wait3A_51 = tpu.memref_slice %arg6[%dma_wait3A, %dma_wait3A_49, %dma_wait3A_50] : memref<2x200x128xf32, #tpu.memory_space<vmem>> -> memref<1x200x128xf32, #tpu.memory_space<vmem>>
    %dma_wait3A_52 = tpu.memref_squeeze %dma_wait3A_51 : memref<1x200x128xf32, #tpu.memory_space<vmem>> -> memref<200x128xf32, #tpu.memory_space<vmem>>
    %dma_wait3A_53 = arith.constant 0 : i32
    %dma_wait3A_54 = tpu.memref_slice %arg2[%dma_wait3A_53, %add3A_4] : memref<1000x16384xf32, #tpu.memory_space<hbm>> -> memref<200x128xf32, #tpu.memory_space<hbm>>
    tpu.wait_dma2 semaphore(%arg8 : memref<!tpu.dma_semaphore, #tpu.memory_space<semaphore_mem>>) src(%dma_wait3A_54 : memref<200x128xf32, #tpu.memory_space<hbm>>) dst(%dma_wait3A_52 : memref<200x128xf32, #tpu.memory_space<vmem>>)
    %dma_start3A_55 = arith.constant 1 : i32
    %dma_start3A_56 = arith.constant 0 : i32
    %dma_start3A_57 = arith.constant 0 : i32
    %dma_start3A_58 = tpu.memref_slice %arg6[%dma_start3A_55, %dma_start3A_56, %dma_start3A_57] : memref<2x200x128xf32, #tpu.memory_space<vmem>> -> memref<1x200x128xf32, #tpu.memory_space<vmem>>
    %dma_start3A_59 = tpu.memref_squeeze %dma_start3A_58 : memref<1x200x128xf32, #tpu.memory_space<vmem>> -> memref<200x128xf32, #tpu.memory_space<vmem>>
    %dma_start3A_60 = arith.constant 200 : i32
    %dma_start3A_61 = tpu.memref_slice %arg2[%dma_start3A_60, %add3A_4] : memref<1000x16384xf32, #tpu.memory_space<hbm>> -> memref<200x128xf32, #tpu.memory_space<hbm>>
    %dma_start3A_62 = arith.constant 0 : i32
    %dma_start3A_63 = arith.constant 0 : i32
    %dma_start3A_64 = tpu.memref_slice %arg6[%dma_start3A_55, %dma_start3A_62, %dma_start3A_63] : memref<2x200x128xf32, #tpu.memory_space<vmem>> -> memref<1x200x128xf32, #tpu.memory_space<vmem>>
    %dma_start3A_65 = tpu.memref_squeeze %dma_start3A_64 : memref<1x200x128xf32, #tpu.memory_space<vmem>> -> memref<200x128xf32, #tpu.memory_space<vmem>>
    %dma_start3A_66 = arith.constant 200 : i32
    %dma_start3A_67 = tpu.memref_slice %arg2[%dma_start3A_66, %add3A_4] : memref<1000x16384xf32, #tpu.memory_space<hbm>> -> memref<200x128xf32, #tpu.memory_space<hbm>>
    tpu.enqueue_dma source(%dma_start3A_67 : memref<200x128xf32, #tpu.memory_space<hbm>>) target(%dma_start3A_65 : memref<200x128xf32, #tpu.memory_space<vmem>>) target_semaphore(%arg9 : memref<!tpu.dma_semaphore, #tpu.memory_space<semaphore_mem>>)
    %scan3A = arith.constant 0 : i32
    %scan3A_68 = arith.constant 200 : i32
    %scan3A_69 = arith.addi %scan3A, %scan3A_68 : i32
    %scan3A_70 = arith.constant 1 : i32
    %scan3A_71:8 = scf.for %scan3A_851 = %scan3A to %scan3A_69 step %scan3A_70 iter_args(%scan3A_852 = %broadcast_in_dim3A_28, %scan3A_853 = %broadcast_in_dim3A_28, %scan3A_854 = %broadcast_in_dim3A_28, %scan3A_855 = %broadcast_in_dim3A_28, %scan3A_856 = %broadcast_in_dim3A_28, %scan3A_857 = %broadcast_in_dim3A_28, %scan3A_858 = %broadcast_in_dim3A_28, %scan3A_859 = %broadcast_in_dim3A_28) -> (vector<16xf32>, vector<16xf32>, vector<16xf32>, vector<16xf32>, vector<16xf32>, vector<16xf32>, vector<16xf32>, vector<16xf32>)  : i32 {
      %get3A_860 = arith.constant 0 : i32
      %get3A_861 = arith.index_cast %get3A_860 : i32 to index
      %get3A_862 = arith.index_cast %scan3A_851 : i32 to index
      %get3A_863 = arith.constant 0 : index
      %get3A_864 = tpu.vector_load %arg6[%get3A_861, %get3A_862, %get3A_863] {strides = array<i32>} : memref<2x200x128xf32, #tpu.memory_space<vmem>>, vector<1x1x16xf32>,
      %get3A_865 = vector.shape_cast %get3A_864 : vector<1x1x16xf32> to vector<16xf32>
      %max3A_866 = arith.maximumf %scan3A_852, %get3A_865 : vector<16xf32>
      %get3A_867 = arith.constant 0 : i32
      %get3A_868 = arith.index_cast %get3A_867 : i32 to index
      %get3A_869 = arith.index_cast %scan3A_851 : i32 to index
      %get3A_870 = arith.constant 16 : index
      %get3A_871 = tpu.vector_load %arg6[%get3A_868, %get3A_869, %get3A_870] {strides = array<i32>} : memref<2x200x128xf32, #tpu.memory_space<vmem>>, vector<1x1x16xf32>,
      %get3A_872 = vector.shape_cast %get3A_871 : vector<1x1x16xf32> to vector<16xf32>
      %max3A_873 = arith.maximumf %scan3A_853, %get3A_872 : vector<16xf32>
      %get3A_874 = arith.constant 0 : i32
      %get3A_875 = arith.index_cast %get3A_874 : i32 to index
      %get3A_876 = arith.index_cast %scan3A_851 : i32 to index
      %get3A_877 = arith.constant 32 : index
      %get3A_878 = tpu.vector_load %arg6[%get3A_875, %get3A_876, %get3A_877] {strides = array<i32>} : memref<2x200x128xf32, #tpu.memory_space<vmem>>, vector<1x1x16xf32>,
      %get3A_879 = vector.shape_cast %get3A_878 : vector<1x1x16xf32> to vector<16xf32>
      %max3A_880 = arith.maximumf %scan3A_854, %get3A_879 : vector<16xf32>
      %get3A_881 = arith.constant 0 : i32
      %get3A_882 = arith.index_cast %get3A_881 : i32 to index
      %get3A_883 = arith.index_cast %scan3A_851 : i32 to index
      %get3A_884 = arith.constant 48 : index
      %get3A_885 = tpu.vector_load %arg6[%get3A_882, %get3A_883, %get3A_884] {strides = array<i32>} : memref<2x200x128xf32, #tpu.memory_space<vmem>>, vector<1x1x16xf32>,
      %get3A_886 = vector.shape_cast %get3A_885 : vector<1x1x16xf32> to vector<16xf32>
      %max3A_887 = arith.maximumf %scan3A_855, %get3A_886 : vector<16xf32>
      %get3A_888 = arith.constant 0 : i32
      %get3A_889 = arith.index_cast %get3A_888 : i32 to index
      %get3A_890 = arith.index_cast %scan3A_851 : i32 to index
      %get3A_891 = arith.constant 64 : index
      %get3A_892 = tpu.vector_load %arg6[%get3A_889, %get3A_890, %get3A_891] {strides = array<i32>} : memref<2x200x128xf32, #tpu.memory_space<vmem>>, vector<1x1x16xf32>,
      %get3A_893 = vector.shape_cast %get3A_892 : vector<1x1x16xf32> to vector<16xf32>
      %max3A_894 = arith.maximumf %scan3A_856, %get3A_893 : vector<16xf32>
      %get3A_895 = arith.constant 0 : i32
      %get3A_896 = arith.index_cast %get3A_895 : i32 to index
      %get3A_897 = arith.index_cast %scan3A_851 : i32 to index
      %get3A_898 = arith.constant 80 : index
      %get3A_899 = tpu.vector_load %arg6[%get3A_896, %get3A_897, %get3A_898] {strides = array<i32>} : memref<2x200x128xf32, #tpu.memory_space<vmem>>, vector<1x1x16xf32>,
      %get3A_900 = vector.shape_cast %get3A_899 : vector<1x1x16xf32> to vector<16xf32>
      %max3A_901 = arith.maximumf %scan3A_857, %get3A_900 : vector<16xf32>
      %get3A_902 = arith.constant 0 : i32
      %get3A_903 = arith.index_cast %get3A_902 : i32 to index
      %get3A_904 = arith.index_cast %scan3A_851 : i32 to index
      %get3A_905 = arith.constant 96 : index
      %get3A_906 = tpu.vector_load %arg6[%get3A_903, %get3A_904, %get3A_905] {strides = array<i32>} : memref<2x200x128xf32, #tpu.memory_space<vmem>>, vector<1x1x16xf32>,
      %get3A_907 = vector.shape_cast %get3A_906 : vector<1x1x16xf32> to vector<16xf32>
      %max3A_908 = arith.maximumf %scan3A_858, %get3A_907 : vector<16xf32>
      %get3A_909 = arith.constant 0 : i32
      %get3A_910 = arith.index_cast %get3A_909 : i32 to index
      %get3A_911 = arith.index_cast %scan3A_851 : i32 to index
      %get3A_912 = arith.constant 112 : index
      %get3A_913 = tpu.vector_load %arg6[%get3A_910, %get3A_911, %get3A_912] {strides = array<i32>} : memref<2x200x128xf32, #tpu.memory_space<vmem>>, vector<1x1x16xf32>,
      %get3A_914 = vector.shape_cast %get3A_913 : vector<1x1x16xf32> to vector<16xf32>
      %max3A_915 = arith.maximumf %scan3A_859, %get3A_914 : vector<16xf32>
      scf.yield %max3A_866, %max3A_873, %max3A_880, %max3A_887, %max3A_894, %max3A_901, %max3A_908, %max3A_915 : vector<16xf32>, vector<16xf32>, vector<16xf32>, vector<16xf32>, vector<16xf32>, vector<16xf32>, vector<16xf32>, vector<16xf32>
    }
    %scan3A_72 = arith.constant 200 : i32
    %max3A = arith.maximumf %broadcast_in_dim3A_28, %scan3A_71#0 : vector<16xf32>
    %max3A_73 = arith.maximumf %broadcast_in_dim3A_28, %scan3A_71#1 : vector<16xf32>
    %max3A_74 = arith.maximumf %broadcast_in_dim3A_28, %scan3A_71#2 : vector<16xf32>
    %max3A_75 = arith.maximumf %broadcast_in_dim3A_28, %scan3A_71#3 : vector<16xf32>
    %max3A_76 = arith.maximumf %broadcast_in_dim3A_28, %scan3A_71#4 : vector<16xf32>
    %max3A_77 = arith.maximumf %broadcast_in_dim3A_28, %scan3A_71#5 : vector<16xf32>
    %max3A_78 = arith.maximumf %broadcast_in_dim3A_28, %scan3A_71#6 : vector<16xf32>
    %max3A_79 = arith.maximumf %broadcast_in_dim3A_28, %scan3A_71#7 : vector<16xf32>
    %sub3A = arith.subf %broadcast_in_dim3A_28, %max3A : vector<16xf32>
    %exp3A = math.exp %sub3A : vector<16xf32>
    %mul3A_80 = arith.mulf %broadcast_in_dim3A_30, %exp3A : vector<16xf32>
    %sub3A_81 = arith.subf %broadcast_in_dim3A_28, %max3A_73 : vector<16xf32>
    %exp3A_82 = math.exp %sub3A_81 : vector<16xf32>
    %mul3A_83 = arith.mulf %broadcast_in_dim3A_30, %exp3A_82 : vector<16xf32>
    %sub3A_84 = arith.subf %broadcast_in_dim3A_28, %max3A_74 : vector<16xf32>
    %exp3A_85 = math.exp %sub3A_84 : vector<16xf32>
    %mul3A_86 = arith.mulf %broadcast_in_dim3A_30, %exp3A_85 : vector<16xf32>
    %sub3A_87 = arith.subf %broadcast_in_dim3A_28, %max3A_75 : vector<16xf32>
    %exp3A_88 = math.exp %sub3A_87 : vector<16xf32>
    %mul3A_89 = arith.mulf %broadcast_in_dim3A_30, %exp3A_88 : vector<16xf32>
    %sub3A_90 = arith.subf %broadcast_in_dim3A_28, %max3A_76 : vector<16xf32>
    %exp3A_91 = math.exp %sub3A_90 : vector<16xf32>
    %mul3A_92 = arith.mulf %broadcast_in_dim3A_30, %exp3A_91 : vector<16xf32>
    %sub3A_93 = arith.subf %broadcast_in_dim3A_28, %max3A_77 : vector<16xf32>
    %exp3A_94 = math.exp %sub3A_93 : vector<16xf32>
    %mul3A_95 = arith.mulf %broadcast_in_dim3A_30, %exp3A_94 : vector<16xf32>
    %sub3A_96 = arith.subf %broadcast_in_dim3A_28, %max3A_78 : vector<16xf32>
    %exp3A_97 = math.exp %sub3A_96 : vector<16xf32>
    %mul3A_98 = arith.mulf %broadcast_in_dim3A_30, %exp3A_97 : vector<16xf32>
    %sub3A_99 = arith.subf %broadcast_in_dim3A_28, %max3A_79 : vector<16xf32>
    %exp3A_100 = math.exp %sub3A_99 : vector<16xf32>
    %mul3A_101 = arith.mulf %broadcast_in_dim3A_30, %exp3A_100 : vector<16xf32>
    %scan3A_102 = arith.constant 0 : i32
    %scan3A_103 = arith.constant 200 : i32
    %scan3A_104 = arith.addi %scan3A_102, %scan3A_103 : i32
    %scan3A_105 = arith.constant 1 : i32
    %scan3A_106:24 = scf.for %scan3A_851 = %scan3A_102 to %scan3A_104 step %scan3A_105 iter_args(%scan3A_852 = %mul3A_80, %scan3A_853 = %mul3A_83, %scan3A_854 = %mul3A_86, %scan3A_855 = %mul3A_89, %scan3A_856 = %mul3A_92, %scan3A_857 = %mul3A_95, %scan3A_858 = %mul3A_98, %scan3A_859 = %mul3A_101, %scan3A_860 = %broadcast_in_dim3A_30, %scan3A_861 = %broadcast_in_dim3A_30, %scan3A_862 = %broadcast_in_dim3A_30, %scan3A_863 = %broadcast_in_dim3A_30, %scan3A_864 = %broadcast_in_dim3A_30, %scan3A_865 = %broadcast_in_dim3A_30, %scan3A_866 = %broadcast_in_dim3A_30, %scan3A_867 = %broadcast_in_dim3A_30, %scan3A_868 = %broadcast_in_dim3A_30, %scan3A_869 = %broadcast_in_dim3A_30, %scan3A_870 = %broadcast_in_dim3A_30, %scan3A_871 = %broadcast_in_dim3A_30, %scan3A_872 = %broadcast_in_dim3A_30, %scan3A_873 = %broadcast_in_dim3A_30, %scan3A_874 = %broadcast_in_dim3A_30, %scan3A_875 = %broadcast_in_dim3A_30) -> (vector<16xf32>, vector<16xf32>, vector<16xf32>, vector<16xf32>, vector<16xf32>, vector<16xf32>, vector<16xf32>, vector<16xf32>, vector<16xf32>, vector<16xf32>, vector<16xf32>, vector<16xf32>, vector<16xf32>, vector<16xf32>, vector<16xf32>, vector<16xf32>, vector<16xf32>, vector<16xf32>, vector<16xf32>, vector<16xf32>, vector<16xf32>, vector<16xf32>, vector<16xf32>, vector<16xf32>)  : i32 {
      %broadcast_in_dim3A_876 = arith.constant 0 : i32
      %broadcast_in_dim3A_877 = vector.broadcast %broadcast_in_dim3A_876 : i32 to vector<16xi32>
      %add3A_878 = vector.broadcast %scan3A_851 : i32 to vector<16xi32>
      %add3A_879 = arith.addi %broadcast_in_dim3A_877, %add3A_878 : vector<16xi32>
      %get3A_880 = arith.constant 0 : i32
      %get3A_881 = arith.index_cast %get3A_880 : i32 to index
      %get3A_882 = arith.index_cast %scan3A_851 : i32 to index
      %get3A_883 = arith.constant 0 : index
      %get3A_884 = tpu.vector_load %arg6[%get3A_881, %get3A_882, %get3A_883] {strides = array<i32>} : memref<2x200x128xf32, #tpu.memory_space<vmem>>, vector<1x1x16xf32>,
      %get3A_885 = vector.shape_cast %get3A_884 : vector<1x1x16xf32> to vector<16xf32>
      %sub3A_886 = arith.subf %get3A_885, %max3A : vector<16xf32>
      %exp3A_887 = math.exp %sub3A_886 : vector<16xf32>
      %add3A_888 = arith.addf %scan3A_852, %exp3A_887 : vector<16xf32>
      %add3A_889 = arith.addf %scan3A_860, %get3A_885 : vector<16xf32>
      %eq3A = arith.cmpi eq, %add3A_879, %get3A_6 : vector<16xi32>
      %jit3A = arith.constant 0.000000e+00 : f32
      %broadcast_in_dim3A_890 = vector.broadcast %jit3A : f32 to vector<16xf32>
      %select_n3A = arith.select %eq3A, %get3A_885, %broadcast_in_dim3A_890 : vector<16xi1>, vector<16xf32>
      %add3A_891 = arith.addf %scan3A_868, %select_n3A : vector<16xf32>
      %get3A_892 = arith.constant 0 : i32
      %get3A_893 = arith.index_cast %get3A_892 : i32 to index
      %get3A_894 = arith.index_cast %scan3A_851 : i32 to index
      %get3A_895 = arith.constant 16 : index
      %get3A_896 = tpu.vector_load %arg6[%get3A_893, %get3A_894, %get3A_895] {strides = array<i32>} : memref<2x200x128xf32, #tpu.memory_space<vmem>>, vector<1x1x16xf32>,
      %get3A_897 = vector.shape_cast %get3A_896 : vector<1x1x16xf32> to vector<16xf32>
      %sub3A_898 = arith.subf %get3A_897, %max3A_73 : vector<16xf32>
      %exp3A_899 = math.exp %sub3A_898 : vector<16xf32>
      %add3A_900 = arith.addf %scan3A_853, %exp3A_899 : vector<16xf32>
      %add3A_901 = arith.addf %scan3A_861, %get3A_897 : vector<16xf32>
      %eq3A_902 = arith.cmpi eq, %add3A_879, %get3A_9 : vector<16xi32>
      %jit3A_903 = arith.constant 0.000000e+00 : f32
      %broadcast_in_dim3A_904 = vector.broadcast %jit3A_903 : f32 to vector<16xf32>
      %select_n3A_905 = arith.select %eq3A_902, %get3A_897, %broadcast_in_dim3A_904 : vector<16xi1>, vector<16xf32>
      %add3A_906 = arith.addf %scan3A_869, %select_n3A_905 : vector<16xf32>
      %get3A_907 = arith.constant 0 : i32
      %get3A_908 = arith.index_cast %get3A_907 : i32 to index
      %get3A_909 = arith.index_cast %scan3A_851 : i32 to index
      %get3A_910 = arith.constant 32 : index
      %get3A_911 = tpu.vector_load %arg6[%get3A_908, %get3A_909, %get3A_910] {strides = array<i32>} : memref<2x200x128xf32, #tpu.memory_space<vmem>>, vector<1x1x16xf32>,
      %get3A_912 = vector.shape_cast %get3A_911 : vector<1x1x16xf32> to vector<16xf32>
      %sub3A_913 = arith.subf %get3A_912, %max3A_74 : vector<16xf32>
      %exp3A_914 = math.exp %sub3A_913 : vector<16xf32>
      %add3A_915 = arith.addf %scan3A_854, %exp3A_914 : vector<16xf32>
      %add3A_916 = arith.addf %scan3A_862, %get3A_912 : vector<16xf32>
      %eq3A_917 = arith.cmpi eq, %add3A_879, %get3A_12 : vector<16xi32>
      %jit3A_918 = arith.constant 0.000000e+00 : f32
      %broadcast_in_dim3A_919 = vector.broadcast %jit3A_918 : f32 to vector<16xf32>
      %select_n3A_920 = arith.select %eq3A_917, %get3A_912, %broadcast_in_dim3A_919 : vector<16xi1>, vector<16xf32>
      %add3A_921 = arith.addf %scan3A_870, %select_n3A_920 : vector<16xf32>
      %get3A_922 = arith.constant 0 : i32
      %get3A_923 = arith.index_cast %get3A_922 : i32 to index
      %get3A_924 = arith.index_cast %scan3A_851 : i32 to index
      %get3A_925 = arith.constant 48 : index
      %get3A_926 = tpu.vector_load %arg6[%get3A_923, %get3A_924, %get3A_925] {strides = array<i32>} : memref<2x200x128xf32, #tpu.memory_space<vmem>>, vector<1x1x16xf32>,
      %get3A_927 = vector.shape_cast %get3A_926 : vector<1x1x16xf32> to vector<16xf32>
      %sub3A_928 = arith.subf %get3A_927, %max3A_75 : vector<16xf32>
      %exp3A_929 = math.exp %sub3A_928 : vector<16xf32>
      %add3A_930 = arith.addf %scan3A_855, %exp3A_929 : vector<16xf32>
      %add3A_931 = arith.addf %scan3A_863, %get3A_927 : vector<16xf32>
      %eq3A_932 = arith.cmpi eq, %add3A_879, %get3A_15 : vector<16xi32>
      %jit3A_933 = arith.constant 0.000000e+00 : f32
      %broadcast_in_dim3A_934 = vector.broadcast %jit3A_933 : f32 to vector<16xf32>
      %select_n3A_935 = arith.select %eq3A_932, %get3A_927, %broadcast_in_dim3A_934 : vector<16xi1>, vector<16xf32>
      %add3A_936 = arith.addf %scan3A_871, %select_n3A_935 : vector<16xf32>
      %get3A_937 = arith.constant 0 : i32
      %get3A_938 = arith.index_cast %get3A_937 : i32 to index
      %get3A_939 = arith.index_cast %scan3A_851 : i32 to index
      %get3A_940 = arith.constant 64 : index
      %get3A_941 = tpu.vector_load %arg6[%get3A_938, %get3A_939, %get3A_940] {strides = array<i32>} : memref<2x200x128xf32, #tpu.memory_space<vmem>>, vector<1x1x16xf32>,
      %get3A_942 = vector.shape_cast %get3A_941 : vector<1x1x16xf32> to vector<16xf32>
      %sub3A_943 = arith.subf %get3A_942, %max3A_76 : vector<16xf32>
      %exp3A_944 = math.exp %sub3A_943 : vector<16xf32>
      %add3A_945 = arith.addf %scan3A_856, %exp3A_944 : vector<16xf32>
      %add3A_946 = arith.addf %scan3A_864, %get3A_942 : vector<16xf32>
      %eq3A_947 = arith.cmpi eq, %add3A_879, %get3A_18 : vector<16xi32>
      %jit3A_948 = arith.constant 0.000000e+00 : f32
      %broadcast_in_dim3A_949 = vector.broadcast %jit3A_948 : f32 to vector<16xf32>
      %select_n3A_950 = arith.select %eq3A_947, %get3A_942, %broadcast_in_dim3A_949 : vector<16xi1>, vector<16xf32>
      %add3A_951 = arith.addf %scan3A_872, %select_n3A_950 : vector<16xf32>
      %get3A_952 = arith.constant 0 : i32
      %get3A_953 = arith.index_cast %get3A_952 : i32 to index
      %get3A_954 = arith.index_cast %scan3A_851 : i32 to index
      %get3A_955 = arith.constant 80 : index
      %get3A_956 = tpu.vector_load %arg6[%get3A_953, %get3A_954, %get3A_955] {strides = array<i32>} : memref<2x200x128xf32, #tpu.memory_space<vmem>>, vector<1x1x16xf32>,
      %get3A_957 = vector.shape_cast %get3A_956 : vector<1x1x16xf32> to vector<16xf32>
      %sub3A_958 = arith.subf %get3A_957, %max3A_77 : vector<16xf32>
      %exp3A_959 = math.exp %sub3A_958 : vector<16xf32>
      %add3A_960 = arith.addf %scan3A_857, %exp3A_959 : vector<16xf32>
      %add3A_961 = arith.addf %scan3A_865, %get3A_957 : vector<16xf32>
      %eq3A_962 = arith.cmpi eq, %add3A_879, %get3A_21 : vector<16xi32>
      %jit3A_963 = arith.constant 0.000000e+00 : f32
      %broadcast_in_dim3A_964 = vector.broadcast %jit3A_963 : f32 to vector<16xf32>
      %select_n3A_965 = arith.select %eq3A_962, %get3A_957, %broadcast_in_dim3A_964 : vector<16xi1>, vector<16xf32>
      %add3A_966 = arith.addf %scan3A_873, %select_n3A_965 : vector<16xf32>
      %get3A_967 = arith.constant 0 : i32
      %get3A_968 = arith.index_cast %get3A_967 : i32 to index
      %get3A_969 = arith.index_cast %scan3A_851 : i32 to index
      %get3A_970 = arith.constant 96 : index
      %get3A_971 = tpu.vector_load %arg6[%get3A_968, %get3A_969, %get3A_970] {strides = array<i32>} : memref<2x200x128xf32, #tpu.memory_space<vmem>>, vector<1x1x16xf32>,
      %get3A_972 = vector.shape_cast %get3A_971 : vector<1x1x16xf32> to vector<16xf32>
      %sub3A_973 = arith.subf %get3A_972, %max3A_78 : vector<16xf32>
      %exp3A_974 = math.exp %sub3A_973 : vector<16xf32>
      %add3A_975 = arith.addf %scan3A_858, %exp3A_974 : vector<16xf32>
      %add3A_976 = arith.addf %scan3A_866, %get3A_972 : vector<16xf32>
      %eq3A_977 = arith.cmpi eq, %add3A_879, %get3A_24 : vector<16xi32>
      %jit3A_978 = arith.constant 0.000000e+00 : f32
      %broadcast_in_dim3A_979 = vector.broadcast %jit3A_978 : f32 to vector<16xf32>
      %select_n3A_980 = arith.select %eq3A_977, %get3A_972, %broadcast_in_dim3A_979 : vector<16xi1>, vector<16xf32>
      %add3A_981 = arith.addf %scan3A_874, %select_n3A_980 : vector<16xf32>
      %get3A_982 = arith.constant 0 : i32
      %get3A_983 = arith.index_cast %get3A_982 : i32 to index
      %get3A_984 = arith.index_cast %scan3A_851 : i32 to index
      %get3A_985 = arith.constant 112 : index
      %get3A_986 = tpu.vector_load %arg6[%get3A_983, %get3A_984, %get3A_985] {strides = array<i32>} : memref<2x200x128xf32, #tpu.memory_space<vmem>>, vector<1x1x16xf32>,
      %get3A_987 = vector.shape_cast %get3A_986 : vector<1x1x16xf32> to vector<16xf32>
      %sub3A_988 = arith.subf %get3A_987, %max3A_79 : vector<16xf32>
      %exp3A_989 = math.exp %sub3A_988 : vector<16xf32>
      %add3A_990 = arith.addf %scan3A_859, %exp3A_989 : vector<16xf32>
      %add3A_991 = arith.addf %scan3A_867, %get3A_987 : vector<16xf32>
      %eq3A_992 = arith.cmpi eq, %add3A_879, %get3A_27 : vector<16xi32>
      %jit3A_993 = arith.constant 0.000000e+00 : f32
      %broadcast_in_dim3A_994 = vector.broadcast %jit3A_993 : f32 to vector<16xf32>
      %select_n3A_995 = arith.select %eq3A_992, %get3A_987, %broadcast_in_dim3A_994 : vector<16xi1>, vector<16xf32>
      %add3A_996 = arith.addf %scan3A_875, %select_n3A_995 : vector<16xf32>
      scf.yield %add3A_888, %add3A_900, %add3A_915, %add3A_930, %add3A_945, %add3A_960, %add3A_975, %add3A_990, %add3A_889, %add3A_901, %add3A_916, %add3A_931, %add3A_946, %add3A_961, %add3A_976, %add3A_991, %add3A_891, %add3A_906, %add3A_921, %add3A_936, %add3A_951, %add3A_966, %add3A_981, %add3A_996 : vector<16xf32>, vector<16xf32>, vector<16xf32>, vector<16xf32>, vector<16xf32>, vector<16xf32>, vector<16xf32>, vector<16xf32>, vector<16xf32>, vector<16xf32>, vector<16xf32>, vector<16xf32>, vector<16xf32>, vector<16xf32>, vector<16xf32>, vector<16xf32>, vector<16xf32>, vector<16xf32>, vector<16xf32>, vector<16xf32>, vector<16xf32>, vector<16xf32>, vector<16xf32>, vector<16xf32>
    }
    %scan3A_107 = arith.constant 200 : i32
    %dma_wait3A_108 = arith.constant 1 : i32
    %dma_wait3A_109 = arith.constant 0 : i32
    %dma_wait3A_110 = arith.constant 0 : i32
    %dma_wait3A_111 = tpu.memref_slice %arg6[%dma_wait3A_108, %dma_wait3A_109, %dma_wait3A_110] : memref<2x200x128xf32, #tpu.memory_space<vmem>> -> memref<1x200x128xf32, #tpu.memory_space<vmem>>
    %dma_wait3A_112 = tpu.memref_squeeze %dma_wait3A_111 : memref<1x200x128xf32, #tpu.memory_space<vmem>> -> memref<200x128xf32, #tpu.memory_space<vmem>>
    %dma_wait3A_113 = arith.constant 200 : i32
    %dma_wait3A_114 = tpu.memref_slice %arg2[%dma_wait3A_113, %add3A_4] : memref<1000x16384xf32, #tpu.memory_space<hbm>> -> memref<200x128xf32, #tpu.memory_space<hbm>>
    %dma_wait3A_115 = arith.constant 0 : i32
    %dma_wait3A_116 = arith.constant 0 : i32
    %dma_wait3A_117 = tpu.memref_slice %arg6[%dma_wait3A_108, %dma_wait3A_115, %dma_wait3A_116] : memref<2x200x128xf32, #tpu.memory_space<vmem>> -> memref<1x200x128xf32, #tpu.memory_space<vmem>>
    %dma_wait3A_118 = tpu.memref_squeeze %dma_wait3A_117 : memref<1x200x128xf32, #tpu.memory_space<vmem>> -> memref<200x128xf32, #tpu.memory_space<vmem>>
    %dma_wait3A_119 = arith.constant 200 : i32
    %dma_wait3A_120 = tpu.memref_slice %arg2[%dma_wait3A_119, %add3A_4] : memref<1000x16384xf32, #tpu.memory_space<hbm>> -> memref<200x128xf32, #tpu.memory_space<hbm>>
    tpu.wait_dma2 semaphore(%arg9 : memref<!tpu.dma_semaphore, #tpu.memory_space<semaphore_mem>>) src(%dma_wait3A_120 : memref<200x128xf32, #tpu.memory_space<hbm>>) dst(%dma_wait3A_118 : memref<200x128xf32, #tpu.memory_space<vmem>>)
    %dma_start3A_121 = arith.constant 0 : i32
    %dma_start3A_122 = arith.constant 0 : i32
    %dma_start3A_123 = arith.constant 0 : i32
    %dma_start3A_124 = tpu.memref_slice %arg6[%dma_start3A_121, %dma_start3A_122, %dma_start3A_123] : memref<2x200x128xf32, #tpu.memory_space<vmem>> -> memref<1x200x128xf32, #tpu.memory_space<vmem>>
    %dma_start3A_125 = tpu.memref_squeeze %dma_start3A_124 : memref<1x200x128xf32, #tpu.memory_space<vmem>> -> memref<200x128xf32, #tpu.memory_space<vmem>>
    %dma_start3A_126 = arith.constant 400 : i32
    %dma_start3A_127 = tpu.memref_slice %arg2[%dma_start3A_126, %add3A_4] : memref<1000x16384xf32, #tpu.memory_space<hbm>> -> memref<200x128xf32, #tpu.memory_space<hbm>>
    %dma_start3A_128 = arith.constant 0 : i32
    %dma_start3A_129 = arith.constant 0 : i32
    %dma_start3A_130 = tpu.memref_slice %arg6[%dma_start3A_121, %dma_start3A_128, %dma_start3A_129] : memref<2x200x128xf32, #tpu.memory_space<vmem>> -> memref<1x200x128xf32, #tpu.memory_space<vmem>>
    %dma_start3A_131 = tpu.memref_squeeze %dma_start3A_130 : memref<1x200x128xf32, #tpu.memory_space<vmem>> -> memref<200x128xf32, #tpu.memory_space<vmem>>
    %dma_start3A_132 = arith.constant 400 : i32
    %dma_start3A_133 = tpu.memref_slice %arg2[%dma_start3A_132, %add3A_4] : memref<1000x16384xf32, #tpu.memory_space<hbm>> -> memref<200x128xf32, #tpu.memory_space<hbm>>
    tpu.enqueue_dma source(%dma_start3A_133 : memref<200x128xf32, #tpu.memory_space<hbm>>) target(%dma_start3A_131 : memref<200x128xf32, #tpu.memory_space<vmem>>) target_semaphore(%arg8 : memref<!tpu.dma_semaphore, #tpu.memory_space<semaphore_mem>>)
    %scan3A_134 = arith.constant 0 : i32
    %scan3A_135 = arith.constant 200 : i32
    %scan3A_136 = arith.addi %scan3A_134, %scan3A_135 : i32
    %scan3A_137 = arith.constant 1 : i32
    %scan3A_138:8 = scf.for %scan3A_851 = %scan3A_134 to %scan3A_136 step %scan3A_137 iter_args(%scan3A_852 = %broadcast_in_dim3A_28, %scan3A_853 = %broadcast_in_dim3A_28, %scan3A_854 = %broadcast_in_dim3A_28, %scan3A_855 = %broadcast_in_dim3A_28, %scan3A_856 = %broadcast_in_dim3A_28, %scan3A_857 = %broadcast_in_dim3A_28, %scan3A_858 = %broadcast_in_dim3A_28, %scan3A_859 = %broadcast_in_dim3A_28) -> (vector<16xf32>, vector<16xf32>, vector<16xf32>, vector<16xf32>, vector<16xf32>, vector<16xf32>, vector<16xf32>, vector<16xf32>)  : i32 {
      %get3A_860 = arith.constant 1 : i32
      %get3A_861 = arith.index_cast %get3A_860 : i32 to index
      %get3A_862 = arith.index_cast %scan3A_851 : i32 to index
      %get3A_863 = arith.constant 0 : index
      %get3A_864 = tpu.vector_load %arg6[%get3A_861, %get3A_862, %get3A_863] {strides = array<i32>} : memref<2x200x128xf32, #tpu.memory_space<vmem>>, vector<1x1x16xf32>,
      %get3A_865 = vector.shape_cast %get3A_864 : vector<1x1x16xf32> to vector<16xf32>
      %max3A_866 = arith.maximumf %scan3A_852, %get3A_865 : vector<16xf32>
      %get3A_867 = arith.constant 1 : i32
      %get3A_868 = arith.index_cast %get3A_867 : i32 to index
      %get3A_869 = arith.index_cast %scan3A_851 : i32 to index
      %get3A_870 = arith.constant 16 : index
      %get3A_871 = tpu.vector_load %arg6[%get3A_868, %get3A_869, %get3A_870] {strides = array<i32>} : memref<2x200x128xf32, #tpu.memory_space<vmem>>, vector<1x1x16xf32>,
      %get3A_872 = vector.shape_cast %get3A_871 : vector<1x1x16xf32> to vector<16xf32>
      %max3A_873 = arith.maximumf %scan3A_853, %get3A_872 : vector<16xf32>
      %get3A_874 = arith.constant 1 : i32
      %get3A_875 = arith.index_cast %get3A_874 : i32 to index
      %get3A_876 = arith.index_cast %scan3A_851 : i32 to index
      %get3A_877 = arith.constant 32 : index
      %get3A_878 = tpu.vector_load %arg6[%get3A_875, %get3A_876, %get3A_877] {strides = array<i32>} : memref<2x200x128xf32, #tpu.memory_space<vmem>>, vector<1x1x16xf32>,
      %get3A_879 = vector.shape_cast %get3A_878 : vector<1x1x16xf32> to vector<16xf32>
      %max3A_880 = arith.maximumf %scan3A_854, %get3A_879 : vector<16xf32>
      %get3A_881 = arith.constant 1 : i32
      %get3A_882 = arith.index_cast %get3A_881 : i32 to index
      %get3A_883 = arith.index_cast %scan3A_851 : i32 to index
      %get3A_884 = arith.constant 48 : index
      %get3A_885 = tpu.vector_load %arg6[%get3A_882, %get3A_883, %get3A_884] {strides = array<i32>} : memref<2x200x128xf32, #tpu.memory_space<vmem>>, vector<1x1x16xf32>,
      %get3A_886 = vector.shape_cast %get3A_885 : vector<1x1x16xf32> to vector<16xf32>
      %max3A_887 = arith.maximumf %scan3A_855, %get3A_886 : vector<16xf32>
      %get3A_888 = arith.constant 1 : i32
      %get3A_889 = arith.index_cast %get3A_888 : i32 to index
      %get3A_890 = arith.index_cast %scan3A_851 : i32 to index
      %get3A_891 = arith.constant 64 : index
      %get3A_892 = tpu.vector_load %arg6[%get3A_889, %get3A_890, %get3A_891] {strides = array<i32>} : memref<2x200x128xf32, #tpu.memory_space<vmem>>, vector<1x1x16xf32>,
      %get3A_893 = vector.shape_cast %get3A_892 : vector<1x1x16xf32> to vector<16xf32>
      %max3A_894 = arith.maximumf %scan3A_856, %get3A_893 : vector<16xf32>
      %get3A_895 = arith.constant 1 : i32
      %get3A_896 = arith.index_cast %get3A_895 : i32 to index
      %get3A_897 = arith.index_cast %scan3A_851 : i32 to index
      %get3A_898 = arith.constant 80 : index
      %get3A_899 = tpu.vector_load %arg6[%get3A_896, %get3A_897, %get3A_898] {strides = array<i32>} : memref<2x200x128xf32, #tpu.memory_space<vmem>>, vector<1x1x16xf32>,
      %get3A_900 = vector.shape_cast %get3A_899 : vector<1x1x16xf32> to vector<16xf32>
      %max3A_901 = arith.maximumf %scan3A_857, %get3A_900 : vector<16xf32>
      %get3A_902 = arith.constant 1 : i32
      %get3A_903 = arith.index_cast %get3A_902 : i32 to index
      %get3A_904 = arith.index_cast %scan3A_851 : i32 to index
      %get3A_905 = arith.constant 96 : index
      %get3A_906 = tpu.vector_load %arg6[%get3A_903, %get3A_904, %get3A_905] {strides = array<i32>} : memref<2x200x128xf32, #tpu.memory_space<vmem>>, vector<1x1x16xf32>,
      %get3A_907 = vector.shape_cast %get3A_906 : vector<1x1x16xf32> to vector<16xf32>
      %max3A_908 = arith.maximumf %scan3A_858, %get3A_907 : vector<16xf32>
      %get3A_909 = arith.constant 1 : i32
      %get3A_910 = arith.index_cast %get3A_909 : i32 to index
      %get3A_911 = arith.index_cast %scan3A_851 : i32 to index
      %get3A_912 = arith.constant 112 : index
      %get3A_913 = tpu.vector_load %arg6[%get3A_910, %get3A_911, %get3A_912] {strides = array<i32>} : memref<2x200x128xf32, #tpu.memory_space<vmem>>, vector<1x1x16xf32>,
      %get3A_914 = vector.shape_cast %get3A_913 : vector<1x1x16xf32> to vector<16xf32>
      %max3A_915 = arith.maximumf %scan3A_859, %get3A_914 : vector<16xf32>
      scf.yield %max3A_866, %max3A_873, %max3A_880, %max3A_887, %max3A_894, %max3A_901, %max3A_908, %max3A_915 : vector<16xf32>, vector<16xf32>, vector<16xf32>, vector<16xf32>, vector<16xf32>, vector<16xf32>, vector<16xf32>, vector<16xf32>
    }
    %scan3A_139 = arith.constant 200 : i32
    %max3A_140 = arith.maximumf %max3A, %scan3A_138#0 : vector<16xf32>
    %max3A_141 = arith.maximumf %max3A_73, %scan3A_138#1 : vector<16xf32>
    %max3A_142 = arith.maximumf %max3A_74, %scan3A_138#2 : vector<16xf32>
    %max3A_143 = arith.maximumf %max3A_75, %scan3A_138#3 : vector<16xf32>
    %max3A_144 = arith.maximumf %max3A_76, %scan3A_138#4 : vector<16xf32>
    %max3A_145 = arith.maximumf %max3A_77, %scan3A_138#5 : vector<16xf32>
    %max3A_146 = arith.maximumf %max3A_78, %scan3A_138#6 : vector<16xf32>
    %max3A_147 = arith.maximumf %max3A_79, %scan3A_138#7 : vector<16xf32>
    %sub3A_148 = arith.subf %max3A, %max3A_140 : vector<16xf32>
    %exp3A_149 = math.exp %sub3A_148 : vector<16xf32>
    %mul3A_150 = arith.mulf %scan3A_106#0, %exp3A_149 : vector<16xf32>
    %sub3A_151 = arith.subf %max3A_73, %max3A_141 : vector<16xf32>
    %exp3A_152 = math.exp %sub3A_151 : vector<16xf32>
    %mul3A_153 = arith.mulf %scan3A_106#1, %exp3A_152 : vector<16xf32>
    %sub3A_154 = arith.subf %max3A_74, %max3A_142 : vector<16xf32>
    %exp3A_155 = math.exp %sub3A_154 : vector<16xf32>
    %mul3A_156 = arith.mulf %scan3A_106#2, %exp3A_155 : vector<16xf32>
    %sub3A_157 = arith.subf %max3A_75, %max3A_143 : vector<16xf32>
    %exp3A_158 = math.exp %sub3A_157 : vector<16xf32>
    %mul3A_159 = arith.mulf %scan3A_106#3, %exp3A_158 : vector<16xf32>
    %sub3A_160 = arith.subf %max3A_76, %max3A_144 : vector<16xf32>
    %exp3A_161 = math.exp %sub3A_160 : vector<16xf32>
    %mul3A_162 = arith.mulf %scan3A_106#4, %exp3A_161 : vector<16xf32>
    %sub3A_163 = arith.subf %max3A_77, %max3A_145 : vector<16xf32>
    %exp3A_164 = math.exp %sub3A_163 : vector<16xf32>
    %mul3A_165 = arith.mulf %scan3A_106#5, %exp3A_164 : vector<16xf32>
    %sub3A_166 = arith.subf %max3A_78, %max3A_146 : vector<16xf32>
    %exp3A_167 = math.exp %sub3A_166 : vector<16xf32>
    %mul3A_168 = arith.mulf %scan3A_106#6, %exp3A_167 : vector<16xf32>
    %sub3A_169 = arith.subf %max3A_79, %max3A_147 : vector<16xf32>
    %exp3A_170 = math.exp %sub3A_169 : vector<16xf32>
    %mul3A_171 = arith.mulf %scan3A_106#7, %exp3A_170 : vector<16xf32>
    %scan3A_172 = arith.constant 0 : i32
    %scan3A_173 = arith.constant 200 : i32
    %scan3A_174 = arith.addi %scan3A_172, %scan3A_173 : i32
    %scan3A_175 = arith.constant 1 : i32
    %scan3A_176:24 = scf.for %scan3A_851 = %scan3A_172 to %scan3A_174 step %scan3A_175 iter_args(%scan3A_852 = %mul3A_150, %scan3A_853 = %mul3A_153, %scan3A_854 = %mul3A_156, %scan3A_855 = %mul3A_159, %scan3A_856 = %mul3A_162, %scan3A_857 = %mul3A_165, %scan3A_858 = %mul3A_168, %scan3A_859 = %mul3A_171, %scan3A_860 = %scan3A_106#8, %scan3A_861 = %scan3A_106#9, %scan3A_862 = %scan3A_106#10, %scan3A_863 = %scan3A_106#11, %scan3A_864 = %scan3A_106#12, %scan3A_865 = %scan3A_106#13, %scan3A_866 = %scan3A_106#14, %scan3A_867 = %scan3A_106#15, %scan3A_868 = %scan3A_106#16, %scan3A_869 = %scan3A_106#17, %scan3A_870 = %scan3A_106#18, %scan3A_871 = %scan3A_106#19, %scan3A_872 = %scan3A_106#20, %scan3A_873 = %scan3A_106#21, %scan3A_874 = %scan3A_106#22, %scan3A_875 = %scan3A_106#23) -> (vector<16xf32>, vector<16xf32>, vector<16xf32>, vector<16xf32>, vector<16xf32>, vector<16xf32>, vector<16xf32>, vector<16xf32>, vector<16xf32>, vector<16xf32>, vector<16xf32>, vector<16xf32>, vector<16xf32>, vector<16xf32>, vector<16xf32>, vector<16xf32>, vector<16xf32>, vector<16xf32>, vector<16xf32>, vector<16xf32>, vector<16xf32>, vector<16xf32>, vector<16xf32>, vector<16xf32>)  : i32 {
      %broadcast_in_dim3A_876 = arith.constant 200 : i32
      %broadcast_in_dim3A_877 = vector.broadcast %broadcast_in_dim3A_876 : i32 to vector<16xi32>
      %add3A_878 = vector.broadcast %scan3A_851 : i32 to vector<16xi32>
      %add3A_879 = arith.addi %broadcast_in_dim3A_877, %add3A_878 : vector<16xi32>
      %get3A_880 = arith.constant 1 : i32
      %get3A_881 = arith.index_cast %get3A_880 : i32 to index
      %get3A_882 = arith.index_cast %scan3A_851 : i32 to index
      %get3A_883 = arith.constant 0 : index
      %get3A_884 = tpu.vector_load %arg6[%get3A_881, %get3A_882, %get3A_883] {strides = array<i32>} : memref<2x200x128xf32, #tpu.memory_space<vmem>>, vector<1x1x16xf32>,
      %get3A_885 = vector.shape_cast %get3A_884 : vector<1x1x16xf32> to vector<16xf32>
      %sub3A_886 = arith.subf %get3A_885, %max3A_140 : vector<16xf32>
      %exp3A_887 = math.exp %sub3A_886 : vector<16xf32>
      %add3A_888 = arith.addf %scan3A_852, %exp3A_887 : vector<16xf32>
      %add3A_889 = arith.addf %scan3A_860, %get3A_885 : vector<16xf32>
      %eq3A = arith.cmpi eq, %add3A_879, %get3A_6 : vector<16xi32>
      %jit3A = arith.constant 0.000000e+00 : f32
      %broadcast_in_dim3A_890 = vector.broadcast %jit3A : f32 to vector<16xf32>
      %select_n3A = arith.select %eq3A, %get3A_885, %broadcast_in_dim3A_890 : vector<16xi1>, vector<16xf32>
      %add3A_891 = arith.addf %scan3A_868, %select_n3A : vector<16xf32>
      %get3A_892 = arith.constant 1 : i32
      %get3A_893 = arith.index_cast %get3A_892 : i32 to index
      %get3A_894 = arith.index_cast %scan3A_851 : i32 to index
      %get3A_895 = arith.constant 16 : index
      %get3A_896 = tpu.vector_load %arg6[%get3A_893, %get3A_894, %get3A_895] {strides = array<i32>} : memref<2x200x128xf32, #tpu.memory_space<vmem>>, vector<1x1x16xf32>,
      %get3A_897 = vector.shape_cast %get3A_896 : vector<1x1x16xf32> to vector<16xf32>
      %sub3A_898 = arith.subf %get3A_897, %max3A_141 : vector<16xf32>
      %exp3A_899 = math.exp %sub3A_898 : vector<16xf32>
      %add3A_900 = arith.addf %scan3A_853, %exp3A_899 : vector<16xf32>
      %add3A_901 = arith.addf %scan3A_861, %get3A_897 : vector<16xf32>
      %eq3A_902 = arith.cmpi eq, %add3A_879, %get3A_9 : vector<16xi32>
      %jit3A_903 = arith.constant 0.000000e+00 : f32
      %broadcast_in_dim3A_904 = vector.broadcast %jit3A_903 : f32 to vector<16xf32>
      %select_n3A_905 = arith.select %eq3A_902, %get3A_897, %broadcast_in_dim3A_904 : vector<16xi1>, vector<16xf32>
      %add3A_906 = arith.addf %scan3A_869, %select_n3A_905 : vector<16xf32>
      %get3A_907 = arith.constant 1 : i32
      %get3A_908 = arith.index_cast %get3A_907 : i32 to index
      %get3A_909 = arith.index_cast %scan3A_851 : i32 to index
      %get3A_910 = arith.constant 32 : index
      %get3A_911 = tpu.vector_load %arg6[%get3A_908, %get3A_909, %get3A_910] {strides = array<i32>} : memref<2x200x128xf32, #tpu.memory_space<vmem>>, vector<1x1x16xf32>,
      %get3A_912 = vector.shape_cast %get3A_911 : vector<1x1x16xf32> to vector<16xf32>
      %sub3A_913 = arith.subf %get3A_912, %max3A_142 : vector<16xf32>
      %exp3A_914 = math.exp %sub3A_913 : vector<16xf32>
      %add3A_915 = arith.addf %scan3A_854, %exp3A_914 : vector<16xf32>
      %add3A_916 = arith.addf %scan3A_862, %get3A_912 : vector<16xf32>
      %eq3A_917 = arith.cmpi eq, %add3A_879, %get3A_12 : vector<16xi32>
      %jit3A_918 = arith.constant 0.000000e+00 : f32
      %broadcast_in_dim3A_919 = vector.broadcast %jit3A_918 : f32 to vector<16xf32>
      %select_n3A_920 = arith.select %eq3A_917, %get3A_912, %broadcast_in_dim3A_919 : vector<16xi1>, vector<16xf32>
      %add3A_921 = arith.addf %scan3A_870, %select_n3A_920 : vector<16xf32>
      %get3A_922 = arith.constant 1 : i32
      %get3A_923 = arith.index_cast %get3A_922 : i32 to index
      %get3A_924 = arith.index_cast %scan3A_851 : i32 to index
      %get3A_925 = arith.constant 48 : index
      %get3A_926 = tpu.vector_load %arg6[%get3A_923, %get3A_924, %get3A_925] {strides = array<i32>} : memref<2x200x128xf32, #tpu.memory_space<vmem>>, vector<1x1x16xf32>,
      %get3A_927 = vector.shape_cast %get3A_926 : vector<1x1x16xf32> to vector<16xf32>
      %sub3A_928 = arith.subf %get3A_927, %max3A_143 : vector<16xf32>
      %exp3A_929 = math.exp %sub3A_928 : vector<16xf32>
      %add3A_930 = arith.addf %scan3A_855, %exp3A_929 : vector<16xf32>
      %add3A_931 = arith.addf %scan3A_863, %get3A_927 : vector<16xf32>
      %eq3A_932 = arith.cmpi eq, %add3A_879, %get3A_15 : vector<16xi32>
      %jit3A_933 = arith.constant 0.000000e+00 : f32
      %broadcast_in_dim3A_934 = vector.broadcast %jit3A_933 : f32 to vector<16xf32>
      %select_n3A_935 = arith.select %eq3A_932, %get3A_927, %broadcast_in_dim3A_934 : vector<16xi1>, vector<16xf32>
      %add3A_936 = arith.addf %scan3A_871, %select_n3A_935 : vector<16xf32>
      %get3A_937 = arith.constant 1 : i32
      %get3A_938 = arith.index_cast %get3A_937 : i32 to index
      %get3A_939 = arith.index_cast %scan3A_851 : i32 to index
      %get3A_940 = arith.constant 64 : index
      %get3A_941 = tpu.vector_load %arg6[%get3A_938, %get3A_939, %get3A_940] {strides = array<i32>} : memref<2x200x128xf32, #tpu.memory_space<vmem>>, vector<1x1x16xf32>,
      %get3A_942 = vector.shape_cast %get3A_941 : vector<1x1x16xf32> to vector<16xf32>
      %sub3A_943 = arith.subf %get3A_942, %max3A_144 : vector<16xf32>
      %exp3A_944 = math.exp %sub3A_943 : vector<16xf32>
      %add3A_945 = arith.addf %scan3A_856, %exp3A_944 : vector<16xf32>
      %add3A_946 = arith.addf %scan3A_864, %get3A_942 : vector<16xf32>
      %eq3A_947 = arith.cmpi eq, %add3A_879, %get3A_18 : vector<16xi32>
      %jit3A_948 = arith.constant 0.000000e+00 : f32
      %broadcast_in_dim3A_949 = vector.broadcast %jit3A_948 : f32 to vector<16xf32>
      %select_n3A_950 = arith.select %eq3A_947, %get3A_942, %broadcast_in_dim3A_949 : vector<16xi1>, vector<16xf32>
      %add3A_951 = arith.addf %scan3A_872, %select_n3A_950 : vector<16xf32>
      %get3A_952 = arith.constant 1 : i32
      %get3A_953 = arith.index_cast %get3A_952 : i32 to index
      %get3A_954 = arith.index_cast %scan3A_851 : i32 to index
      %get3A_955 = arith.constant 80 : index
      %get3A_956 = tpu.vector_load %arg6[%get3A_953, %get3A_954, %get3A_955] {strides = array<i32>} : memref<2x200x128xf32, #tpu.memory_space<vmem>>, vector<1x1x16xf32>,
      %get3A_957 = vector.shape_cast %get3A_956 : vector<1x1x16xf32> to vector<16xf32>
      %sub3A_958 = arith.subf %get3A_957, %max3A_145 : vector<16xf32>
      %exp3A_959 = math.exp %sub3A_958 : vector<16xf32>
      %add3A_960 = arith.addf %scan3A_857, %exp3A_959 : vector<16xf32>
      %add3A_961 = arith.addf %scan3A_865, %get3A_957 : vector<16xf32>
      %eq3A_962 = arith.cmpi eq, %add3A_879, %get3A_21 : vector<16xi32>
      %jit3A_963 = arith.constant 0.000000e+00 : f32
      %broadcast_in_dim3A_964 = vector.broadcast %jit3A_963 : f32 to vector<16xf32>
      %select_n3A_965 = arith.select %eq3A_962, %get3A_957, %broadcast_in_dim3A_964 : vector<16xi1>, vector<16xf32>
      %add3A_966 = arith.addf %scan3A_873, %select_n3A_965 : vector<16xf32>
      %get3A_967 = arith.constant 1 : i32
      %get3A_968 = arith.index_cast %get3A_967 : i32 to index
      %get3A_969 = arith.index_cast %scan3A_851 : i32 to index
      %get3A_970 = arith.constant 96 : index
      %get3A_971 = tpu.vector_load %arg6[%get3A_968, %get3A_969, %get3A_970] {strides = array<i32>} : memref<2x200x128xf32, #tpu.memory_space<vmem>>, vector<1x1x16xf32>,
      %get3A_972 = vector.shape_cast %get3A_971 : vector<1x1x16xf32> to vector<16xf32>
      %sub3A_973 = arith.subf %get3A_972, %max3A_146 : vector<16xf32>
      %exp3A_974 = math.exp %sub3A_973 : vector<16xf32>
      %add3A_975 = arith.addf %scan3A_858, %exp3A_974 : vector<16xf32>
      %add3A_976 = arith.addf %scan3A_866, %get3A_972 : vector<16xf32>
      %eq3A_977 = arith.cmpi eq, %add3A_879, %get3A_24 : vector<16xi32>
      %jit3A_978 = arith.constant 0.000000e+00 : f32
      %broadcast_in_dim3A_979 = vector.broadcast %jit3A_978 : f32 to vector<16xf32>
      %select_n3A_980 = arith.select %eq3A_977, %get3A_972, %broadcast_in_dim3A_979 : vector<16xi1>, vector<16xf32>
      %add3A_981 = arith.addf %scan3A_874, %select_n3A_980 : vector<16xf32>
      %get3A_982 = arith.constant 1 : i32
      %get3A_983 = arith.index_cast %get3A_982 : i32 to index
      %get3A_984 = arith.index_cast %scan3A_851 : i32 to index
      %get3A_985 = arith.constant 112 : index
      %get3A_986 = tpu.vector_load %arg6[%get3A_983, %get3A_984, %get3A_985] {strides = array<i32>} : memref<2x200x128xf32, #tpu.memory_space<vmem>>, vector<1x1x16xf32>,
      %get3A_987 = vector.shape_cast %get3A_986 : vector<1x1x16xf32> to vector<16xf32>
      %sub3A_988 = arith.subf %get3A_987, %max3A_147 : vector<16xf32>
      %exp3A_989 = math.exp %sub3A_988 : vector<16xf32>
      %add3A_990 = arith.addf %scan3A_859, %exp3A_989 : vector<16xf32>
      %add3A_991 = arith.addf %scan3A_867, %get3A_987 : vector<16xf32>
      %eq3A_992 = arith.cmpi eq, %add3A_879, %get3A_27 : vector<16xi32>
      %jit3A_993 = arith.constant 0.000000e+00 : f32
      %broadcast_in_dim3A_994 = vector.broadcast %jit3A_993 : f32 to vector<16xf32>
      %select_n3A_995 = arith.select %eq3A_992, %get3A_987, %broadcast_in_dim3A_994 : vector<16xi1>, vector<16xf32>
      %add3A_996 = arith.addf %scan3A_875, %select_n3A_995 : vector<16xf32>
      scf.yield %add3A_888, %add3A_900, %add3A_915, %add3A_930, %add3A_945, %add3A_960, %add3A_975, %add3A_990, %add3A_889, %add3A_901, %add3A_916, %add3A_931, %add3A_946, %add3A_961, %add3A_976, %add3A_991, %add3A_891, %add3A_906, %add3A_921, %add3A_936, %add3A_951, %add3A_966, %add3A_981, %add3A_996 : vector<16xf32>, vector<16xf32>, vector<16xf32>, vector<16xf32>, vector<16xf32>, vector<16xf32>, vector<16xf32>, vector<16xf32>, vector<16xf32>, vector<16xf32>, vector<16xf32>, vector<16xf32>, vector<16xf32>, vector<16xf32>, vector<16xf32>, vector<16xf32>, vector<16xf32>, vector<16xf32>, vector<16xf32>, vector<16xf32>, vector<16xf32>, vector<16xf32>, vector<16xf32>, vector<16xf32>
    }
    %scan3A_177 = arith.constant 200 : i32
    %dma_wait3A_178 = arith.constant 0 : i32
    %dma_wait3A_179 = arith.constant 0 : i32
    %dma_wait3A_180 = arith.constant 0 : i32
    %dma_wait3A_181 = tpu.memref_slice %arg6[%dma_wait3A_178, %dma_wait3A_179, %dma_wait3A_180] : memref<2x200x128xf32, #tpu.memory_space<vmem>> -> memref<1x200x128xf32, #tpu.memory_space<vmem>>
    %dma_wait3A_182 = tpu.memref_squeeze %dma_wait3A_181 : memref<1x200x128xf32, #tpu.memory_space<vmem>> -> memref<200x128xf32, #tpu.memory_space<vmem>>
    %dma_wait3A_183 = arith.constant 400 : i32
    %dma_wait3A_184 = tpu.memref_slice %arg2[%dma_wait3A_183, %add3A_4] : memref<1000x16384xf32, #tpu.memory_space<hbm>> -> memref<200x128xf32, #tpu.memory_space<hbm>>
    %dma_wait3A_185 = arith.constant 0 : i32
    %dma_wait3A_186 = arith.constant 0 : i32
    %dma_wait3A_187 = tpu.memref_slice %arg6[%dma_wait3A_178, %dma_wait3A_185, %dma_wait3A_186] : memref<2x200x128xf32, #tpu.memory_space<vmem>> -> memref<1x200x128xf32, #tpu.memory_space<vmem>>
    %dma_wait3A_188 = tpu.memref_squeeze %dma_wait3A_187 : memref<1x200x128xf32, #tpu.memory_space<vmem>> -> memref<200x128xf32, #tpu.memory_space<vmem>>
    %dma_wait3A_189 = arith.constant 400 : i32
    %dma_wait3A_190 = tpu.memref_slice %arg2[%dma_wait3A_189, %add3A_4] : memref<1000x16384xf32, #tpu.memory_space<hbm>> -> memref<200x128xf32, #tpu.memory_space<hbm>>
    tpu.wait_dma2 semaphore(%arg8 : memref<!tpu.dma_semaphore, #tpu.memory_space<semaphore_mem>>) src(%dma_wait3A_190 : memref<200x128xf32, #tpu.memory_space<hbm>>) dst(%dma_wait3A_188 : memref<200x128xf32, #tpu.memory_space<vmem>>)
    %dma_start3A_191 = arith.constant 1 : i32
    %dma_start3A_192 = arith.constant 0 : i32
    %dma_start3A_193 = arith.constant 0 : i32
    %dma_start3A_194 = tpu.memref_slice %arg6[%dma_start3A_191, %dma_start3A_192, %dma_start3A_193] : memref<2x200x128xf32, #tpu.memory_space<vmem>> -> memref<1x200x128xf32, #tpu.memory_space<vmem>>
    %dma_start3A_195 = tpu.memref_squeeze %dma_start3A_194 : memref<1x200x128xf32, #tpu.memory_space<vmem>> -> memref<200x128xf32, #tpu.memory_space<vmem>>
    %dma_start3A_196 = arith.constant 600 : i32
    %dma_start3A_197 = tpu.memref_slice %arg2[%dma_start3A_196, %add3A_4] : memref<1000x16384xf32, #tpu.memory_space<hbm>> -> memref<200x128xf32, #tpu.memory_space<hbm>>
    %dma_start3A_198 = arith.constant 0 : i32
    %dma_start3A_199 = arith.constant 0 : i32
    %dma_start3A_200 = tpu.memref_slice %arg6[%dma_start3A_191, %dma_start3A_198, %dma_start3A_199] : memref<2x200x128xf32, #tpu.memory_space<vmem>> -> memref<1x200x128xf32, #tpu.memory_space<vmem>>
    %dma_start3A_201 = tpu.memref_squeeze %dma_start3A_200 : memref<1x200x128xf32, #tpu.memory_space<vmem>> -> memref<200x128xf32, #tpu.memory_space<vmem>>
    %dma_start3A_202 = arith.constant 600 : i32
    %dma_start3A_203 = tpu.memref_slice %arg2[%dma_start3A_202, %add3A_4] : memref<1000x16384xf32, #tpu.memory_space<hbm>> -> memref<200x128xf32, #tpu.memory_space<hbm>>
    tpu.enqueue_dma source(%dma_start3A_203 : memref<200x128xf32, #tpu.memory_space<hbm>>) target(%dma_start3A_201 : memref<200x128xf32, #tpu.memory_space<vmem>>) target_semaphore(%arg9 : memref<!tpu.dma_semaphore, #tpu.memory_space<semaphore_mem>>)
    %scan3A_204 = arith.constant 0 : i32
    %scan3A_205 = arith.constant 200 : i32
    %scan3A_206 = arith.addi %scan3A_204, %scan3A_205 : i32
    %scan3A_207 = arith.constant 1 : i32
    %scan3A_208:8 = scf.for %scan3A_851 = %scan3A_204 to %scan3A_206 step %scan3A_207 iter_args(%scan3A_852 = %broadcast_in_dim3A_28, %scan3A_853 = %broadcast_in_dim3A_28, %scan3A_854 = %broadcast_in_dim3A_28, %scan3A_855 = %broadcast_in_dim3A_28, %scan3A_856 = %broadcast_in_dim3A_28, %scan3A_857 = %broadcast_in_dim3A_28, %scan3A_858 = %broadcast_in_dim3A_28, %scan3A_859 = %broadcast_in_dim3A_28) -> (vector<16xf32>, vector<16xf32>, vector<16xf32>, vector<16xf32>, vector<16xf32>, vector<16xf32>, vector<16xf32>, vector<16xf32>)  : i32 {
      %get3A_860 = arith.constant 0 : i32
      %get3A_861 = arith.index_cast %get3A_860 : i32 to index
      %get3A_862 = arith.index_cast %scan3A_851 : i32 to index
      %get3A_863 = arith.constant 0 : index
      %get3A_864 = tpu.vector_load %arg6[%get3A_861, %get3A_862, %get3A_863] {strides = array<i32>} : memref<2x200x128xf32, #tpu.memory_space<vmem>>, vector<1x1x16xf32>,
      %get3A_865 = vector.shape_cast %get3A_864 : vector<1x1x16xf32> to vector<16xf32>
      %max3A_866 = arith.maximumf %scan3A_852, %get3A_865 : vector<16xf32>
      %get3A_867 = arith.constant 0 : i32
      %get3A_868 = arith.index_cast %get3A_867 : i32 to index
      %get3A_869 = arith.index_cast %scan3A_851 : i32 to index
      %get3A_870 = arith.constant 16 : index
      %get3A_871 = tpu.vector_load %arg6[%get3A_868, %get3A_869, %get3A_870] {strides = array<i32>} : memref<2x200x128xf32, #tpu.memory_space<vmem>>, vector<1x1x16xf32>,
      %get3A_872 = vector.shape_cast %get3A_871 : vector<1x1x16xf32> to vector<16xf32>
      %max3A_873 = arith.maximumf %scan3A_853, %get3A_872 : vector<16xf32>
      %get3A_874 = arith.constant 0 : i32
      %get3A_875 = arith.index_cast %get3A_874 : i32 to index
      %get3A_876 = arith.index_cast %scan3A_851 : i32 to index
      %get3A_877 = arith.constant 32 : index
      %get3A_878 = tpu.vector_load %arg6[%get3A_875, %get3A_876, %get3A_877] {strides = array<i32>} : memref<2x200x128xf32, #tpu.memory_space<vmem>>, vector<1x1x16xf32>,
      %get3A_879 = vector.shape_cast %get3A_878 : vector<1x1x16xf32> to vector<16xf32>
      %max3A_880 = arith.maximumf %scan3A_854, %get3A_879 : vector<16xf32>
      %get3A_881 = arith.constant 0 : i32
      %get3A_882 = arith.index_cast %get3A_881 : i32 to index
      %get3A_883 = arith.index_cast %scan3A_851 : i32 to index
      %get3A_884 = arith.constant 48 : index
      %get3A_885 = tpu.vector_load %arg6[%get3A_882, %get3A_883, %get3A_884] {strides = array<i32>} : memref<2x200x128xf32, #tpu.memory_space<vmem>>, vector<1x1x16xf32>,
      %get3A_886 = vector.shape_cast %get3A_885 : vector<1x1x16xf32> to vector<16xf32>
      %max3A_887 = arith.maximumf %scan3A_855, %get3A_886 : vector<16xf32>
      %get3A_888 = arith.constant 0 : i32
      %get3A_889 = arith.index_cast %get3A_888 : i32 to index
      %get3A_890 = arith.index_cast %scan3A_851 : i32 to index
      %get3A_891 = arith.constant 64 : index
      %get3A_892 = tpu.vector_load %arg6[%get3A_889, %get3A_890, %get3A_891] {strides = array<i32>} : memref<2x200x128xf32, #tpu.memory_space<vmem>>, vector<1x1x16xf32>,
      %get3A_893 = vector.shape_cast %get3A_892 : vector<1x1x16xf32> to vector<16xf32>
      %max3A_894 = arith.maximumf %scan3A_856, %get3A_893 : vector<16xf32>
      %get3A_895 = arith.constant 0 : i32
      %get3A_896 = arith.index_cast %get3A_895 : i32 to index
      %get3A_897 = arith.index_cast %scan3A_851 : i32 to index
      %get3A_898 = arith.constant 80 : index
      %get3A_899 = tpu.vector_load %arg6[%get3A_896, %get3A_897, %get3A_898] {strides = array<i32>} : memref<2x200x128xf32, #tpu.memory_space<vmem>>, vector<1x1x16xf32>,
      %get3A_900 = vector.shape_cast %get3A_899 : vector<1x1x16xf32> to vector<16xf32>
      %max3A_901 = arith.maximumf %scan3A_857, %get3A_900 : vector<16xf32>
      %get3A_902 = arith.constant 0 : i32
      %get3A_903 = arith.index_cast %get3A_902 : i32 to index
      %get3A_904 = arith.index_cast %scan3A_851 : i32 to index
      %get3A_905 = arith.constant 96 : index
      %get3A_906 = tpu.vector_load %arg6[%get3A_903, %get3A_904, %get3A_905] {strides = array<i32>} : memref<2x200x128xf32, #tpu.memory_space<vmem>>, vector<1x1x16xf32>,
      %get3A_907 = vector.shape_cast %get3A_906 : vector<1x1x16xf32> to vector<16xf32>
      %max3A_908 = arith.maximumf %scan3A_858, %get3A_907 : vector<16xf32>
      %get3A_909 = arith.constant 0 : i32
      %get3A_910 = arith.index_cast %get3A_909 : i32 to index
      %get3A_911 = arith.index_cast %scan3A_851 : i32 to index
      %get3A_912 = arith.constant 112 : index
      %get3A_913 = tpu.vector_load %arg6[%get3A_910, %get3A_911, %get3A_912] {strides = array<i32>} : memref<2x200x128xf32, #tpu.memory_space<vmem>>, vector<1x1x16xf32>,
      %get3A_914 = vector.shape_cast %get3A_913 : vector<1x1x16xf32> to vector<16xf32>
      %max3A_915 = arith.maximumf %scan3A_859, %get3A_914 : vector<16xf32>
      scf.yield %max3A_866, %max3A_873, %max3A_880, %max3A_887, %max3A_894, %max3A_901, %max3A_908, %max3A_915 : vector<16xf32>, vector<16xf32>, vector<16xf32>, vector<16xf32>, vector<16xf32>, vector<16xf32>, vector<16xf32>, vector<16xf32>
    }
    %scan3A_209 = arith.constant 200 : i32
    %max3A_210 = arith.maximumf %max3A_140, %scan3A_208#0 : vector<16xf32>
    %max3A_211 = arith.maximumf %max3A_141, %scan3A_208#1 : vector<16xf32>
    %max3A_212 = arith.maximumf %max3A_142, %scan3A_208#2 : vector<16xf32>
    %max3A_213 = arith.maximumf %max3A_143, %scan3A_208#3 : vector<16xf32>
    %max3A_214 = arith.maximumf %max3A_144, %scan3A_208#4 : vector<16xf32>
    %max3A_215 = arith.maximumf %max3A_145, %scan3A_208#5 : vector<16xf32>
    %max3A_216 = arith.maximumf %max3A_146, %scan3A_208#6 : vector<16xf32>
    %max3A_217 = arith.maximumf %max3A_147, %scan3A_208#7 : vector<16xf32>
    %sub3A_218 = arith.subf %max3A_140, %max3A_210 : vector<16xf32>
    %exp3A_219 = math.exp %sub3A_218 : vector<16xf32>
    %mul3A_220 = arith.mulf %scan3A_176#0, %exp3A_219 : vector<16xf32>
    %sub3A_221 = arith.subf %max3A_141, %max3A_211 : vector<16xf32>
    %exp3A_222 = math.exp %sub3A_221 : vector<16xf32>
    %mul3A_223 = arith.mulf %scan3A_176#1, %exp3A_222 : vector<16xf32>
    %sub3A_224 = arith.subf %max3A_142, %max3A_212 : vector<16xf32>
    %exp3A_225 = math.exp %sub3A_224 : vector<16xf32>
    %mul3A_226 = arith.mulf %scan3A_176#2, %exp3A_225 : vector<16xf32>
    %sub3A_227 = arith.subf %max3A_143, %max3A_213 : vector<16xf32>
    %exp3A_228 = math.exp %sub3A_227 : vector<16xf32>
    %mul3A_229 = arith.mulf %scan3A_176#3, %exp3A_228 : vector<16xf32>
    %sub3A_230 = arith.subf %max3A_144, %max3A_214 : vector<16xf32>
    %exp3A_231 = math.exp %sub3A_230 : vector<16xf32>
    %mul3A_232 = arith.mulf %scan3A_176#4, %exp3A_231 : vector<16xf32>
    %sub3A_233 = arith.subf %max3A_145, %max3A_215 : vector<16xf32>
    %exp3A_234 = math.exp %sub3A_233 : vector<16xf32>
    %mul3A_235 = arith.mulf %scan3A_176#5, %exp3A_234 : vector<16xf32>
    %sub3A_236 = arith.subf %max3A_146, %max3A_216 : vector<16xf32>
    %exp3A_237 = math.exp %sub3A_236 : vector<16xf32>
    %mul3A_238 = arith.mulf %scan3A_176#6, %exp3A_237 : vector<16xf32>
    %sub3A_239 = arith.subf %max3A_147, %max3A_217 : vector<16xf32>
    %exp3A_240 = math.exp %sub3A_239 : vector<16xf32>
    %mul3A_241 = arith.mulf %scan3A_176#7, %exp3A_240 : vector<16xf32>
    %scan3A_242 = arith.constant 0 : i32
    %scan3A_243 = arith.constant 200 : i32
    %scan3A_244 = arith.addi %scan3A_242, %scan3A_243 : i32
    %scan3A_245 = arith.constant 1 : i32
    %scan3A_246:24 = scf.for %scan3A_851 = %scan3A_242 to %scan3A_244 step %scan3A_245 iter_args(%scan3A_852 = %mul3A_220, %scan3A_853 = %mul3A_223, %scan3A_854 = %mul3A_226, %scan3A_855 = %mul3A_229, %scan3A_856 = %mul3A_232, %scan3A_857 = %mul3A_235, %scan3A_858 = %mul3A_238, %scan3A_859 = %mul3A_241, %scan3A_860 = %scan3A_176#8, %scan3A_861 = %scan3A_176#9, %scan3A_862 = %scan3A_176#10, %scan3A_863 = %scan3A_176#11, %scan3A_864 = %scan3A_176#12, %scan3A_865 = %scan3A_176#13, %scan3A_866 = %scan3A_176#14, %scan3A_867 = %scan3A_176#15, %scan3A_868 = %scan3A_176#16, %scan3A_869 = %scan3A_176#17, %scan3A_870 = %scan3A_176#18, %scan3A_871 = %scan3A_176#19, %scan3A_872 = %scan3A_176#20, %scan3A_873 = %scan3A_176#21, %scan3A_874 = %scan3A_176#22, %scan3A_875 = %scan3A_176#23) -> (vector<16xf32>, vector<16xf32>, vector<16xf32>, vector<16xf32>, vector<16xf32>, vector<16xf32>, vector<16xf32>, vector<16xf32>, vector<16xf32>, vector<16xf32>, vector<16xf32>, vector<16xf32>, vector<16xf32>, vector<16xf32>, vector<16xf32>, vector<16xf32>, vector<16xf32>, vector<16xf32>, vector<16xf32>, vector<16xf32>, vector<16xf32>, vector<16xf32>, vector<16xf32>, vector<16xf32>)  : i32 {
      %broadcast_in_dim3A_876 = arith.constant 400 : i32
      %broadcast_in_dim3A_877 = vector.broadcast %broadcast_in_dim3A_876 : i32 to vector<16xi32>
      %add3A_878 = vector.broadcast %scan3A_851 : i32 to vector<16xi32>
      %add3A_879 = arith.addi %broadcast_in_dim3A_877, %add3A_878 : vector<16xi32>
      %get3A_880 = arith.constant 0 : i32
      %get3A_881 = arith.index_cast %get3A_880 : i32 to index
      %get3A_882 = arith.index_cast %scan3A_851 : i32 to index
      %get3A_883 = arith.constant 0 : index
      %get3A_884 = tpu.vector_load %arg6[%get3A_881, %get3A_882, %get3A_883] {strides = array<i32>} : memref<2x200x128xf32, #tpu.memory_space<vmem>>, vector<1x1x16xf32>,
      %get3A_885 = vector.shape_cast %get3A_884 : vector<1x1x16xf32> to vector<16xf32>
      %sub3A_886 = arith.subf %get3A_885, %max3A_210 : vector<16xf32>
      %exp3A_887 = math.exp %sub3A_886 : vector<16xf32>
      %add3A_888 = arith.addf %scan3A_852, %exp3A_887 : vector<16xf32>
      %add3A_889 = arith.addf %scan3A_860, %get3A_885 : vector<16xf32>
      %eq3A = arith.cmpi eq, %add3A_879, %get3A_6 : vector<16xi32>
      %jit3A = arith.constant 0.000000e+00 : f32
      %broadcast_in_dim3A_890 = vector.broadcast %jit3A : f32 to vector<16xf32>
      %select_n3A = arith.select %eq3A, %get3A_885, %broadcast_in_dim3A_890 : vector<16xi1>, vector<16xf32>
      %add3A_891 = arith.addf %scan3A_868, %select_n3A : vector<16xf32>
      %get3A_892 = arith.constant 0 : i32
      %get3A_893 = arith.index_cast %get3A_892 : i32 to index
      %get3A_894 = arith.index_cast %scan3A_851 : i32 to index
      %get3A_895 = arith.constant 16 : index
      %get3A_896 = tpu.vector_load %arg6[%get3A_893, %get3A_894, %get3A_895] {strides = array<i32>} : memref<2x200x128xf32, #tpu.memory_space<vmem>>, vector<1x1x16xf32>,
      %get3A_897 = vector.shape_cast %get3A_896 : vector<1x1x16xf32> to vector<16xf32>
      %sub3A_898 = arith.subf %get3A_897, %max3A_211 : vector<16xf32>
      %exp3A_899 = math.exp %sub3A_898 : vector<16xf32>
      %add3A_900 = arith.addf %scan3A_853, %exp3A_899 : vector<16xf32>
      %add3A_901 = arith.addf %scan3A_861, %get3A_897 : vector<16xf32>
      %eq3A_902 = arith.cmpi eq, %add3A_879, %get3A_9 : vector<16xi32>
      %jit3A_903 = arith.constant 0.000000e+00 : f32
      %broadcast_in_dim3A_904 = vector.broadcast %jit3A_903 : f32 to vector<16xf32>
      %select_n3A_905 = arith.select %eq3A_902, %get3A_897, %broadcast_in_dim3A_904 : vector<16xi1>, vector<16xf32>
      %add3A_906 = arith.addf %scan3A_869, %select_n3A_905 : vector<16xf32>
      %get3A_907 = arith.constant 0 : i32
      %get3A_908 = arith.index_cast %get3A_907 : i32 to index
      %get3A_909 = arith.index_cast %scan3A_851 : i32 to index
      %get3A_910 = arith.constant 32 : index
      %get3A_911 = tpu.vector_load %arg6[%get3A_908, %get3A_909, %get3A_910] {strides = array<i32>} : memref<2x200x128xf32, #tpu.memory_space<vmem>>, vector<1x1x16xf32>,
      %get3A_912 = vector.shape_cast %get3A_911 : vector<1x1x16xf32> to vector<16xf32>
      %sub3A_913 = arith.subf %get3A_912, %max3A_212 : vector<16xf32>
      %exp3A_914 = math.exp %sub3A_913 : vector<16xf32>
      %add3A_915 = arith.addf %scan3A_854, %exp3A_914 : vector<16xf32>
      %add3A_916 = arith.addf %scan3A_862, %get3A_912 : vector<16xf32>
      %eq3A_917 = arith.cmpi eq, %add3A_879, %get3A_12 : vector<16xi32>
      %jit3A_918 = arith.constant 0.000000e+00 : f32
      %broadcast_in_dim3A_919 = vector.broadcast %jit3A_918 : f32 to vector<16xf32>
      %select_n3A_920 = arith.select %eq3A_917, %get3A_912, %broadcast_in_dim3A_919 : vector<16xi1>, vector<16xf32>
      %add3A_921 = arith.addf %scan3A_870, %select_n3A_920 : vector<16xf32>
      %get3A_922 = arith.constant 0 : i32
      %get3A_923 = arith.index_cast %get3A_922 : i32 to index
      %get3A_924 = arith.index_cast %scan3A_851 : i32 to index
      %get3A_925 = arith.constant 48 : index
      %get3A_926 = tpu.vector_load %arg6[%get3A_923, %get3A_924, %get3A_925] {strides = array<i32>} : memref<2x200x128xf32, #tpu.memory_space<vmem>>, vector<1x1x16xf32>,
      %get3A_927 = vector.shape_cast %get3A_926 : vector<1x1x16xf32> to vector<16xf32>
      %sub3A_928 = arith.subf %get3A_927, %max3A_213 : vector<16xf32>
      %exp3A_929 = math.exp %sub3A_928 : vector<16xf32>
      %add3A_930 = arith.addf %scan3A_855, %exp3A_929 : vector<16xf32>
      %add3A_931 = arith.addf %scan3A_863, %get3A_927 : vector<16xf32>
      %eq3A_932 = arith.cmpi eq, %add3A_879, %get3A_15 : vector<16xi32>
      %jit3A_933 = arith.constant 0.000000e+00 : f32
      %broadcast_in_dim3A_934 = vector.broadcast %jit3A_933 : f32 to vector<16xf32>
      %select_n3A_935 = arith.select %eq3A_932, %get3A_927, %broadcast_in_dim3A_934 : vector<16xi1>, vector<16xf32>
      %add3A_936 = arith.addf %scan3A_871, %select_n3A_935 : vector<16xf32>
      %get3A_937 = arith.constant 0 : i32
      %get3A_938 = arith.index_cast %get3A_937 : i32 to index
      %get3A_939 = arith.index_cast %scan3A_851 : i32 to index
      %get3A_940 = arith.constant 64 : index
      %get3A_941 = tpu.vector_load %arg6[%get3A_938, %get3A_939, %get3A_940] {strides = array<i32>} : memref<2x200x128xf32, #tpu.memory_space<vmem>>, vector<1x1x16xf32>,
      %get3A_942 = vector.shape_cast %get3A_941 : vector<1x1x16xf32> to vector<16xf32>
      %sub3A_943 = arith.subf %get3A_942, %max3A_214 : vector<16xf32>
      %exp3A_944 = math.exp %sub3A_943 : vector<16xf32>
      %add3A_945 = arith.addf %scan3A_856, %exp3A_944 : vector<16xf32>
      %add3A_946 = arith.addf %scan3A_864, %get3A_942 : vector<16xf32>
      %eq3A_947 = arith.cmpi eq, %add3A_879, %get3A_18 : vector<16xi32>
      %jit3A_948 = arith.constant 0.000000e+00 : f32
      %broadcast_in_dim3A_949 = vector.broadcast %jit3A_948 : f32 to vector<16xf32>
      %select_n3A_950 = arith.select %eq3A_947, %get3A_942, %broadcast_in_dim3A_949 : vector<16xi1>, vector<16xf32>
      %add3A_951 = arith.addf %scan3A_872, %select_n3A_950 : vector<16xf32>
      %get3A_952 = arith.constant 0 : i32
      %get3A_953 = arith.index_cast %get3A_952 : i32 to index
      %get3A_954 = arith.index_cast %scan3A_851 : i32 to index
      %get3A_955 = arith.constant 80 : index
      %get3A_956 = tpu.vector_load %arg6[%get3A_953, %get3A_954, %get3A_955] {strides = array<i32>} : memref<2x200x128xf32, #tpu.memory_space<vmem>>, vector<1x1x16xf32>,
      %get3A_957 = vector.shape_cast %get3A_956 : vector<1x1x16xf32> to vector<16xf32>
      %sub3A_958 = arith.subf %get3A_957, %max3A_215 : vector<16xf32>
      %exp3A_959 = math.exp %sub3A_958 : vector<16xf32>
      %add3A_960 = arith.addf %scan3A_857, %exp3A_959 : vector<16xf32>
      %add3A_961 = arith.addf %scan3A_865, %get3A_957 : vector<16xf32>
      %eq3A_962 = arith.cmpi eq, %add3A_879, %get3A_21 : vector<16xi32>
      %jit3A_963 = arith.constant 0.000000e+00 : f32
      %broadcast_in_dim3A_964 = vector.broadcast %jit3A_963 : f32 to vector<16xf32>
      %select_n3A_965 = arith.select %eq3A_962, %get3A_957, %broadcast_in_dim3A_964 : vector<16xi1>, vector<16xf32>
      %add3A_966 = arith.addf %scan3A_873, %select_n3A_965 : vector<16xf32>
      %get3A_967 = arith.constant 0 : i32
      %get3A_968 = arith.index_cast %get3A_967 : i32 to index
      %get3A_969 = arith.index_cast %scan3A_851 : i32 to index
      %get3A_970 = arith.constant 96 : index
      %get3A_971 = tpu.vector_load %arg6[%get3A_968, %get3A_969, %get3A_970] {strides = array<i32>} : memref<2x200x128xf32, #tpu.memory_space<vmem>>, vector<1x1x16xf32>,
      %get3A_972 = vector.shape_cast %get3A_971 : vector<1x1x16xf32> to vector<16xf32>
      %sub3A_973 = arith.subf %get3A_972, %max3A_216 : vector<16xf32>
      %exp3A_974 = math.exp %sub3A_973 : vector<16xf32>
      %add3A_975 = arith.addf %scan3A_858, %exp3A_974 : vector<16xf32>
      %add3A_976 = arith.addf %scan3A_866, %get3A_972 : vector<16xf32>
      %eq3A_977 = arith.cmpi eq, %add3A_879, %get3A_24 : vector<16xi32>
      %jit3A_978 = arith.constant 0.000000e+00 : f32
      %broadcast_in_dim3A_979 = vector.broadcast %jit3A_978 : f32 to vector<16xf32>
      %select_n3A_980 = arith.select %eq3A_977, %get3A_972, %broadcast_in_dim3A_979 : vector<16xi1>, vector<16xf32>
      %add3A_981 = arith.addf %scan3A_874, %select_n3A_980 : vector<16xf32>
      %get3A_982 = arith.constant 0 : i32
      %get3A_983 = arith.index_cast %get3A_982 : i32 to index
      %get3A_984 = arith.index_cast %scan3A_851 : i32 to index
      %get3A_985 = arith.constant 112 : index
      %get3A_986 = tpu.vector_load %arg6[%get3A_983, %get3A_984, %get3A_985] {strides = array<i32>} : memref<2x200x128xf32, #tpu.memory_space<vmem>>, vector<1x1x16xf32>,
      %get3A_987 = vector.shape_cast %get3A_986 : vector<1x1x16xf32> to vector<16xf32>
      %sub3A_988 = arith.subf %get3A_987, %max3A_217 : vector<16xf32>
      %exp3A_989 = math.exp %sub3A_988 : vector<16xf32>
      %add3A_990 = arith.addf %scan3A_859, %exp3A_989 : vector<16xf32>
      %add3A_991 = arith.addf %scan3A_867, %get3A_987 : vector<16xf32>
      %eq3A_992 = arith.cmpi eq, %add3A_879, %get3A_27 : vector<16xi32>
      %jit3A_993 = arith.constant 0.000000e+00 : f32
      %broadcast_in_dim3A_994 = vector.broadcast %jit3A_993 : f32 to vector<16xf32>
      %select_n3A_995 = arith.select %eq3A_992, %get3A_987, %broadcast_in_dim3A_994 : vector<16xi1>, vector<16xf32>
      %add3A_996 = arith.addf %scan3A_875, %select_n3A_995 : vector<16xf32>
      scf.yield %add3A_888, %add3A_900, %add3A_915, %add3A_930, %add3A_945, %add3A_960, %add3A_975, %add3A_990, %add3A_889, %add3A_901, %add3A_916, %add3A_931, %add3A_946, %add3A_961, %add3A_976, %add3A_991, %add3A_891, %add3A_906, %add3A_921, %add3A_936, %add3A_951, %add3A_966, %add3A_981, %add3A_996 : vector<16xf32>, vector<16xf32>, vector<16xf32>, vector<16xf32>, vector<16xf32>, vector<16xf32>, vector<16xf32>, vector<16xf32>, vector<16xf32>, vector<16xf32>, vector<16xf32>, vector<16xf32>, vector<16xf32>, vector<16xf32>, vector<16xf32>, vector<16xf32>, vector<16xf32>, vector<16xf32>, vector<16xf32>, vector<16xf32>, vector<16xf32>, vector<16xf32>, vector<16xf32>, vector<16xf32>
    }
    %scan3A_247 = arith.constant 200 : i32
    %dma_wait3A_248 = arith.constant 1 : i32
    %dma_wait3A_249 = arith.constant 0 : i32
    %dma_wait3A_250 = arith.constant 0 : i32
    %dma_wait3A_251 = tpu.memref_slice %arg6[%dma_wait3A_248, %dma_wait3A_249, %dma_wait3A_250] : memref<2x200x128xf32, #tpu.memory_space<vmem>> -> memref<1x200x128xf32, #tpu.memory_space<vmem>>
    %dma_wait3A_252 = tpu.memref_squeeze %dma_wait3A_251 : memref<1x200x128xf32, #tpu.memory_space<vmem>> -> memref<200x128xf32, #tpu.memory_space<vmem>>
    %dma_wait3A_253 = arith.constant 600 : i32
    %dma_wait3A_254 = tpu.memref_slice %arg2[%dma_wait3A_253, %add3A_4] : memref<1000x16384xf32, #tpu.memory_space<hbm>> -> memref<200x128xf32, #tpu.memory_space<hbm>>
    %dma_wait3A_255 = arith.constant 0 : i32
    %dma_wait3A_256 = arith.constant 0 : i32
    %dma_wait3A_257 = tpu.memref_slice %arg6[%dma_wait3A_248, %dma_wait3A_255, %dma_wait3A_256] : memref<2x200x128xf32, #tpu.memory_space<vmem>> -> memref<1x200x128xf32, #tpu.memory_space<vmem>>
    %dma_wait3A_258 = tpu.memref_squeeze %dma_wait3A_257 : memref<1x200x128xf32, #tpu.memory_space<vmem>> -> memref<200x128xf32, #tpu.memory_space<vmem>>
    %dma_wait3A_259 = arith.constant 600 : i32
    %dma_wait3A_260 = tpu.memref_slice %arg2[%dma_wait3A_259, %add3A_4] : memref<1000x16384xf32, #tpu.memory_space<hbm>> -> memref<200x128xf32, #tpu.memory_space<hbm>>
    tpu.wait_dma2 semaphore(%arg9 : memref<!tpu.dma_semaphore, #tpu.memory_space<semaphore_mem>>) src(%dma_wait3A_260 : memref<200x128xf32, #tpu.memory_space<hbm>>) dst(%dma_wait3A_258 : memref<200x128xf32, #tpu.memory_space<vmem>>)
    %dma_start3A_261 = arith.constant 0 : i32
    %dma_start3A_262 = arith.constant 0 : i32
    %dma_start3A_263 = arith.constant 0 : i32
    %dma_start3A_264 = tpu.memref_slice %arg6[%dma_start3A_261, %dma_start3A_262, %dma_start3A_263] : memref<2x200x128xf32, #tpu.memory_space<vmem>> -> memref<1x200x128xf32, #tpu.memory_space<vmem>>
    %dma_start3A_265 = tpu.memref_squeeze %dma_start3A_264 : memref<1x200x128xf32, #tpu.memory_space<vmem>> -> memref<200x128xf32, #tpu.memory_space<vmem>>
    %dma_start3A_266 = arith.constant 800 : i32
    %dma_start3A_267 = tpu.memref_slice %arg2[%dma_start3A_266, %add3A_4] : memref<1000x16384xf32, #tpu.memory_space<hbm>> -> memref<200x128xf32, #tpu.memory_space<hbm>>
    %dma_start3A_268 = arith.constant 0 : i32
    %dma_start3A_269 = arith.constant 0 : i32
    %dma_start3A_270 = tpu.memref_slice %arg6[%dma_start3A_261, %dma_start3A_268, %dma_start3A_269] : memref<2x200x128xf32, #tpu.memory_space<vmem>> -> memref<1x200x128xf32, #tpu.memory_space<vmem>>
    %dma_start3A_271 = tpu.memref_squeeze %dma_start3A_270 : memref<1x200x128xf32, #tpu.memory_space<vmem>> -> memref<200x128xf32, #tpu.memory_space<vmem>>
    %dma_start3A_272 = arith.constant 800 : i32
    %dma_start3A_273 = tpu.memref_slice %arg2[%dma_start3A_272, %add3A_4] : memref<1000x16384xf32, #tpu.memory_space<hbm>> -> memref<200x128xf32, #tpu.memory_space<hbm>>
    tpu.enqueue_dma source(%dma_start3A_273 : memref<200x128xf32, #tpu.memory_space<hbm>>) target(%dma_start3A_271 : memref<200x128xf32, #tpu.memory_space<vmem>>) target_semaphore(%arg8 : memref<!tpu.dma_semaphore, #tpu.memory_space<semaphore_mem>>)
    %scan3A_274 = arith.constant 0 : i32
    %scan3A_275 = arith.constant 200 : i32
    %scan3A_276 = arith.addi %scan3A_274, %scan3A_275 : i32
    %scan3A_277 = arith.constant 1 : i32
    %scan3A_278:8 = scf.for %scan3A_851 = %scan3A_274 to %scan3A_276 step %scan3A_277 iter_args(%scan3A_852 = %broadcast_in_dim3A_28, %scan3A_853 = %broadcast_in_dim3A_28, %scan3A_854 = %broadcast_in_dim3A_28, %scan3A_855 = %broadcast_in_dim3A_28, %scan3A_856 = %broadcast_in_dim3A_28, %scan3A_857 = %broadcast_in_dim3A_28, %scan3A_858 = %broadcast_in_dim3A_28, %scan3A_859 = %broadcast_in_dim3A_28) -> (vector<16xf32>, vector<16xf32>, vector<16xf32>, vector<16xf32>, vector<16xf32>, vector<16xf32>, vector<16xf32>, vector<16xf32>)  : i32 {
      %get3A_860 = arith.constant 1 : i32
      %get3A_861 = arith.index_cast %get3A_860 : i32 to index
      %get3A_862 = arith.index_cast %scan3A_851 : i32 to index
      %get3A_863 = arith.constant 0 : index
      %get3A_864 = tpu.vector_load %arg6[%get3A_861, %get3A_862, %get3A_863] {strides = array<i32>} : memref<2x200x128xf32, #tpu.memory_space<vmem>>, vector<1x1x16xf32>,
      %get3A_865 = vector.shape_cast %get3A_864 : vector<1x1x16xf32> to vector<16xf32>
      %max3A_866 = arith.maximumf %scan3A_852, %get3A_865 : vector<16xf32>
      %get3A_867 = arith.constant 1 : i32
      %get3A_868 = arith.index_cast %get3A_867 : i32 to index
      %get3A_869 = arith.index_cast %scan3A_851 : i32 to index
      %get3A_870 = arith.constant 16 : index
      %get3A_871 = tpu.vector_load %arg6[%get3A_868, %get3A_869, %get3A_870] {strides = array<i32>} : memref<2x200x128xf32, #tpu.memory_space<vmem>>, vector<1x1x16xf32>,
      %get3A_872 = vector.shape_cast %get3A_871 : vector<1x1x16xf32> to vector<16xf32>
      %max3A_873 = arith.maximumf %scan3A_853, %get3A_872 : vector<16xf32>
      %get3A_874 = arith.constant 1 : i32
      %get3A_875 = arith.index_cast %get3A_874 : i32 to index
      %get3A_876 = arith.index_cast %scan3A_851 : i32 to index
      %get3A_877 = arith.constant 32 : index
      %get3A_878 = tpu.vector_load %arg6[%get3A_875, %get3A_876, %get3A_877] {strides = array<i32>} : memref<2x200x128xf32, #tpu.memory_space<vmem>>, vector<1x1x16xf32>,
      %get3A_879 = vector.shape_cast %get3A_878 : vector<1x1x16xf32> to vector<16xf32>
      %max3A_880 = arith.maximumf %scan3A_854, %get3A_879 : vector<16xf32>
      %get3A_881 = arith.constant 1 : i32
      %get3A_882 = arith.index_cast %get3A_881 : i32 to index
      %get3A_883 = arith.index_cast %scan3A_851 : i32 to index
      %get3A_884 = arith.constant 48 : index
      %get3A_885 = tpu.vector_load %arg6[%get3A_882, %get3A_883, %get3A_884] {strides = array<i32>} : memref<2x200x128xf32, #tpu.memory_space<vmem>>, vector<1x1x16xf32>,
      %get3A_886 = vector.shape_cast %get3A_885 : vector<1x1x16xf32> to vector<16xf32>
      %max3A_887 = arith.maximumf %scan3A_855, %get3A_886 : vector<16xf32>
      %get3A_888 = arith.constant 1 : i32
      %get3A_889 = arith.index_cast %get3A_888 : i32 to index
      %get3A_890 = arith.index_cast %scan3A_851 : i32 to index
      %get3A_891 = arith.constant 64 : index
      %get3A_892 = tpu.vector_load %arg6[%get3A_889, %get3A_890, %get3A_891] {strides = array<i32>} : memref<2x200x128xf32, #tpu.memory_space<vmem>>, vector<1x1x16xf32>,
      %get3A_893 = vector.shape_cast %get3A_892 : vector<1x1x16xf32> to vector<16xf32>
      %max3A_894 = arith.maximumf %scan3A_856, %get3A_893 : vector<16xf32>
      %get3A_895 = arith.constant 1 : i32
      %get3A_896 = arith.index_cast %get3A_895 : i32 to index
      %get3A_897 = arith.index_cast %scan3A_851 : i32 to index
      %get3A_898 = arith.constant 80 : index
      %get3A_899 = tpu.vector_load %arg6[%get3A_896, %get3A_897, %get3A_898] {strides = array<i32>} : memref<2x200x128xf32, #tpu.memory_space<vmem>>, vector<1x1x16xf32>,
      %get3A_900 = vector.shape_cast %get3A_899 : vector<1x1x16xf32> to vector<16xf32>
      %max3A_901 = arith.maximumf %scan3A_857, %get3A_900 : vector<16xf32>
      %get3A_902 = arith.constant 1 : i32
      %get3A_903 = arith.index_cast %get3A_902 : i32 to index
      %get3A_904 = arith.index_cast %scan3A_851 : i32 to index
      %get3A_905 = arith.constant 96 : index
      %get3A_906 = tpu.vector_load %arg6[%get3A_903, %get3A_904, %get3A_905] {strides = array<i32>} : memref<2x200x128xf32, #tpu.memory_space<vmem>>, vector<1x1x16xf32>,
      %get3A_907 = vector.shape_cast %get3A_906 : vector<1x1x16xf32> to vector<16xf32>
      %max3A_908 = arith.maximumf %scan3A_858, %get3A_907 : vector<16xf32>
      %get3A_909 = arith.constant 1 : i32
      %get3A_910 = arith.index_cast %get3A_909 : i32 to index
      %get3A_911 = arith.index_cast %scan3A_851 : i32 to index
      %get3A_912 = arith.constant 112 : index
      %get3A_913 = tpu.vector_load %arg6[%get3A_910, %get3A_911, %get3A_912] {strides = array<i32>} : memref<2x200x128xf32, #tpu.memory_space<vmem>>, vector<1x1x16xf32>,
      %get3A_914 = vector.shape_cast %get3A_913 : vector<1x1x16xf32> to vector<16xf32>
      %max3A_915 = arith.maximumf %scan3A_859, %get3A_914 : vector<16xf32>
      scf.yield %max3A_866, %max3A_873, %max3A_880, %max3A_887, %max3A_894, %max3A_901, %max3A_908, %max3A_915 : vector<16xf32>, vector<16xf32>, vector<16xf32>, vector<16xf32>, vector<16xf32>, vector<16xf32>, vector<16xf32>, vector<16xf32>
    }
    %scan3A_279 = arith.constant 200 : i32
    %max3A_280 = arith.maximumf %max3A_210, %scan3A_278#0 : vector<16xf32>
    %max3A_281 = arith.maximumf %max3A_211, %scan3A_278#1 : vector<16xf32>
    %max3A_282 = arith.maximumf %max3A_212, %scan3A_278#2 : vector<16xf32>
    %max3A_283 = arith.maximumf %max3A_213, %scan3A_278#3 : vector<16xf32>
    %max3A_284 = arith.maximumf %max3A_214, %scan3A_278#4 : vector<16xf32>
    %max3A_285 = arith.maximumf %max3A_215, %scan3A_278#5 : vector<16xf32>
    %max3A_286 = arith.maximumf %max3A_216, %scan3A_278#6 : vector<16xf32>
    %max3A_287 = arith.maximumf %max3A_217, %scan3A_278#7 : vector<16xf32>
    %sub3A_288 = arith.subf %max3A_210, %max3A_280 : vector<16xf32>
    %exp3A_289 = math.exp %sub3A_288 : vector<16xf32>
    %mul3A_290 = arith.mulf %scan3A_246#0, %exp3A_289 : vector<16xf32>
    %sub3A_291 = arith.subf %max3A_211, %max3A_281 : vector<16xf32>
    %exp3A_292 = math.exp %sub3A_291 : vector<16xf32>
    %mul3A_293 = arith.mulf %scan3A_246#1, %exp3A_292 : vector<16xf32>
    %sub3A_294 = arith.subf %max3A_212, %max3A_282 : vector<16xf32>
    %exp3A_295 = math.exp %sub3A_294 : vector<16xf32>
    %mul3A_296 = arith.mulf %scan3A_246#2, %exp3A_295 : vector<16xf32>
    %sub3A_297 = arith.subf %max3A_213, %max3A_283 : vector<16xf32>
    %exp3A_298 = math.exp %sub3A_297 : vector<16xf32>
    %mul3A_299 = arith.mulf %scan3A_246#3, %exp3A_298 : vector<16xf32>
    %sub3A_300 = arith.subf %max3A_214, %max3A_284 : vector<16xf32>
    %exp3A_301 = math.exp %sub3A_300 : vector<16xf32>
    %mul3A_302 = arith.mulf %scan3A_246#4, %exp3A_301 : vector<16xf32>
    %sub3A_303 = arith.subf %max3A_215, %max3A_285 : vector<16xf32>
    %exp3A_304 = math.exp %sub3A_303 : vector<16xf32>
    %mul3A_305 = arith.mulf %scan3A_246#5, %exp3A_304 : vector<16xf32>
    %sub3A_306 = arith.subf %max3A_216, %max3A_286 : vector<16xf32>
    %exp3A_307 = math.exp %sub3A_306 : vector<16xf32>
    %mul3A_308 = arith.mulf %scan3A_246#6, %exp3A_307 : vector<16xf32>
    %sub3A_309 = arith.subf %max3A_217, %max3A_287 : vector<16xf32>
    %exp3A_310 = math.exp %sub3A_309 : vector<16xf32>
    %mul3A_311 = arith.mulf %scan3A_246#7, %exp3A_310 : vector<16xf32>
    %scan3A_312 = arith.constant 0 : i32
    %scan3A_313 = arith.constant 200 : i32
    %scan3A_314 = arith.addi %scan3A_312, %scan3A_313 : i32
    %scan3A_315 = arith.constant 1 : i32
    %scan3A_316:24 = scf.for %scan3A_851 = %scan3A_312 to %scan3A_314 step %scan3A_315 iter_args(%scan3A_852 = %mul3A_290, %scan3A_853 = %mul3A_293, %scan3A_854 = %mul3A_296, %scan3A_855 = %mul3A_299, %scan3A_856 = %mul3A_302, %scan3A_857 = %mul3A_305, %scan3A_858 = %mul3A_308, %scan3A_859 = %mul3A_311, %scan3A_860 = %scan3A_246#8, %scan3A_861 = %scan3A_246#9, %scan3A_862 = %scan3A_246#10, %scan3A_863 = %scan3A_246#11, %scan3A_864 = %scan3A_246#12, %scan3A_865 = %scan3A_246#13, %scan3A_866 = %scan3A_246#14, %scan3A_867 = %scan3A_246#15, %scan3A_868 = %scan3A_246#16, %scan3A_869 = %scan3A_246#17, %scan3A_870 = %scan3A_246#18, %scan3A_871 = %scan3A_246#19, %scan3A_872 = %scan3A_246#20, %scan3A_873 = %scan3A_246#21, %scan3A_874 = %scan3A_246#22, %scan3A_875 = %scan3A_246#23) -> (vector<16xf32>, vector<16xf32>, vector<16xf32>, vector<16xf32>, vector<16xf32>, vector<16xf32>, vector<16xf32>, vector<16xf32>, vector<16xf32>, vector<16xf32>, vector<16xf32>, vector<16xf32>, vector<16xf32>, vector<16xf32>, vector<16xf32>, vector<16xf32>, vector<16xf32>, vector<16xf32>, vector<16xf32>, vector<16xf32>, vector<16xf32>, vector<16xf32>, vector<16xf32>, vector<16xf32>)  : i32 {
      %broadcast_in_dim3A_876 = arith.constant 600 : i32
      %broadcast_in_dim3A_877 = vector.broadcast %broadcast_in_dim3A_876 : i32 to vector<16xi32>
      %add3A_878 = vector.broadcast %scan3A_851 : i32 to vector<16xi32>
      %add3A_879 = arith.addi %broadcast_in_dim3A_877, %add3A_878 : vector<16xi32>
      %get3A_880 = arith.constant 1 : i32
      %get3A_881 = arith.index_cast %get3A_880 : i32 to index
      %get3A_882 = arith.index_cast %scan3A_851 : i32 to index
      %get3A_883 = arith.constant 0 : index
      %get3A_884 = tpu.vector_load %arg6[%get3A_881, %get3A_882, %get3A_883] {strides = array<i32>} : memref<2x200x128xf32, #tpu.memory_space<vmem>>, vector<1x1x16xf32>,
      %get3A_885 = vector.shape_cast %get3A_884 : vector<1x1x16xf32> to vector<16xf32>
      %sub3A_886 = arith.subf %get3A_885, %max3A_280 : vector<16xf32>
      %exp3A_887 = math.exp %sub3A_886 : vector<16xf32>
      %add3A_888 = arith.addf %scan3A_852, %exp3A_887 : vector<16xf32>
      %add3A_889 = arith.addf %scan3A_860, %get3A_885 : vector<16xf32>
      %eq3A = arith.cmpi eq, %add3A_879, %get3A_6 : vector<16xi32>
      %jit3A = arith.constant 0.000000e+00 : f32
      %broadcast_in_dim3A_890 = vector.broadcast %jit3A : f32 to vector<16xf32>
      %select_n3A = arith.select %eq3A, %get3A_885, %broadcast_in_dim3A_890 : vector<16xi1>, vector<16xf32>
      %add3A_891 = arith.addf %scan3A_868, %select_n3A : vector<16xf32>
      %get3A_892 = arith.constant 1 : i32
      %get3A_893 = arith.index_cast %get3A_892 : i32 to index
      %get3A_894 = arith.index_cast %scan3A_851 : i32 to index
      %get3A_895 = arith.constant 16 : index
      %get3A_896 = tpu.vector_load %arg6[%get3A_893, %get3A_894, %get3A_895] {strides = array<i32>} : memref<2x200x128xf32, #tpu.memory_space<vmem>>, vector<1x1x16xf32>,
      %get3A_897 = vector.shape_cast %get3A_896 : vector<1x1x16xf32> to vector<16xf32>
      %sub3A_898 = arith.subf %get3A_897, %max3A_281 : vector<16xf32>
      %exp3A_899 = math.exp %sub3A_898 : vector<16xf32>
      %add3A_900 = arith.addf %scan3A_853, %exp3A_899 : vector<16xf32>
      %add3A_901 = arith.addf %scan3A_861, %get3A_897 : vector<16xf32>
      %eq3A_902 = arith.cmpi eq, %add3A_879, %get3A_9 : vector<16xi32>
      %jit3A_903 = arith.constant 0.000000e+00 : f32
      %broadcast_in_dim3A_904 = vector.broadcast %jit3A_903 : f32 to vector<16xf32>
      %select_n3A_905 = arith.select %eq3A_902, %get3A_897, %broadcast_in_dim3A_904 : vector<16xi1>, vector<16xf32>
      %add3A_906 = arith.addf %scan3A_869, %select_n3A_905 : vector<16xf32>
      %get3A_907 = arith.constant 1 : i32
      %get3A_908 = arith.index_cast %get3A_907 : i32 to index
      %get3A_909 = arith.index_cast %scan3A_851 : i32 to index
      %get3A_910 = arith.constant 32 : index
      %get3A_911 = tpu.vector_load %arg6[%get3A_908, %get3A_909, %get3A_910] {strides = array<i32>} : memref<2x200x128xf32, #tpu.memory_space<vmem>>, vector<1x1x16xf32>,
      %get3A_912 = vector.shape_cast %get3A_911 : vector<1x1x16xf32> to vector<16xf32>
      %sub3A_913 = arith.subf %get3A_912, %max3A_282 : vector<16xf32>
      %exp3A_914 = math.exp %sub3A_913 : vector<16xf32>
      %add3A_915 = arith.addf %scan3A_854, %exp3A_914 : vector<16xf32>
      %add3A_916 = arith.addf %scan3A_862, %get3A_912 : vector<16xf32>
      %eq3A_917 = arith.cmpi eq, %add3A_879, %get3A_12 : vector<16xi32>
      %jit3A_918 = arith.constant 0.000000e+00 : f32
      %broadcast_in_dim3A_919 = vector.broadcast %jit3A_918 : f32 to vector<16xf32>
      %select_n3A_920 = arith.select %eq3A_917, %get3A_912, %broadcast_in_dim3A_919 : vector<16xi1>, vector<16xf32>
      %add3A_921 = arith.addf %scan3A_870, %select_n3A_920 : vector<16xf32>
      %get3A_922 = arith.constant 1 : i32
      %get3A_923 = arith.index_cast %get3A_922 : i32 to index
      %get3A_924 = arith.index_cast %scan3A_851 : i32 to index
      %get3A_925 = arith.constant 48 : index
      %get3A_926 = tpu.vector_load %arg6[%get3A_923, %get3A_924, %get3A_925] {strides = array<i32>} : memref<2x200x128xf32, #tpu.memory_space<vmem>>, vector<1x1x16xf32>,
      %get3A_927 = vector.shape_cast %get3A_926 : vector<1x1x16xf32> to vector<16xf32>
      %sub3A_928 = arith.subf %get3A_927, %max3A_283 : vector<16xf32>
      %exp3A_929 = math.exp %sub3A_928 : vector<16xf32>
      %add3A_930 = arith.addf %scan3A_855, %exp3A_929 : vector<16xf32>
      %add3A_931 = arith.addf %scan3A_863, %get3A_927 : vector<16xf32>
      %eq3A_932 = arith.cmpi eq, %add3A_879, %get3A_15 : vector<16xi32>
      %jit3A_933 = arith.constant 0.000000e+00 : f32
      %broadcast_in_dim3A_934 = vector.broadcast %jit3A_933 : f32 to vector<16xf32>
      %select_n3A_935 = arith.select %eq3A_932, %get3A_927, %broadcast_in_dim3A_934 : vector<16xi1>, vector<16xf32>
      %add3A_936 = arith.addf %scan3A_871, %select_n3A_935 : vector<16xf32>
      %get3A_937 = arith.constant 1 : i32
      %get3A_938 = arith.index_cast %get3A_937 : i32 to index
      %get3A_939 = arith.index_cast %scan3A_851 : i32 to index
      %get3A_940 = arith.constant 64 : index
      %get3A_941 = tpu.vector_load %arg6[%get3A_938, %get3A_939, %get3A_940] {strides = array<i32>} : memref<2x200x128xf32, #tpu.memory_space<vmem>>, vector<1x1x16xf32>,
      %get3A_942 = vector.shape_cast %get3A_941 : vector<1x1x16xf32> to vector<16xf32>
      %sub3A_943 = arith.subf %get3A_942, %max3A_284 : vector<16xf32>
      %exp3A_944 = math.exp %sub3A_943 : vector<16xf32>
      %add3A_945 = arith.addf %scan3A_856, %exp3A_944 : vector<16xf32>
      %add3A_946 = arith.addf %scan3A_864, %get3A_942 : vector<16xf32>
      %eq3A_947 = arith.cmpi eq, %add3A_879, %get3A_18 : vector<16xi32>
      %jit3A_948 = arith.constant 0.000000e+00 : f32
      %broadcast_in_dim3A_949 = vector.broadcast %jit3A_948 : f32 to vector<16xf32>
      %select_n3A_950 = arith.select %eq3A_947, %get3A_942, %broadcast_in_dim3A_949 : vector<16xi1>, vector<16xf32>
      %add3A_951 = arith.addf %scan3A_872, %select_n3A_950 : vector<16xf32>
      %get3A_952 = arith.constant 1 : i32
      %get3A_953 = arith.index_cast %get3A_952 : i32 to index
      %get3A_954 = arith.index_cast %scan3A_851 : i32 to index
      %get3A_955 = arith.constant 80 : index
      %get3A_956 = tpu.vector_load %arg6[%get3A_953, %get3A_954, %get3A_955] {strides = array<i32>} : memref<2x200x128xf32, #tpu.memory_space<vmem>>, vector<1x1x16xf32>,
      %get3A_957 = vector.shape_cast %get3A_956 : vector<1x1x16xf32> to vector<16xf32>
      %sub3A_958 = arith.subf %get3A_957, %max3A_285 : vector<16xf32>
      %exp3A_959 = math.exp %sub3A_958 : vector<16xf32>
      %add3A_960 = arith.addf %scan3A_857, %exp3A_959 : vector<16xf32>
      %add3A_961 = arith.addf %scan3A_865, %get3A_957 : vector<16xf32>
      %eq3A_962 = arith.cmpi eq, %add3A_879, %get3A_21 : vector<16xi32>
      %jit3A_963 = arith.constant 0.000000e+00 : f32
      %broadcast_in_dim3A_964 = vector.broadcast %jit3A_963 : f32 to vector<16xf32>
      %select_n3A_965 = arith.select %eq3A_962, %get3A_957, %broadcast_in_dim3A_964 : vector<16xi1>, vector<16xf32>
      %add3A_966 = arith.addf %scan3A_873, %select_n3A_965 : vector<16xf32>
      %get3A_967 = arith.constant 1 : i32
      %get3A_968 = arith.index_cast %get3A_967 : i32 to index
      %get3A_969 = arith.index_cast %scan3A_851 : i32 to index
      %get3A_970 = arith.constant 96 : index
      %get3A_971 = tpu.vector_load %arg6[%get3A_968, %get3A_969, %get3A_970] {strides = array<i32>} : memref<2x200x128xf32, #tpu.memory_space<vmem>>, vector<1x1x16xf32>,
      %get3A_972 = vector.shape_cast %get3A_971 : vector<1x1x16xf32> to vector<16xf32>
      %sub3A_973 = arith.subf %get3A_972, %max3A_286 : vector<16xf32>
      %exp3A_974 = math.exp %sub3A_973 : vector<16xf32>
      %add3A_975 = arith.addf %scan3A_858, %exp3A_974 : vector<16xf32>
      %add3A_976 = arith.addf %scan3A_866, %get3A_972 : vector<16xf32>
      %eq3A_977 = arith.cmpi eq, %add3A_879, %get3A_24 : vector<16xi32>
      %jit3A_978 = arith.constant 0.000000e+00 : f32
      %broadcast_in_dim3A_979 = vector.broadcast %jit3A_978 : f32 to vector<16xf32>
      %select_n3A_980 = arith.select %eq3A_977, %get3A_972, %broadcast_in_dim3A_979 : vector<16xi1>, vector<16xf32>
      %add3A_981 = arith.addf %scan3A_874, %select_n3A_980 : vector<16xf32>
      %get3A_982 = arith.constant 1 : i32
      %get3A_983 = arith.index_cast %get3A_982 : i32 to index
      %get3A_984 = arith.index_cast %scan3A_851 : i32 to index
      %get3A_985 = arith.constant 112 : index
      %get3A_986 = tpu.vector_load %arg6[%get3A_983, %get3A_984, %get3A_985] {strides = array<i32>} : memref<2x200x128xf32, #tpu.memory_space<vmem>>, vector<1x1x16xf32>,
      %get3A_987 = vector.shape_cast %get3A_986 : vector<1x1x16xf32> to vector<16xf32>
      %sub3A_988 = arith.subf %get3A_987, %max3A_287 : vector<16xf32>
      %exp3A_989 = math.exp %sub3A_988 : vector<16xf32>
      %add3A_990 = arith.addf %scan3A_859, %exp3A_989 : vector<16xf32>
      %add3A_991 = arith.addf %scan3A_867, %get3A_987 : vector<16xf32>
      %eq3A_992 = arith.cmpi eq, %add3A_879, %get3A_27 : vector<16xi32>
      %jit3A_993 = arith.constant 0.000000e+00 : f32
      %broadcast_in_dim3A_994 = vector.broadcast %jit3A_993 : f32 to vector<16xf32>
      %select_n3A_995 = arith.select %eq3A_992, %get3A_987, %broadcast_in_dim3A_994 : vector<16xi1>, vector<16xf32>
      %add3A_996 = arith.addf %scan3A_875, %select_n3A_995 : vector<16xf32>
      scf.yield %add3A_888, %add3A_900, %add3A_915, %add3A_930, %add3A_945, %add3A_960, %add3A_975, %add3A_990, %add3A_889, %add3A_901, %add3A_916, %add3A_931, %add3A_946, %add3A_961, %add3A_976, %add3A_991, %add3A_891, %add3A_906, %add3A_921, %add3A_936, %add3A_951, %add3A_966, %add3A_981, %add3A_996 : vector<16xf32>, vector<16xf32>, vector<16xf32>, vector<16xf32>, vector<16xf32>, vector<16xf32>, vector<16xf32>, vector<16xf32>, vector<16xf32>, vector<16xf32>, vector<16xf32>, vector<16xf32>, vector<16xf32>, vector<16xf32>, vector<16xf32>, vector<16xf32>, vector<16xf32>, vector<16xf32>, vector<16xf32>, vector<16xf32>, vector<16xf32>, vector<16xf32>, vector<16xf32>, vector<16xf32>
    }
    %scan3A_317 = arith.constant 200 : i32
    %dma_wait3A_318 = arith.constant 0 : i32
    %dma_wait3A_319 = arith.constant 0 : i32
    %dma_wait3A_320 = arith.constant 0 : i32
    %dma_wait3A_321 = tpu.memref_slice %arg6[%dma_wait3A_318, %dma_wait3A_319, %dma_wait3A_320] : memref<2x200x128xf32, #tpu.memory_space<vmem>> -> memref<1x200x128xf32, #tpu.memory_space<vmem>>
    %dma_wait3A_322 = tpu.memref_squeeze %dma_wait3A_321 : memref<1x200x128xf32, #tpu.memory_space<vmem>> -> memref<200x128xf32, #tpu.memory_space<vmem>>
    %dma_wait3A_323 = arith.constant 800 : i32
    %dma_wait3A_324 = tpu.memref_slice %arg2[%dma_wait3A_323, %add3A_4] : memref<1000x16384xf32, #tpu.memory_space<hbm>> -> memref<200x128xf32, #tpu.memory_space<hbm>>
    %dma_wait3A_325 = arith.constant 0 : i32
    %dma_wait3A_326 = arith.constant 0 : i32
    %dma_wait3A_327 = tpu.memref_slice %arg6[%dma_wait3A_318, %dma_wait3A_325, %dma_wait3A_326] : memref<2x200x128xf32, #tpu.memory_space<vmem>> -> memref<1x200x128xf32, #tpu.memory_space<vmem>>
    %dma_wait3A_328 = tpu.memref_squeeze %dma_wait3A_327 : memref<1x200x128xf32, #tpu.memory_space<vmem>> -> memref<200x128xf32, #tpu.memory_space<vmem>>
    %dma_wait3A_329 = arith.constant 800 : i32
    %dma_wait3A_330 = tpu.memref_slice %arg2[%dma_wait3A_329, %add3A_4] : memref<1000x16384xf32, #tpu.memory_space<hbm>> -> memref<200x128xf32, #tpu.memory_space<hbm>>
    tpu.wait_dma2 semaphore(%arg8 : memref<!tpu.dma_semaphore, #tpu.memory_space<semaphore_mem>>) src(%dma_wait3A_330 : memref<200x128xf32, #tpu.memory_space<hbm>>) dst(%dma_wait3A_328 : memref<200x128xf32, #tpu.memory_space<vmem>>)
    %scan3A_331 = arith.constant 0 : i32
    %scan3A_332 = arith.constant 200 : i32
    %scan3A_333 = arith.addi %scan3A_331, %scan3A_332 : i32
    %scan3A_334 = arith.constant 1 : i32
    %scan3A_335:8 = scf.for %scan3A_851 = %scan3A_331 to %scan3A_333 step %scan3A_334 iter_args(%scan3A_852 = %broadcast_in_dim3A_28, %scan3A_853 = %broadcast_in_dim3A_28, %scan3A_854 = %broadcast_in_dim3A_28, %scan3A_855 = %broadcast_in_dim3A_28, %scan3A_856 = %broadcast_in_dim3A_28, %scan3A_857 = %broadcast_in_dim3A_28, %scan3A_858 = %broadcast_in_dim3A_28, %scan3A_859 = %broadcast_in_dim3A_28) -> (vector<16xf32>, vector<16xf32>, vector<16xf32>, vector<16xf32>, vector<16xf32>, vector<16xf32>, vector<16xf32>, vector<16xf32>)  : i32 {
      %get3A_860 = arith.constant 0 : i32
      %get3A_861 = arith.index_cast %get3A_860 : i32 to index
      %get3A_862 = arith.index_cast %scan3A_851 : i32 to index
      %get3A_863 = arith.constant 0 : index
      %get3A_864 = tpu.vector_load %arg6[%get3A_861, %get3A_862, %get3A_863] {strides = array<i32>} : memref<2x200x128xf32, #tpu.memory_space<vmem>>, vector<1x1x16xf32>,
      %get3A_865 = vector.shape_cast %get3A_864 : vector<1x1x16xf32> to vector<16xf32>
      %max3A_866 = arith.maximumf %scan3A_852, %get3A_865 : vector<16xf32>
      %get3A_867 = arith.constant 0 : i32
      %get3A_868 = arith.index_cast %get3A_867 : i32 to index
      %get3A_869 = arith.index_cast %scan3A_851 : i32 to index
      %get3A_870 = arith.constant 16 : index
      %get3A_871 = tpu.vector_load %arg6[%get3A_868, %get3A_869, %get3A_870] {strides = array<i32>} : memref<2x200x128xf32, #tpu.memory_space<vmem>>, vector<1x1x16xf32>,
      %get3A_872 = vector.shape_cast %get3A_871 : vector<1x1x16xf32> to vector<16xf32>
      %max3A_873 = arith.maximumf %scan3A_853, %get3A_872 : vector<16xf32>
      %get3A_874 = arith.constant 0 : i32
      %get3A_875 = arith.index_cast %get3A_874 : i32 to index
      %get3A_876 = arith.index_cast %scan3A_851 : i32 to index
      %get3A_877 = arith.constant 32 : index
      %get3A_878 = tpu.vector_load %arg6[%get3A_875, %get3A_876, %get3A_877] {strides = array<i32>} : memref<2x200x128xf32, #tpu.memory_space<vmem>>, vector<1x1x16xf32>,
      %get3A_879 = vector.shape_cast %get3A_878 : vector<1x1x16xf32> to vector<16xf32>
      %max3A_880 = arith.maximumf %scan3A_854, %get3A_879 : vector<16xf32>
      %get3A_881 = arith.constant 0 : i32
      %get3A_882 = arith.index_cast %get3A_881 : i32 to index
      %get3A_883 = arith.index_cast %scan3A_851 : i32 to index
      %get3A_884 = arith.constant 48 : index
      %get3A_885 = tpu.vector_load %arg6[%get3A_882, %get3A_883, %get3A_884] {strides = array<i32>} : memref<2x200x128xf32, #tpu.memory_space<vmem>>, vector<1x1x16xf32>,
      %get3A_886 = vector.shape_cast %get3A_885 : vector<1x1x16xf32> to vector<16xf32>
      %max3A_887 = arith.maximumf %scan3A_855, %get3A_886 : vector<16xf32>
      %get3A_888 = arith.constant 0 : i32
      %get3A_889 = arith.index_cast %get3A_888 : i32 to index
      %get3A_890 = arith.index_cast %scan3A_851 : i32 to index
      %get3A_891 = arith.constant 64 : index
      %get3A_892 = tpu.vector_load %arg6[%get3A_889, %get3A_890, %get3A_891] {strides = array<i32>} : memref<2x200x128xf32, #tpu.memory_space<vmem>>, vector<1x1x16xf32>,
      %get3A_893 = vector.shape_cast %get3A_892 : vector<1x1x16xf32> to vector<16xf32>
      %max3A_894 = arith.maximumf %scan3A_856, %get3A_893 : vector<16xf32>
      %get3A_895 = arith.constant 0 : i32
      %get3A_896 = arith.index_cast %get3A_895 : i32 to index
      %get3A_897 = arith.index_cast %scan3A_851 : i32 to index
      %get3A_898 = arith.constant 80 : index
      %get3A_899 = tpu.vector_load %arg6[%get3A_896, %get3A_897, %get3A_898] {strides = array<i32>} : memref<2x200x128xf32, #tpu.memory_space<vmem>>, vector<1x1x16xf32>,
      %get3A_900 = vector.shape_cast %get3A_899 : vector<1x1x16xf32> to vector<16xf32>
      %max3A_901 = arith.maximumf %scan3A_857, %get3A_900 : vector<16xf32>
      %get3A_902 = arith.constant 0 : i32
      %get3A_903 = arith.index_cast %get3A_902 : i32 to index
      %get3A_904 = arith.index_cast %scan3A_851 : i32 to index
      %get3A_905 = arith.constant 96 : index
      %get3A_906 = tpu.vector_load %arg6[%get3A_903, %get3A_904, %get3A_905] {strides = array<i32>} : memref<2x200x128xf32, #tpu.memory_space<vmem>>, vector<1x1x16xf32>,
      %get3A_907 = vector.shape_cast %get3A_906 : vector<1x1x16xf32> to vector<16xf32>
      %max3A_908 = arith.maximumf %scan3A_858, %get3A_907 : vector<16xf32>
      %get3A_909 = arith.constant 0 : i32
      %get3A_910 = arith.index_cast %get3A_909 : i32 to index
      %get3A_911 = arith.index_cast %scan3A_851 : i32 to index
      %get3A_912 = arith.constant 112 : index
      %get3A_913 = tpu.vector_load %arg6[%get3A_910, %get3A_911, %get3A_912] {strides = array<i32>} : memref<2x200x128xf32, #tpu.memory_space<vmem>>, vector<1x1x16xf32>,
      %get3A_914 = vector.shape_cast %get3A_913 : vector<1x1x16xf32> to vector<16xf32>
      %max3A_915 = arith.maximumf %scan3A_859, %get3A_914 : vector<16xf32>
      scf.yield %max3A_866, %max3A_873, %max3A_880, %max3A_887, %max3A_894, %max3A_901, %max3A_908, %max3A_915 : vector<16xf32>, vector<16xf32>, vector<16xf32>, vector<16xf32>, vector<16xf32>, vector<16xf32>, vector<16xf32>, vector<16xf32>
    }
    %scan3A_336 = arith.constant 200 : i32
    %max3A_337 = arith.maximumf %max3A_280, %scan3A_335#0 : vector<16xf32>
    %max3A_338 = arith.maximumf %max3A_281, %scan3A_335#1 : vector<16xf32>
    %max3A_339 = arith.maximumf %max3A_282, %scan3A_335#2 : vector<16xf32>
    %max3A_340 = arith.maximumf %max3A_283, %scan3A_335#3 : vector<16xf32>
    %max3A_341 = arith.maximumf %max3A_284, %scan3A_335#4 : vector<16xf32>
    %max3A_342 = arith.maximumf %max3A_285, %scan3A_335#5 : vector<16xf32>
    %max3A_343 = arith.maximumf %max3A_286, %scan3A_335#6 : vector<16xf32>
    %max3A_344 = arith.maximumf %max3A_287, %scan3A_335#7 : vector<16xf32>
    %sub3A_345 = arith.subf %max3A_280, %max3A_337 : vector<16xf32>
    %exp3A_346 = math.exp %sub3A_345 : vector<16xf32>
    %mul3A_347 = arith.mulf %scan3A_316#0, %exp3A_346 : vector<16xf32>
    %sub3A_348 = arith.subf %max3A_281, %max3A_338 : vector<16xf32>
    %exp3A_349 = math.exp %sub3A_348 : vector<16xf32>
    %mul3A_350 = arith.mulf %scan3A_316#1, %exp3A_349 : vector<16xf32>
    %sub3A_351 = arith.subf %max3A_282, %max3A_339 : vector<16xf32>
    %exp3A_352 = math.exp %sub3A_351 : vector<16xf32>
    %mul3A_353 = arith.mulf %scan3A_316#2, %exp3A_352 : vector<16xf32>
    %sub3A_354 = arith.subf %max3A_283, %max3A_340 : vector<16xf32>
    %exp3A_355 = math.exp %sub3A_354 : vector<16xf32>
    %mul3A_356 = arith.mulf %scan3A_316#3, %exp3A_355 : vector<16xf32>
    %sub3A_357 = arith.subf %max3A_284, %max3A_341 : vector<16xf32>
    %exp3A_358 = math.exp %sub3A_357 : vector<16xf32>
    %mul3A_359 = arith.mulf %scan3A_316#4, %exp3A_358 : vector<16xf32>
    %sub3A_360 = arith.subf %max3A_285, %max3A_342 : vector<16xf32>
    %exp3A_361 = math.exp %sub3A_360 : vector<16xf32>
    %mul3A_362 = arith.mulf %scan3A_316#5, %exp3A_361 : vector<16xf32>
    %sub3A_363 = arith.subf %max3A_286, %max3A_343 : vector<16xf32>
    %exp3A_364 = math.exp %sub3A_363 : vector<16xf32>
    %mul3A_365 = arith.mulf %scan3A_316#6, %exp3A_364 : vector<16xf32>
    %sub3A_366 = arith.subf %max3A_287, %max3A_344 : vector<16xf32>
    %exp3A_367 = math.exp %sub3A_366 : vector<16xf32>
    %mul3A_368 = arith.mulf %scan3A_316#7, %exp3A_367 : vector<16xf32>
    %scan3A_369 = arith.constant 0 : i32
    %scan3A_370 = arith.constant 200 : i32
    %scan3A_371 = arith.addi %scan3A_369, %scan3A_370 : i32
    %scan3A_372 = arith.constant 1 : i32
    %scan3A_373:24 = scf.for %scan3A_851 = %scan3A_369 to %scan3A_371 step %scan3A_372 iter_args(%scan3A_852 = %mul3A_347, %scan3A_853 = %mul3A_350, %scan3A_854 = %mul3A_353, %scan3A_855 = %mul3A_356, %scan3A_856 = %mul3A_359, %scan3A_857 = %mul3A_362, %scan3A_858 = %mul3A_365, %scan3A_859 = %mul3A_368, %scan3A_860 = %scan3A_316#8, %scan3A_861 = %scan3A_316#9, %scan3A_862 = %scan3A_316#10, %scan3A_863 = %scan3A_316#11, %scan3A_864 = %scan3A_316#12, %scan3A_865 = %scan3A_316#13, %scan3A_866 = %scan3A_316#14, %scan3A_867 = %scan3A_316#15, %scan3A_868 = %scan3A_316#16, %scan3A_869 = %scan3A_316#17, %scan3A_870 = %scan3A_316#18, %scan3A_871 = %scan3A_316#19, %scan3A_872 = %scan3A_316#20, %scan3A_873 = %scan3A_316#21, %scan3A_874 = %scan3A_316#22, %scan3A_875 = %scan3A_316#23) -> (vector<16xf32>, vector<16xf32>, vector<16xf32>, vector<16xf32>, vector<16xf32>, vector<16xf32>, vector<16xf32>, vector<16xf32>, vector<16xf32>, vector<16xf32>, vector<16xf32>, vector<16xf32>, vector<16xf32>, vector<16xf32>, vector<16xf32>, vector<16xf32>, vector<16xf32>, vector<16xf32>, vector<16xf32>, vector<16xf32>, vector<16xf32>, vector<16xf32>, vector<16xf32>, vector<16xf32>)  : i32 {
      %broadcast_in_dim3A_876 = arith.constant 800 : i32
      %broadcast_in_dim3A_877 = vector.broadcast %broadcast_in_dim3A_876 : i32 to vector<16xi32>
      %add3A_878 = vector.broadcast %scan3A_851 : i32 to vector<16xi32>
      %add3A_879 = arith.addi %broadcast_in_dim3A_877, %add3A_878 : vector<16xi32>
      %get3A_880 = arith.constant 0 : i32
      %get3A_881 = arith.index_cast %get3A_880 : i32 to index
      %get3A_882 = arith.index_cast %scan3A_851 : i32 to index
      %get3A_883 = arith.constant 0 : index
      %get3A_884 = tpu.vector_load %arg6[%get3A_881, %get3A_882, %get3A_883] {strides = array<i32>} : memref<2x200x128xf32, #tpu.memory_space<vmem>>, vector<1x1x16xf32>,
      %get3A_885 = vector.shape_cast %get3A_884 : vector<1x1x16xf32> to vector<16xf32>
      %sub3A_886 = arith.subf %get3A_885, %max3A_337 : vector<16xf32>
      %exp3A_887 = math.exp %sub3A_886 : vector<16xf32>
      %add3A_888 = arith.addf %scan3A_852, %exp3A_887 : vector<16xf32>
      %add3A_889 = arith.addf %scan3A_860, %get3A_885 : vector<16xf32>
      %eq3A = arith.cmpi eq, %add3A_879, %get3A_6 : vector<16xi32>
      %jit3A = arith.constant 0.000000e+00 : f32
      %broadcast_in_dim3A_890 = vector.broadcast %jit3A : f32 to vector<16xf32>
      %select_n3A = arith.select %eq3A, %get3A_885, %broadcast_in_dim3A_890 : vector<16xi1>, vector<16xf32>
      %add3A_891 = arith.addf %scan3A_868, %select_n3A : vector<16xf32>
      %get3A_892 = arith.constant 0 : i32
      %get3A_893 = arith.index_cast %get3A_892 : i32 to index
      %get3A_894 = arith.index_cast %scan3A_851 : i32 to index
      %get3A_895 = arith.constant 16 : index
      %get3A_896 = tpu.vector_load %arg6[%get3A_893, %get3A_894, %get3A_895] {strides = array<i32>} : memref<2x200x128xf32, #tpu.memory_space<vmem>>, vector<1x1x16xf32>,
      %get3A_897 = vector.shape_cast %get3A_896 : vector<1x1x16xf32> to vector<16xf32>
      %sub3A_898 = arith.subf %get3A_897, %max3A_338 : vector<16xf32>
      %exp3A_899 = math.exp %sub3A_898 : vector<16xf32>
      %add3A_900 = arith.addf %scan3A_853, %exp3A_899 : vector<16xf32>
      %add3A_901 = arith.addf %scan3A_861, %get3A_897 : vector<16xf32>
      %eq3A_902 = arith.cmpi eq, %add3A_879, %get3A_9 : vector<16xi32>
      %jit3A_903 = arith.constant 0.000000e+00 : f32
      %broadcast_in_dim3A_904 = vector.broadcast %jit3A_903 : f32 to vector<16xf32>
      %select_n3A_905 = arith.select %eq3A_902, %get3A_897, %broadcast_in_dim3A_904 : vector<16xi1>, vector<16xf32>
      %add3A_906 = arith.addf %scan3A_869, %select_n3A_905 : vector<16xf32>
      %get3A_907 = arith.constant 0 : i32
      %get3A_908 = arith.index_cast %get3A_907 : i32 to index
      %get3A_909 = arith.index_cast %scan3A_851 : i32 to index
      %get3A_910 = arith.constant 32 : index
      %get3A_911 = tpu.vector_load %arg6[%get3A_908, %get3A_909, %get3A_910] {strides = array<i32>} : memref<2x200x128xf32, #tpu.memory_space<vmem>>, vector<1x1x16xf32>,
      %get3A_912 = vector.shape_cast %get3A_911 : vector<1x1x16xf32> to vector<16xf32>
      %sub3A_913 = arith.subf %get3A_912, %max3A_339 : vector<16xf32>
      %exp3A_914 = math.exp %sub3A_913 : vector<16xf32>
      %add3A_915 = arith.addf %scan3A_854, %exp3A_914 : vector<16xf32>
      %add3A_916 = arith.addf %scan3A_862, %get3A_912 : vector<16xf32>
      %eq3A_917 = arith.cmpi eq, %add3A_879, %get3A_12 : vector<16xi32>
      %jit3A_918 = arith.constant 0.000000e+00 : f32
      %broadcast_in_dim3A_919 = vector.broadcast %jit3A_918 : f32 to vector<16xf32>
      %select_n3A_920 = arith.select %eq3A_917, %get3A_912, %broadcast_in_dim3A_919 : vector<16xi1>, vector<16xf32>
      %add3A_921 = arith.addf %scan3A_870, %select_n3A_920 : vector<16xf32>
      %get3A_922 = arith.constant 0 : i32
      %get3A_923 = arith.index_cast %get3A_922 : i32 to index
      %get3A_924 = arith.index_cast %scan3A_851 : i32 to index
      %get3A_925 = arith.constant 48 : index
      %get3A_926 = tpu.vector_load %arg6[%get3A_923, %get3A_924, %get3A_925] {strides = array<i32>} : memref<2x200x128xf32, #tpu.memory_space<vmem>>, vector<1x1x16xf32>,
      %get3A_927 = vector.shape_cast %get3A_926 : vector<1x1x16xf32> to vector<16xf32>
      %sub3A_928 = arith.subf %get3A_927, %max3A_340 : vector<16xf32>
      %exp3A_929 = math.exp %sub3A_928 : vector<16xf32>
      %add3A_930 = arith.addf %scan3A_855, %exp3A_929 : vector<16xf32>
      %add3A_931 = arith.addf %scan3A_863, %get3A_927 : vector<16xf32>
      %eq3A_932 = arith.cmpi eq, %add3A_879, %get3A_15 : vector<16xi32>
      %jit3A_933 = arith.constant 0.000000e+00 : f32
      %broadcast_in_dim3A_934 = vector.broadcast %jit3A_933 : f32 to vector<16xf32>
      %select_n3A_935 = arith.select %eq3A_932, %get3A_927, %broadcast_in_dim3A_934 : vector<16xi1>, vector<16xf32>
      %add3A_936 = arith.addf %scan3A_871, %select_n3A_935 : vector<16xf32>
      %get3A_937 = arith.constant 0 : i32
      %get3A_938 = arith.index_cast %get3A_937 : i32 to index
      %get3A_939 = arith.index_cast %scan3A_851 : i32 to index
      %get3A_940 = arith.constant 64 : index
      %get3A_941 = tpu.vector_load %arg6[%get3A_938, %get3A_939, %get3A_940] {strides = array<i32>} : memref<2x200x128xf32, #tpu.memory_space<vmem>>, vector<1x1x16xf32>,
      %get3A_942 = vector.shape_cast %get3A_941 : vector<1x1x16xf32> to vector<16xf32>
      %sub3A_943 = arith.subf %get3A_942, %max3A_341 : vector<16xf32>
      %exp3A_944 = math.exp %sub3A_943 : vector<16xf32>
      %add3A_945 = arith.addf %scan3A_856, %exp3A_944 : vector<16xf32>
      %add3A_946 = arith.addf %scan3A_864, %get3A_942 : vector<16xf32>
      %eq3A_947 = arith.cmpi eq, %add3A_879, %get3A_18 : vector<16xi32>
      %jit3A_948 = arith.constant 0.000000e+00 : f32
      %broadcast_in_dim3A_949 = vector.broadcast %jit3A_948 : f32 to vector<16xf32>
      %select_n3A_950 = arith.select %eq3A_947, %get3A_942, %broadcast_in_dim3A_949 : vector<16xi1>, vector<16xf32>
      %add3A_951 = arith.addf %scan3A_872, %select_n3A_950 : vector<16xf32>
      %get3A_952 = arith.constant 0 : i32
      %get3A_953 = arith.index_cast %get3A_952 : i32 to index
      %get3A_954 = arith.index_cast %scan3A_851 : i32 to index
      %get3A_955 = arith.constant 80 : index
      %get3A_956 = tpu.vector_load %arg6[%get3A_953, %get3A_954, %get3A_955] {strides = array<i32>} : memref<2x200x128xf32, #tpu.memory_space<vmem>>, vector<1x1x16xf32>,
      %get3A_957 = vector.shape_cast %get3A_956 : vector<1x1x16xf32> to vector<16xf32>
      %sub3A_958 = arith.subf %get3A_957, %max3A_342 : vector<16xf32>
      %exp3A_959 = math.exp %sub3A_958 : vector<16xf32>
      %add3A_960 = arith.addf %scan3A_857, %exp3A_959 : vector<16xf32>
      %add3A_961 = arith.addf %scan3A_865, %get3A_957 : vector<16xf32>
      %eq3A_962 = arith.cmpi eq, %add3A_879, %get3A_21 : vector<16xi32>
      %jit3A_963 = arith.constant 0.000000e+00 : f32
      %broadcast_in_dim3A_964 = vector.broadcast %jit3A_963 : f32 to vector<16xf32>
      %select_n3A_965 = arith.select %eq3A_962, %get3A_957, %broadcast_in_dim3A_964 : vector<16xi1>, vector<16xf32>
      %add3A_966 = arith.addf %scan3A_873, %select_n3A_965 : vector<16xf32>
      %get3A_967 = arith.constant 0 : i32
      %get3A_968 = arith.index_cast %get3A_967 : i32 to index
      %get3A_969 = arith.index_cast %scan3A_851 : i32 to index
      %get3A_970 = arith.constant 96 : index
      %get3A_971 = tpu.vector_load %arg6[%get3A_968, %get3A_969, %get3A_970] {strides = array<i32>} : memref<2x200x128xf32, #tpu.memory_space<vmem>>, vector<1x1x16xf32>,
      %get3A_972 = vector.shape_cast %get3A_971 : vector<1x1x16xf32> to vector<16xf32>
      %sub3A_973 = arith.subf %get3A_972, %max3A_343 : vector<16xf32>
      %exp3A_974 = math.exp %sub3A_973 : vector<16xf32>
      %add3A_975 = arith.addf %scan3A_858, %exp3A_974 : vector<16xf32>
      %add3A_976 = arith.addf %scan3A_866, %get3A_972 : vector<16xf32>
      %eq3A_977 = arith.cmpi eq, %add3A_879, %get3A_24 : vector<16xi32>
      %jit3A_978 = arith.constant 0.000000e+00 : f32
      %broadcast_in_dim3A_979 = vector.broadcast %jit3A_978 : f32 to vector<16xf32>
      %select_n3A_980 = arith.select %eq3A_977, %get3A_972, %broadcast_in_dim3A_979 : vector<16xi1>, vector<16xf32>
      %add3A_981 = arith.addf %scan3A_874, %select_n3A_980 : vector<16xf32>
      %get3A_982 = arith.constant 0 : i32
      %get3A_983 = arith.index_cast %get3A_982 : i32 to index
      %get3A_984 = arith.index_cast %scan3A_851 : i32 to index
      %get3A_985 = arith.constant 112 : index
      %get3A_986 = tpu.vector_load %arg6[%get3A_983, %get3A_984, %get3A_985] {strides = array<i32>} : memref<2x200x128xf32, #tpu.memory_space<vmem>>, vector<1x1x16xf32>,
      %get3A_987 = vector.shape_cast %get3A_986 : vector<1x1x16xf32> to vector<16xf32>
      %sub3A_988 = arith.subf %get3A_987, %max3A_344 : vector<16xf32>
      %exp3A_989 = math.exp %sub3A_988 : vector<16xf32>
      %add3A_990 = arith.addf %scan3A_859, %exp3A_989 : vector<16xf32>
      %add3A_991 = arith.addf %scan3A_867, %get3A_987 : vector<16xf32>
      %eq3A_992 = arith.cmpi eq, %add3A_879, %get3A_27 : vector<16xi32>
      %jit3A_993 = arith.constant 0.000000e+00 : f32
      %broadcast_in_dim3A_994 = vector.broadcast %jit3A_993 : f32 to vector<16xf32>
      %select_n3A_995 = arith.select %eq3A_992, %get3A_987, %broadcast_in_dim3A_994 : vector<16xi1>, vector<16xf32>
      %add3A_996 = arith.addf %scan3A_875, %select_n3A_995 : vector<16xf32>
      scf.yield %add3A_888, %add3A_900, %add3A_915, %add3A_930, %add3A_945, %add3A_960, %add3A_975, %add3A_990, %add3A_889, %add3A_901, %add3A_916, %add3A_931, %add3A_946, %add3A_961, %add3A_976, %add3A_991, %add3A_891, %add3A_906, %add3A_921, %add3A_936, %add3A_951, %add3A_966, %add3A_981, %add3A_996 : vector<16xf32>, vector<16xf32>, vector<16xf32>, vector<16xf32>, vector<16xf32>, vector<16xf32>, vector<16xf32>, vector<16xf32>, vector<16xf32>, vector<16xf32>, vector<16xf32>, vector<16xf32>, vector<16xf32>, vector<16xf32>, vector<16xf32>, vector<16xf32>, vector<16xf32>, vector<16xf32>, vector<16xf32>, vector<16xf32>, vector<16xf32>, vector<16xf32>, vector<16xf32>, vector<16xf32>
    }
    %scan3A_374 = arith.constant 200 : i32
    %bitcast_convert_type3A = tpu.bitcast %scan3A_373#0 : vector<16xf32> -> vector<16xi32>
    %shift_right_arithmetic3A = arith.constant 23 : i32
    %shift_right_arithmetic3A_375 = vector.broadcast %shift_right_arithmetic3A : i32 to vector<16xi32>
    %shift_right_arithmetic3A_376 = arith.shrsi %bitcast_convert_type3A, %shift_right_arithmetic3A_375 : vector<16xi32>
    %sub3A_377 = arith.constant 127 : i32
    %sub3A_378 = vector.broadcast %sub3A_377 : i32 to vector<16xi32>
    %sub3A_379 = arith.subi %shift_right_arithmetic3A_376, %sub3A_378 : vector<16xi32>
    %and3A = arith.constant 8388607 : i32
    %and3A_380 = vector.broadcast %and3A : i32 to vector<16xi32>
    %and3A_381 = arith.andi %bitcast_convert_type3A, %and3A_380 : vector<16xi32>
    %or3A = arith.constant 1065353216 : i32
    %or3A_382 = vector.broadcast %or3A : i32 to vector<16xi32>
    %or3A_383 = arith.ori %and3A_381, %or3A_382 : vector<16xi32>
    %bitcast_convert_type3A_384 = tpu.bitcast %or3A_383 : vector<16xi32> -> vector<16xf32>
    %convert_element_type3A = arith.sitofp %sub3A_379 : vector<16xi32> to vector<16xf32>
    %mul3A_385 = arith.constant 0.693147182 : f32
    %mul3A_386 = vector.broadcast %mul3A_385 : f32 to vector<16xf32>
    %mul3A_387 = arith.mulf %mul3A_386, %convert_element_type3A : vector<16xf32>
    %sub3A_388 = arith.constant 1.000000e+00 : f32
    %sub3A_389 = vector.broadcast %sub3A_388 : f32 to vector<16xf32>
    %sub3A_390 = arith.subf %bitcast_convert_type3A_384, %sub3A_389 : vector<16xf32>
    %mul3A_391 = arith.constant 2.000000e+00 : f32
    %mul3A_392 = vector.broadcast %mul3A_391 : f32 to vector<16xf32>
    %mul3A_393 = arith.mulf %mul3A_392, %sub3A_390 : vector<16xf32>
    %add3A_394 = arith.constant 1.000000e+00 : f32
    %add3A_395 = vector.broadcast %add3A_394 : f32 to vector<16xf32>
    %add3A_396 = arith.addf %bitcast_convert_type3A_384, %add3A_395 : vector<16xf32>
    %div3A = arith.divf %mul3A_393, %add3A_396 : vector<16xf32>
    %add3A_397 = arith.addf %mul3A_387, %div3A : vector<16xf32>
    %sub3A_398 = arith.constant 1.000000e+00 : f32
    %sub3A_399 = vector.broadcast %sub3A_398 : f32 to vector<16xf32>
    %sub3A_400 = arith.subf %add3A_397, %sub3A_399 : vector<16xf32>
    %neg3A = arith.constant 0.000000e+00 : f32
    %neg3A_401 = vector.broadcast %neg3A : f32 to vector<16xf32>
    %neg3A_402 = arith.subf %neg3A_401, %add3A_397 : vector<16xf32>
    %exp3A_403 = math.exp %neg3A_402 : vector<16xf32>
    %mul3A_404 = arith.mulf %scan3A_373#0, %exp3A_403 : vector<16xf32>
    %add3A_405 = arith.addf %sub3A_400, %mul3A_404 : vector<16xf32>
    %sub3A_406 = arith.constant 1.000000e+00 : f32
    %sub3A_407 = vector.broadcast %sub3A_406 : f32 to vector<16xf32>
    %sub3A_408 = arith.subf %add3A_405, %sub3A_407 : vector<16xf32>
    %neg3A_409 = arith.constant 0.000000e+00 : f32
    %neg3A_410 = vector.broadcast %neg3A_409 : f32 to vector<16xf32>
    %neg3A_411 = arith.subf %neg3A_410, %add3A_405 : vector<16xf32>
    %exp3A_412 = math.exp %neg3A_411 : vector<16xf32>
    %mul3A_413 = arith.mulf %scan3A_373#0, %exp3A_412 : vector<16xf32>
    %add3A_414 = arith.addf %sub3A_408, %mul3A_413 : vector<16xf32>
    %add3A_415 = arith.addf %max3A_337, %add3A_414 : vector<16xf32>
    %mul3A_416 = arith.constant 1.001001E-4 : f32
    %mul3A_417 = vector.broadcast %mul3A_416 : f32 to vector<16xf32>
    %mul3A_418 = arith.mulf %mul3A_417, %scan3A_373#8 : vector<16xf32>
    %mul3A_419 = arith.constant 1.000000e+00 : f32
    %mul3A_420 = vector.broadcast %mul3A_419 : f32 to vector<16xf32>
    %mul3A_421 = arith.mulf %mul3A_420, %add3A_415 : vector<16xf32>
    %sub3A_422 = arith.subf %mul3A_418, %mul3A_421 : vector<16xf32>
    %mul3A_423 = arith.constant 0.899899899 : f32
    %mul3A_424 = vector.broadcast %mul3A_423 : f32 to vector<16xf32>
    %mul3A_425 = arith.mulf %mul3A_424, %scan3A_373#16 : vector<16xf32>
    %add3A_426 = arith.addf %sub3A_422, %mul3A_425 : vector<16xf32>
    %add3A_427 = arith.addf %broadcast_in_dim3A_30, %add3A_426 : vector<16xf32>
    %bitcast_convert_type3A_428 = tpu.bitcast %scan3A_373#1 : vector<16xf32> -> vector<16xi32>
    %shift_right_arithmetic3A_429 = arith.constant 23 : i32
    %shift_right_arithmetic3A_430 = vector.broadcast %shift_right_arithmetic3A_429 : i32 to vector<16xi32>
    %shift_right_arithmetic3A_431 = arith.shrsi %bitcast_convert_type3A_428, %shift_right_arithmetic3A_430 : vector<16xi32>
    %sub3A_432 = arith.constant 127 : i32
    %sub3A_433 = vector.broadcast %sub3A_432 : i32 to vector<16xi32>
    %sub3A_434 = arith.subi %shift_right_arithmetic3A_431, %sub3A_433 : vector<16xi32>
    %and3A_435 = arith.constant 8388607 : i32
    %and3A_436 = vector.broadcast %and3A_435 : i32 to vector<16xi32>
    %and3A_437 = arith.andi %bitcast_convert_type3A_428, %and3A_436 : vector<16xi32>
    %or3A_438 = arith.constant 1065353216 : i32
    %or3A_439 = vector.broadcast %or3A_438 : i32 to vector<16xi32>
    %or3A_440 = arith.ori %and3A_437, %or3A_439 : vector<16xi32>
    %bitcast_convert_type3A_441 = tpu.bitcast %or3A_440 : vector<16xi32> -> vector<16xf32>
    %convert_element_type3A_442 = arith.sitofp %sub3A_434 : vector<16xi32> to vector<16xf32>
    %mul3A_443 = arith.constant 0.693147182 : f32
    %mul3A_444 = vector.broadcast %mul3A_443 : f32 to vector<16xf32>
    %mul3A_445 = arith.mulf %mul3A_444, %convert_element_type3A_442 : vector<16xf32>
    %sub3A_446 = arith.constant 1.000000e+00 : f32
    %sub3A_447 = vector.broadcast %sub3A_446 : f32 to vector<16xf32>
    %sub3A_448 = arith.subf %bitcast_convert_type3A_441, %sub3A_447 : vector<16xf32>
    %mul3A_449 = arith.constant 2.000000e+00 : f32
    %mul3A_450 = vector.broadcast %mul3A_449 : f32 to vector<16xf32>
    %mul3A_451 = arith.mulf %mul3A_450, %sub3A_448 : vector<16xf32>
    %add3A_452 = arith.constant 1.000000e+00 : f32
    %add3A_453 = vector.broadcast %add3A_452 : f32 to vector<16xf32>
    %add3A_454 = arith.addf %bitcast_convert_type3A_441, %add3A_453 : vector<16xf32>
    %div3A_455 = arith.divf %mul3A_451, %add3A_454 : vector<16xf32>
    %add3A_456 = arith.addf %mul3A_445, %div3A_455 : vector<16xf32>
    %sub3A_457 = arith.constant 1.000000e+00 : f32
    %sub3A_458 = vector.broadcast %sub3A_457 : f32 to vector<16xf32>
    %sub3A_459 = arith.subf %add3A_456, %sub3A_458 : vector<16xf32>
    %neg3A_460 = arith.constant 0.000000e+00 : f32
    %neg3A_461 = vector.broadcast %neg3A_460 : f32 to vector<16xf32>
    %neg3A_462 = arith.subf %neg3A_461, %add3A_456 : vector<16xf32>
    %exp3A_463 = math.exp %neg3A_462 : vector<16xf32>
    %mul3A_464 = arith.mulf %scan3A_373#1, %exp3A_463 : vector<16xf32>
    %add3A_465 = arith.addf %sub3A_459, %mul3A_464 : vector<16xf32>
    %sub3A_466 = arith.constant 1.000000e+00 : f32
    %sub3A_467 = vector.broadcast %sub3A_466 : f32 to vector<16xf32>
    %sub3A_468 = arith.subf %add3A_465, %sub3A_467 : vector<16xf32>
    %neg3A_469 = arith.constant 0.000000e+00 : f32
    %neg3A_470 = vector.broadcast %neg3A_469 : f32 to vector<16xf32>
    %neg3A_471 = arith.subf %neg3A_470, %add3A_465 : vector<16xf32>
    %exp3A_472 = math.exp %neg3A_471 : vector<16xf32>
    %mul3A_473 = arith.mulf %scan3A_373#1, %exp3A_472 : vector<16xf32>
    %add3A_474 = arith.addf %sub3A_468, %mul3A_473 : vector<16xf32>
    %add3A_475 = arith.addf %max3A_338, %add3A_474 : vector<16xf32>
    %mul3A_476 = arith.constant 1.001001E-4 : f32
    %mul3A_477 = vector.broadcast %mul3A_476 : f32 to vector<16xf32>
    %mul3A_478 = arith.mulf %mul3A_477, %scan3A_373#9 : vector<16xf32>
    %mul3A_479 = arith.constant 1.000000e+00 : f32
    %mul3A_480 = vector.broadcast %mul3A_479 : f32 to vector<16xf32>
    %mul3A_481 = arith.mulf %mul3A_480, %add3A_475 : vector<16xf32>
    %sub3A_482 = arith.subf %mul3A_478, %mul3A_481 : vector<16xf32>
    %mul3A_483 = arith.constant 0.899899899 : f32
    %mul3A_484 = vector.broadcast %mul3A_483 : f32 to vector<16xf32>
    %mul3A_485 = arith.mulf %mul3A_484, %scan3A_373#17 : vector<16xf32>
    %add3A_486 = arith.addf %sub3A_482, %mul3A_485 : vector<16xf32>
    %add3A_487 = arith.addf %add3A_427, %add3A_486 : vector<16xf32>
    %bitcast_convert_type3A_488 = tpu.bitcast %scan3A_373#2 : vector<16xf32> -> vector<16xi32>
    %shift_right_arithmetic3A_489 = arith.constant 23 : i32
    %shift_right_arithmetic3A_490 = vector.broadcast %shift_right_arithmetic3A_489 : i32 to vector<16xi32>
    %shift_right_arithmetic3A_491 = arith.shrsi %bitcast_convert_type3A_488, %shift_right_arithmetic3A_490 : vector<16xi32>
    %sub3A_492 = arith.constant 127 : i32
    %sub3A_493 = vector.broadcast %sub3A_492 : i32 to vector<16xi32>
    %sub3A_494 = arith.subi %shift_right_arithmetic3A_491, %sub3A_493 : vector<16xi32>
    %and3A_495 = arith.constant 8388607 : i32
    %and3A_496 = vector.broadcast %and3A_495 : i32 to vector<16xi32>
    %and3A_497 = arith.andi %bitcast_convert_type3A_488, %and3A_496 : vector<16xi32>
    %or3A_498 = arith.constant 1065353216 : i32
    %or3A_499 = vector.broadcast %or3A_498 : i32 to vector<16xi32>
    %or3A_500 = arith.ori %and3A_497, %or3A_499 : vector<16xi32>
    %bitcast_convert_type3A_501 = tpu.bitcast %or3A_500 : vector<16xi32> -> vector<16xf32>
    %convert_element_type3A_502 = arith.sitofp %sub3A_494 : vector<16xi32> to vector<16xf32>
    %mul3A_503 = arith.constant 0.693147182 : f32
    %mul3A_504 = vector.broadcast %mul3A_503 : f32 to vector<16xf32>
    %mul3A_505 = arith.mulf %mul3A_504, %convert_element_type3A_502 : vector<16xf32>
    %sub3A_506 = arith.constant 1.000000e+00 : f32
    %sub3A_507 = vector.broadcast %sub3A_506 : f32 to vector<16xf32>
    %sub3A_508 = arith.subf %bitcast_convert_type3A_501, %sub3A_507 : vector<16xf32>
    %mul3A_509 = arith.constant 2.000000e+00 : f32
    %mul3A_510 = vector.broadcast %mul3A_509 : f32 to vector<16xf32>
    %mul3A_511 = arith.mulf %mul3A_510, %sub3A_508 : vector<16xf32>
    %add3A_512 = arith.constant 1.000000e+00 : f32
    %add3A_513 = vector.broadcast %add3A_512 : f32 to vector<16xf32>
    %add3A_514 = arith.addf %bitcast_convert_type3A_501, %add3A_513 : vector<16xf32>
    %div3A_515 = arith.divf %mul3A_511, %add3A_514 : vector<16xf32>
    %add3A_516 = arith.addf %mul3A_505, %div3A_515 : vector<16xf32>
    %sub3A_517 = arith.constant 1.000000e+00 : f32
    %sub3A_518 = vector.broadcast %sub3A_517 : f32 to vector<16xf32>
    %sub3A_519 = arith.subf %add3A_516, %sub3A_518 : vector<16xf32>
    %neg3A_520 = arith.constant 0.000000e+00 : f32
    %neg3A_521 = vector.broadcast %neg3A_520 : f32 to vector<16xf32>
    %neg3A_522 = arith.subf %neg3A_521, %add3A_516 : vector<16xf32>
    %exp3A_523 = math.exp %neg3A_522 : vector<16xf32>
    %mul3A_524 = arith.mulf %scan3A_373#2, %exp3A_523 : vector<16xf32>
    %add3A_525 = arith.addf %sub3A_519, %mul3A_524 : vector<16xf32>
    %sub3A_526 = arith.constant 1.000000e+00 : f32
    %sub3A_527 = vector.broadcast %sub3A_526 : f32 to vector<16xf32>
    %sub3A_528 = arith.subf %add3A_525, %sub3A_527 : vector<16xf32>
    %neg3A_529 = arith.constant 0.000000e+00 : f32
    %neg3A_530 = vector.broadcast %neg3A_529 : f32 to vector<16xf32>
    %neg3A_531 = arith.subf %neg3A_530, %add3A_525 : vector<16xf32>
    %exp3A_532 = math.exp %neg3A_531 : vector<16xf32>
    %mul3A_533 = arith.mulf %scan3A_373#2, %exp3A_532 : vector<16xf32>
    %add3A_534 = arith.addf %sub3A_528, %mul3A_533 : vector<16xf32>
    %add3A_535 = arith.addf %max3A_339, %add3A_534 : vector<16xf32>
    %mul3A_536 = arith.constant 1.001001E-4 : f32
    %mul3A_537 = vector.broadcast %mul3A_536 : f32 to vector<16xf32>
    %mul3A_538 = arith.mulf %mul3A_537, %scan3A_373#10 : vector<16xf32>
    %mul3A_539 = arith.constant 1.000000e+00 : f32
    %mul3A_540 = vector.broadcast %mul3A_539 : f32 to vector<16xf32>
    %mul3A_541 = arith.mulf %mul3A_540, %add3A_535 : vector<16xf32>
    %sub3A_542 = arith.subf %mul3A_538, %mul3A_541 : vector<16xf32>
    %mul3A_543 = arith.constant 0.899899899 : f32
    %mul3A_544 = vector.broadcast %mul3A_543 : f32 to vector<16xf32>
    %mul3A_545 = arith.mulf %mul3A_544, %scan3A_373#18 : vector<16xf32>
    %add3A_546 = arith.addf %sub3A_542, %mul3A_545 : vector<16xf32>
    %add3A_547 = arith.addf %add3A_487, %add3A_546 : vector<16xf32>
    %bitcast_convert_type3A_548 = tpu.bitcast %scan3A_373#3 : vector<16xf32> -> vector<16xi32>
    %shift_right_arithmetic3A_549 = arith.constant 23 : i32
    %shift_right_arithmetic3A_550 = vector.broadcast %shift_right_arithmetic3A_549 : i32 to vector<16xi32>
    %shift_right_arithmetic3A_551 = arith.shrsi %bitcast_convert_type3A_548, %shift_right_arithmetic3A_550 : vector<16xi32>
    %sub3A_552 = arith.constant 127 : i32
    %sub3A_553 = vector.broadcast %sub3A_552 : i32 to vector<16xi32>
    %sub3A_554 = arith.subi %shift_right_arithmetic3A_551, %sub3A_553 : vector<16xi32>
    %and3A_555 = arith.constant 8388607 : i32
    %and3A_556 = vector.broadcast %and3A_555 : i32 to vector<16xi32>
    %and3A_557 = arith.andi %bitcast_convert_type3A_548, %and3A_556 : vector<16xi32>
    %or3A_558 = arith.constant 1065353216 : i32
    %or3A_559 = vector.broadcast %or3A_558 : i32 to vector<16xi32>
    %or3A_560 = arith.ori %and3A_557, %or3A_559 : vector<16xi32>
    %bitcast_convert_type3A_561 = tpu.bitcast %or3A_560 : vector<16xi32> -> vector<16xf32>
    %convert_element_type3A_562 = arith.sitofp %sub3A_554 : vector<16xi32> to vector<16xf32>
    %mul3A_563 = arith.constant 0.693147182 : f32
    %mul3A_564 = vector.broadcast %mul3A_563 : f32 to vector<16xf32>
    %mul3A_565 = arith.mulf %mul3A_564, %convert_element_type3A_562 : vector<16xf32>
    %sub3A_566 = arith.constant 1.000000e+00 : f32
    %sub3A_567 = vector.broadcast %sub3A_566 : f32 to vector<16xf32>
    %sub3A_568 = arith.subf %bitcast_convert_type3A_561, %sub3A_567 : vector<16xf32>
    %mul3A_569 = arith.constant 2.000000e+00 : f32
    %mul3A_570 = vector.broadcast %mul3A_569 : f32 to vector<16xf32>
    %mul3A_571 = arith.mulf %mul3A_570, %sub3A_568 : vector<16xf32>
    %add3A_572 = arith.constant 1.000000e+00 : f32
    %add3A_573 = vector.broadcast %add3A_572 : f32 to vector<16xf32>
    %add3A_574 = arith.addf %bitcast_convert_type3A_561, %add3A_573 : vector<16xf32>
    %div3A_575 = arith.divf %mul3A_571, %add3A_574 : vector<16xf32>
    %add3A_576 = arith.addf %mul3A_565, %div3A_575 : vector<16xf32>
    %sub3A_577 = arith.constant 1.000000e+00 : f32
    %sub3A_578 = vector.broadcast %sub3A_577 : f32 to vector<16xf32>
    %sub3A_579 = arith.subf %add3A_576, %sub3A_578 : vector<16xf32>
    %neg3A_580 = arith.constant 0.000000e+00 : f32
    %neg3A_581 = vector.broadcast %neg3A_580 : f32 to vector<16xf32>
    %neg3A_582 = arith.subf %neg3A_581, %add3A_576 : vector<16xf32>
    %exp3A_583 = math.exp %neg3A_582 : vector<16xf32>
    %mul3A_584 = arith.mulf %scan3A_373#3, %exp3A_583 : vector<16xf32>
    %add3A_585 = arith.addf %sub3A_579, %mul3A_584 : vector<16xf32>
    %sub3A_586 = arith.constant 1.000000e+00 : f32
    %sub3A_587 = vector.broadcast %sub3A_586 : f32 to vector<16xf32>
    %sub3A_588 = arith.subf %add3A_585, %sub3A_587 : vector<16xf32>
    %neg3A_589 = arith.constant 0.000000e+00 : f32
    %neg3A_590 = vector.broadcast %neg3A_589 : f32 to vector<16xf32>
    %neg3A_591 = arith.subf %neg3A_590, %add3A_585 : vector<16xf32>
    %exp3A_592 = math.exp %neg3A_591 : vector<16xf32>
    %mul3A_593 = arith.mulf %scan3A_373#3, %exp3A_592 : vector<16xf32>
    %add3A_594 = arith.addf %sub3A_588, %mul3A_593 : vector<16xf32>
    %add3A_595 = arith.addf %max3A_340, %add3A_594 : vector<16xf32>
    %mul3A_596 = arith.constant 1.001001E-4 : f32
    %mul3A_597 = vector.broadcast %mul3A_596 : f32 to vector<16xf32>
    %mul3A_598 = arith.mulf %mul3A_597, %scan3A_373#11 : vector<16xf32>
    %mul3A_599 = arith.constant 1.000000e+00 : f32
    %mul3A_600 = vector.broadcast %mul3A_599 : f32 to vector<16xf32>
    %mul3A_601 = arith.mulf %mul3A_600, %add3A_595 : vector<16xf32>
    %sub3A_602 = arith.subf %mul3A_598, %mul3A_601 : vector<16xf32>
    %mul3A_603 = arith.constant 0.899899899 : f32
    %mul3A_604 = vector.broadcast %mul3A_603 : f32 to vector<16xf32>
    %mul3A_605 = arith.mulf %mul3A_604, %scan3A_373#19 : vector<16xf32>
    %add3A_606 = arith.addf %sub3A_602, %mul3A_605 : vector<16xf32>
    %add3A_607 = arith.addf %add3A_547, %add3A_606 : vector<16xf32>
    %bitcast_convert_type3A_608 = tpu.bitcast %scan3A_373#4 : vector<16xf32> -> vector<16xi32>
    %shift_right_arithmetic3A_609 = arith.constant 23 : i32
    %shift_right_arithmetic3A_610 = vector.broadcast %shift_right_arithmetic3A_609 : i32 to vector<16xi32>
    %shift_right_arithmetic3A_611 = arith.shrsi %bitcast_convert_type3A_608, %shift_right_arithmetic3A_610 : vector<16xi32>
    %sub3A_612 = arith.constant 127 : i32
    %sub3A_613 = vector.broadcast %sub3A_612 : i32 to vector<16xi32>
    %sub3A_614 = arith.subi %shift_right_arithmetic3A_611, %sub3A_613 : vector<16xi32>
    %and3A_615 = arith.constant 8388607 : i32
    %and3A_616 = vector.broadcast %and3A_615 : i32 to vector<16xi32>
    %and3A_617 = arith.andi %bitcast_convert_type3A_608, %and3A_616 : vector<16xi32>
    %or3A_618 = arith.constant 1065353216 : i32
    %or3A_619 = vector.broadcast %or3A_618 : i32 to vector<16xi32>
    %or3A_620 = arith.ori %and3A_617, %or3A_619 : vector<16xi32>
    %bitcast_convert_type3A_621 = tpu.bitcast %or3A_620 : vector<16xi32> -> vector<16xf32>
    %convert_element_type3A_622 = arith.sitofp %sub3A_614 : vector<16xi32> to vector<16xf32>
    %mul3A_623 = arith.constant 0.693147182 : f32
    %mul3A_624 = vector.broadcast %mul3A_623 : f32 to vector<16xf32>
    %mul3A_625 = arith.mulf %mul3A_624, %convert_element_type3A_622 : vector<16xf32>
    %sub3A_626 = arith.constant 1.000000e+00 : f32
    %sub3A_627 = vector.broadcast %sub3A_626 : f32 to vector<16xf32>
    %sub3A_628 = arith.subf %bitcast_convert_type3A_621, %sub3A_627 : vector<16xf32>
    %mul3A_629 = arith.constant 2.000000e+00 : f32
    %mul3A_630 = vector.broadcast %mul3A_629 : f32 to vector<16xf32>
    %mul3A_631 = arith.mulf %mul3A_630, %sub3A_628 : vector<16xf32>
    %add3A_632 = arith.constant 1.000000e+00 : f32
    %add3A_633 = vector.broadcast %add3A_632 : f32 to vector<16xf32>
    %add3A_634 = arith.addf %bitcast_convert_type3A_621, %add3A_633 : vector<16xf32>
    %div3A_635 = arith.divf %mul3A_631, %add3A_634 : vector<16xf32>
    %add3A_636 = arith.addf %mul3A_625, %div3A_635 : vector<16xf32>
    %sub3A_637 = arith.constant 1.000000e+00 : f32
    %sub3A_638 = vector.broadcast %sub3A_637 : f32 to vector<16xf32>
    %sub3A_639 = arith.subf %add3A_636, %sub3A_638 : vector<16xf32>
    %neg3A_640 = arith.constant 0.000000e+00 : f32
    %neg3A_641 = vector.broadcast %neg3A_640 : f32 to vector<16xf32>
    %neg3A_642 = arith.subf %neg3A_641, %add3A_636 : vector<16xf32>
    %exp3A_643 = math.exp %neg3A_642 : vector<16xf32>
    %mul3A_644 = arith.mulf %scan3A_373#4, %exp3A_643 : vector<16xf32>
    %add3A_645 = arith.addf %sub3A_639, %mul3A_644 : vector<16xf32>
    %sub3A_646 = arith.constant 1.000000e+00 : f32
    %sub3A_647 = vector.broadcast %sub3A_646 : f32 to vector<16xf32>
    %sub3A_648 = arith.subf %add3A_645, %sub3A_647 : vector<16xf32>
    %neg3A_649 = arith.constant 0.000000e+00 : f32
    %neg3A_650 = vector.broadcast %neg3A_649 : f32 to vector<16xf32>
    %neg3A_651 = arith.subf %neg3A_650, %add3A_645 : vector<16xf32>
    %exp3A_652 = math.exp %neg3A_651 : vector<16xf32>
    %mul3A_653 = arith.mulf %scan3A_373#4, %exp3A_652 : vector<16xf32>
    %add3A_654 = arith.addf %sub3A_648, %mul3A_653 : vector<16xf32>
    %add3A_655 = arith.addf %max3A_341, %add3A_654 : vector<16xf32>
    %mul3A_656 = arith.constant 1.001001E-4 : f32
    %mul3A_657 = vector.broadcast %mul3A_656 : f32 to vector<16xf32>
    %mul3A_658 = arith.mulf %mul3A_657, %scan3A_373#12 : vector<16xf32>
    %mul3A_659 = arith.constant 1.000000e+00 : f32
    %mul3A_660 = vector.broadcast %mul3A_659 : f32 to vector<16xf32>
    %mul3A_661 = arith.mulf %mul3A_660, %add3A_655 : vector<16xf32>
    %sub3A_662 = arith.subf %mul3A_658, %mul3A_661 : vector<16xf32>
    %mul3A_663 = arith.constant 0.899899899 : f32
    %mul3A_664 = vector.broadcast %mul3A_663 : f32 to vector<16xf32>
    %mul3A_665 = arith.mulf %mul3A_664, %scan3A_373#20 : vector<16xf32>
    %add3A_666 = arith.addf %sub3A_662, %mul3A_665 : vector<16xf32>
    %add3A_667 = arith.addf %add3A_607, %add3A_666 : vector<16xf32>
    %bitcast_convert_type3A_668 = tpu.bitcast %scan3A_373#5 : vector<16xf32> -> vector<16xi32>
    %shift_right_arithmetic3A_669 = arith.constant 23 : i32
    %shift_right_arithmetic3A_670 = vector.broadcast %shift_right_arithmetic3A_669 : i32 to vector<16xi32>
    %shift_right_arithmetic3A_671 = arith.shrsi %bitcast_convert_type3A_668, %shift_right_arithmetic3A_670 : vector<16xi32>
    %sub3A_672 = arith.constant 127 : i32
    %sub3A_673 = vector.broadcast %sub3A_672 : i32 to vector<16xi32>
    %sub3A_674 = arith.subi %shift_right_arithmetic3A_671, %sub3A_673 : vector<16xi32>
    %and3A_675 = arith.constant 8388607 : i32
    %and3A_676 = vector.broadcast %and3A_675 : i32 to vector<16xi32>
    %and3A_677 = arith.andi %bitcast_convert_type3A_668, %and3A_676 : vector<16xi32>
    %or3A_678 = arith.constant 1065353216 : i32
    %or3A_679 = vector.broadcast %or3A_678 : i32 to vector<16xi32>
    %or3A_680 = arith.ori %and3A_677, %or3A_679 : vector<16xi32>
    %bitcast_convert_type3A_681 = tpu.bitcast %or3A_680 : vector<16xi32> -> vector<16xf32>
    %convert_element_type3A_682 = arith.sitofp %sub3A_674 : vector<16xi32> to vector<16xf32>
    %mul3A_683 = arith.constant 0.693147182 : f32
    %mul3A_684 = vector.broadcast %mul3A_683 : f32 to vector<16xf32>
    %mul3A_685 = arith.mulf %mul3A_684, %convert_element_type3A_682 : vector<16xf32>
    %sub3A_686 = arith.constant 1.000000e+00 : f32
    %sub3A_687 = vector.broadcast %sub3A_686 : f32 to vector<16xf32>
    %sub3A_688 = arith.subf %bitcast_convert_type3A_681, %sub3A_687 : vector<16xf32>
    %mul3A_689 = arith.constant 2.000000e+00 : f32
    %mul3A_690 = vector.broadcast %mul3A_689 : f32 to vector<16xf32>
    %mul3A_691 = arith.mulf %mul3A_690, %sub3A_688 : vector<16xf32>
    %add3A_692 = arith.constant 1.000000e+00 : f32
    %add3A_693 = vector.broadcast %add3A_692 : f32 to vector<16xf32>
    %add3A_694 = arith.addf %bitcast_convert_type3A_681, %add3A_693 : vector<16xf32>
    %div3A_695 = arith.divf %mul3A_691, %add3A_694 : vector<16xf32>
    %add3A_696 = arith.addf %mul3A_685, %div3A_695 : vector<16xf32>
    %sub3A_697 = arith.constant 1.000000e+00 : f32
    %sub3A_698 = vector.broadcast %sub3A_697 : f32 to vector<16xf32>
    %sub3A_699 = arith.subf %add3A_696, %sub3A_698 : vector<16xf32>
    %neg3A_700 = arith.constant 0.000000e+00 : f32
    %neg3A_701 = vector.broadcast %neg3A_700 : f32 to vector<16xf32>
    %neg3A_702 = arith.subf %neg3A_701, %add3A_696 : vector<16xf32>
    %exp3A_703 = math.exp %neg3A_702 : vector<16xf32>
    %mul3A_704 = arith.mulf %scan3A_373#5, %exp3A_703 : vector<16xf32>
    %add3A_705 = arith.addf %sub3A_699, %mul3A_704 : vector<16xf32>
    %sub3A_706 = arith.constant 1.000000e+00 : f32
    %sub3A_707 = vector.broadcast %sub3A_706 : f32 to vector<16xf32>
    %sub3A_708 = arith.subf %add3A_705, %sub3A_707 : vector<16xf32>
    %neg3A_709 = arith.constant 0.000000e+00 : f32
    %neg3A_710 = vector.broadcast %neg3A_709 : f32 to vector<16xf32>
    %neg3A_711 = arith.subf %neg3A_710, %add3A_705 : vector<16xf32>
    %exp3A_712 = math.exp %neg3A_711 : vector<16xf32>
    %mul3A_713 = arith.mulf %scan3A_373#5, %exp3A_712 : vector<16xf32>
    %add3A_714 = arith.addf %sub3A_708, %mul3A_713 : vector<16xf32>
    %add3A_715 = arith.addf %max3A_342, %add3A_714 : vector<16xf32>
    %mul3A_716 = arith.constant 1.001001E-4 : f32
    %mul3A_717 = vector.broadcast %mul3A_716 : f32 to vector<16xf32>
    %mul3A_718 = arith.mulf %mul3A_717, %scan3A_373#13 : vector<16xf32>
    %mul3A_719 = arith.constant 1.000000e+00 : f32
    %mul3A_720 = vector.broadcast %mul3A_719 : f32 to vector<16xf32>
    %mul3A_721 = arith.mulf %mul3A_720, %add3A_715 : vector<16xf32>
    %sub3A_722 = arith.subf %mul3A_718, %mul3A_721 : vector<16xf32>
    %mul3A_723 = arith.constant 0.899899899 : f32
    %mul3A_724 = vector.broadcast %mul3A_723 : f32 to vector<16xf32>
    %mul3A_725 = arith.mulf %mul3A_724, %scan3A_373#21 : vector<16xf32>
    %add3A_726 = arith.addf %sub3A_722, %mul3A_725 : vector<16xf32>
    %add3A_727 = arith.addf %add3A_667, %add3A_726 : vector<16xf32>
    %bitcast_convert_type3A_728 = tpu.bitcast %scan3A_373#6 : vector<16xf32> -> vector<16xi32>
    %shift_right_arithmetic3A_729 = arith.constant 23 : i32
    %shift_right_arithmetic3A_730 = vector.broadcast %shift_right_arithmetic3A_729 : i32 to vector<16xi32>
    %shift_right_arithmetic3A_731 = arith.shrsi %bitcast_convert_type3A_728, %shift_right_arithmetic3A_730 : vector<16xi32>
    %sub3A_732 = arith.constant 127 : i32
    %sub3A_733 = vector.broadcast %sub3A_732 : i32 to vector<16xi32>
    %sub3A_734 = arith.subi %shift_right_arithmetic3A_731, %sub3A_733 : vector<16xi32>
    %and3A_735 = arith.constant 8388607 : i32
    %and3A_736 = vector.broadcast %and3A_735 : i32 to vector<16xi32>
    %and3A_737 = arith.andi %bitcast_convert_type3A_728, %and3A_736 : vector<16xi32>
    %or3A_738 = arith.constant 1065353216 : i32
    %or3A_739 = vector.broadcast %or3A_738 : i32 to vector<16xi32>
    %or3A_740 = arith.ori %and3A_737, %or3A_739 : vector<16xi32>
    %bitcast_convert_type3A_741 = tpu.bitcast %or3A_740 : vector<16xi32> -> vector<16xf32>
    %convert_element_type3A_742 = arith.sitofp %sub3A_734 : vector<16xi32> to vector<16xf32>
    %mul3A_743 = arith.constant 0.693147182 : f32
    %mul3A_744 = vector.broadcast %mul3A_743 : f32 to vector<16xf32>
    %mul3A_745 = arith.mulf %mul3A_744, %convert_element_type3A_742 : vector<16xf32>
    %sub3A_746 = arith.constant 1.000000e+00 : f32
    %sub3A_747 = vector.broadcast %sub3A_746 : f32 to vector<16xf32>
    %sub3A_748 = arith.subf %bitcast_convert_type3A_741, %sub3A_747 : vector<16xf32>
    %mul3A_749 = arith.constant 2.000000e+00 : f32
    %mul3A_750 = vector.broadcast %mul3A_749 : f32 to vector<16xf32>
    %mul3A_751 = arith.mulf %mul3A_750, %sub3A_748 : vector<16xf32>
    %add3A_752 = arith.constant 1.000000e+00 : f32
    %add3A_753 = vector.broadcast %add3A_752 : f32 to vector<16xf32>
    %add3A_754 = arith.addf %bitcast_convert_type3A_741, %add3A_753 : vector<16xf32>
    %div3A_755 = arith.divf %mul3A_751, %add3A_754 : vector<16xf32>
    %add3A_756 = arith.addf %mul3A_745, %div3A_755 : vector<16xf32>
    %sub3A_757 = arith.constant 1.000000e+00 : f32
    %sub3A_758 = vector.broadcast %sub3A_757 : f32 to vector<16xf32>
    %sub3A_759 = arith.subf %add3A_756, %sub3A_758 : vector<16xf32>
    %neg3A_760 = arith.constant 0.000000e+00 : f32
    %neg3A_761 = vector.broadcast %neg3A_760 : f32 to vector<16xf32>
    %neg3A_762 = arith.subf %neg3A_761, %add3A_756 : vector<16xf32>
    %exp3A_763 = math.exp %neg3A_762 : vector<16xf32>
    %mul3A_764 = arith.mulf %scan3A_373#6, %exp3A_763 : vector<16xf32>
    %add3A_765 = arith.addf %sub3A_759, %mul3A_764 : vector<16xf32>
    %sub3A_766 = arith.constant 1.000000e+00 : f32
    %sub3A_767 = vector.broadcast %sub3A_766 : f32 to vector<16xf32>
    %sub3A_768 = arith.subf %add3A_765, %sub3A_767 : vector<16xf32>
    %neg3A_769 = arith.constant 0.000000e+00 : f32
    %neg3A_770 = vector.broadcast %neg3A_769 : f32 to vector<16xf32>
    %neg3A_771 = arith.subf %neg3A_770, %add3A_765 : vector<16xf32>
    %exp3A_772 = math.exp %neg3A_771 : vector<16xf32>
    %mul3A_773 = arith.mulf %scan3A_373#6, %exp3A_772 : vector<16xf32>
    %add3A_774 = arith.addf %sub3A_768, %mul3A_773 : vector<16xf32>
    %add3A_775 = arith.addf %max3A_343, %add3A_774 : vector<16xf32>
    %mul3A_776 = arith.constant 1.001001E-4 : f32
    %mul3A_777 = vector.broadcast %mul3A_776 : f32 to vector<16xf32>
    %mul3A_778 = arith.mulf %mul3A_777, %scan3A_373#14 : vector<16xf32>
    %mul3A_779 = arith.constant 1.000000e+00 : f32
    %mul3A_780 = vector.broadcast %mul3A_779 : f32 to vector<16xf32>
    %mul3A_781 = arith.mulf %mul3A_780, %add3A_775 : vector<16xf32>
    %sub3A_782 = arith.subf %mul3A_778, %mul3A_781 : vector<16xf32>
    %mul3A_783 = arith.constant 0.899899899 : f32
    %mul3A_784 = vector.broadcast %mul3A_783 : f32 to vector<16xf32>
    %mul3A_785 = arith.mulf %mul3A_784, %scan3A_373#22 : vector<16xf32>
    %add3A_786 = arith.addf %sub3A_782, %mul3A_785 : vector<16xf32>
    %add3A_787 = arith.addf %add3A_727, %add3A_786 : vector<16xf32>
    %bitcast_convert_type3A_788 = tpu.bitcast %scan3A_373#7 : vector<16xf32> -> vector<16xi32>
    %shift_right_arithmetic3A_789 = arith.constant 23 : i32
    %shift_right_arithmetic3A_790 = vector.broadcast %shift_right_arithmetic3A_789 : i32 to vector<16xi32>
    %shift_right_arithmetic3A_791 = arith.shrsi %bitcast_convert_type3A_788, %shift_right_arithmetic3A_790 : vector<16xi32>
    %sub3A_792 = arith.constant 127 : i32
    %sub3A_793 = vector.broadcast %sub3A_792 : i32 to vector<16xi32>
    %sub3A_794 = arith.subi %shift_right_arithmetic3A_791, %sub3A_793 : vector<16xi32>
    %and3A_795 = arith.constant 8388607 : i32
    %and3A_796 = vector.broadcast %and3A_795 : i32 to vector<16xi32>
    %and3A_797 = arith.andi %bitcast_convert_type3A_788, %and3A_796 : vector<16xi32>
    %or3A_798 = arith.constant 1065353216 : i32
    %or3A_799 = vector.broadcast %or3A_798 : i32 to vector<16xi32>
    %or3A_800 = arith.ori %and3A_797, %or3A_799 : vector<16xi32>
    %bitcast_convert_type3A_801 = tpu.bitcast %or3A_800 : vector<16xi32> -> vector<16xf32>
    %convert_element_type3A_802 = arith.sitofp %sub3A_794 : vector<16xi32> to vector<16xf32>
    %mul3A_803 = arith.constant 0.693147182 : f32
    %mul3A_804 = vector.broadcast %mul3A_803 : f32 to vector<16xf32>
    %mul3A_805 = arith.mulf %mul3A_804, %convert_element_type3A_802 : vector<16xf32>
    %sub3A_806 = arith.constant 1.000000e+00 : f32
    %sub3A_807 = vector.broadcast %sub3A_806 : f32 to vector<16xf32>
    %sub3A_808 = arith.subf %bitcast_convert_type3A_801, %sub3A_807 : vector<16xf32>
    %mul3A_809 = arith.constant 2.000000e+00 : f32
    %mul3A_810 = vector.broadcast %mul3A_809 : f32 to vector<16xf32>
    %mul3A_811 = arith.mulf %mul3A_810, %sub3A_808 : vector<16xf32>
    %add3A_812 = arith.constant 1.000000e+00 : f32
    %add3A_813 = vector.broadcast %add3A_812 : f32 to vector<16xf32>
    %add3A_814 = arith.addf %bitcast_convert_type3A_801, %add3A_813 : vector<16xf32>
    %div3A_815 = arith.divf %mul3A_811, %add3A_814 : vector<16xf32>
    %add3A_816 = arith.addf %mul3A_805, %div3A_815 : vector<16xf32>
    %sub3A_817 = arith.constant 1.000000e+00 : f32
    %sub3A_818 = vector.broadcast %sub3A_817 : f32 to vector<16xf32>
    %sub3A_819 = arith.subf %add3A_816, %sub3A_818 : vector<16xf32>
    %neg3A_820 = arith.constant 0.000000e+00 : f32
    %neg3A_821 = vector.broadcast %neg3A_820 : f32 to vector<16xf32>
    %neg3A_822 = arith.subf %neg3A_821, %add3A_816 : vector<16xf32>
    %exp3A_823 = math.exp %neg3A_822 : vector<16xf32>
    %mul3A_824 = arith.mulf %scan3A_373#7, %exp3A_823 : vector<16xf32>
    %add3A_825 = arith.addf %sub3A_819, %mul3A_824 : vector<16xf32>
    %sub3A_826 = arith.constant 1.000000e+00 : f32
    %sub3A_827 = vector.broadcast %sub3A_826 : f32 to vector<16xf32>
    %sub3A_828 = arith.subf %add3A_825, %sub3A_827 : vector<16xf32>
    %neg3A_829 = arith.constant 0.000000e+00 : f32
    %neg3A_830 = vector.broadcast %neg3A_829 : f32 to vector<16xf32>
    %neg3A_831 = arith.subf %neg3A_830, %add3A_825 : vector<16xf32>
    %exp3A_832 = math.exp %neg3A_831 : vector<16xf32>
    %mul3A_833 = arith.mulf %scan3A_373#7, %exp3A_832 : vector<16xf32>
    %add3A_834 = arith.addf %sub3A_828, %mul3A_833 : vector<16xf32>
    %add3A_835 = arith.addf %max3A_344, %add3A_834 : vector<16xf32>
    %mul3A_836 = arith.constant 1.001001E-4 : f32
    %mul3A_837 = vector.broadcast %mul3A_836 : f32 to vector<16xf32>
    %mul3A_838 = arith.mulf %mul3A_837, %scan3A_373#15 : vector<16xf32>
    %mul3A_839 = arith.constant 1.000000e+00 : f32
    %mul3A_840 = vector.broadcast %mul3A_839 : f32 to vector<16xf32>
    %mul3A_841 = arith.mulf %mul3A_840, %add3A_835 : vector<16xf32>
    %sub3A_842 = arith.subf %mul3A_838, %mul3A_841 : vector<16xf32>
    %mul3A_843 = arith.constant 0.899899899 : f32
    %mul3A_844 = vector.broadcast %mul3A_843 : f32 to vector<16xf32>
    %mul3A_845 = arith.mulf %mul3A_844, %scan3A_373#23 : vector<16xf32>
    %add3A_846 = arith.addf %sub3A_842, %mul3A_845 : vector<16xf32>
    %add3A_847 = arith.addf %add3A_787, %add3A_846 : vector<16xf32>
    %swap3A = arith.constant 0 : index
    %swap3A_848 = tpu.vector_load %arg7[%swap3A] {strides = array<i32>} : memref<16xf32, #tpu.memory_space<vmem>>, vector<16xf32>,
    %swap3A_849 = vector.shape_cast %swap3A_848 : vector<16xf32> to vector<16xf32>
    %swap3A_850 = vector.shape_cast %add3A_847 : vector<16xf32> to vector<16xf32>
    tpu.vector_store %arg7[%swap3A], %swap3A_850 {strides = array<i32>} : memref<16xf32, #tpu.memory_space<vmem>>, vector<16xf32>,
    "tpu.region"() ({
      %run_scoped3A = tpu.sem_alloc : memref<!tpu.dma_semaphore, #tpu.memory_space<semaphore_mem>>
      %dma_start3A_851 = arith.constant 0 : i32
      %dma_start3A_852 = tpu.memref_slice %arg4[%add3A, %dma_start3A_851] : memref<32x16xf32, #tpu.memory_space<hbm>> -> memref<1x16xf32, #tpu.memory_space<hbm>>
      %dma_start3A_853 = tpu.memref_squeeze %dma_start3A_852 : memref<1x16xf32, #tpu.memory_space<hbm>> -> memref<16xf32, #tpu.memory_space<hbm>>
      %dma_start3A_854 = arith.constant 0 : i32
      %dma_start3A_855 = tpu.memref_slice %arg4[%add3A, %dma_start3A_854] : memref<32x16xf32, #tpu.memory_space<hbm>> -> memref<1x16xf32, #tpu.memory_space<hbm>>
      %dma_start3A_856 = tpu.memref_squeeze %dma_start3A_855 : memref<1x16xf32, #tpu.memory_space<hbm>> -> memref<16xf32, #tpu.memory_space<hbm>>
      tpu.enqueue_dma source(%arg7 : memref<16xf32, #tpu.memory_space<vmem>>) target(%dma_start3A_856 : memref<16xf32, #tpu.memory_space<hbm>>) target_semaphore(%run_scoped3A : memref<!tpu.dma_semaphore, #tpu.memory_space<semaphore_mem>>)
      %dma_wait3A_857 = arith.constant 0 : i32
      %dma_wait3A_858 = tpu.memref_slice %arg4[%add3A, %dma_wait3A_857] : memref<32x16xf32, #tpu.memory_space<hbm>> -> memref<1x16xf32, #tpu.memory_space<hbm>>
      %dma_wait3A_859 = tpu.memref_squeeze %dma_wait3A_858 : memref<1x16xf32, #tpu.memory_space<hbm>> -> memref<16xf32, #tpu.memory_space<hbm>>
      %dma_wait3A_860 = arith.constant 0 : i32
      %dma_wait3A_861 = tpu.memref_slice %arg4[%add3A, %dma_wait3A_860] : memref<32x16xf32, #tpu.memory_space<hbm>> -> memref<1x16xf32, #tpu.memory_space<hbm>>
      %dma_wait3A_862 = tpu.memref_squeeze %dma_wait3A_861 : memref<1x16xf32, #tpu.memory_space<hbm>> -> memref<16xf32, #tpu.memory_space<hbm>>
      tpu.wait_dma2 semaphore(%run_scoped3A : memref<!tpu.dma_semaphore, #tpu.memory_space<semaphore_mem>>) src(%arg7 : memref<16xf32, #tpu.memory_space<vmem>>) dst(%dma_wait3A_862 : memref<16xf32, #tpu.memory_space<hbm>>)
      tpu.yield
    }) : () -> ()
    return
  }
}

module attributes {stable_mosaic.version = 14 : i64} {
  func.func @_dense_body(%arg0: i32, %arg1: memref<1000x2048xf32, #tpu.memory_space<vmem>>, %arg2: memref<1x1x2048xi32, #tpu.memory_space<vmem>>, %arg3: memref<1x1xf32, #tpu.memory_space<vmem>>) attributes {dimension_semantics = [#tpu.dimension_semantics<arbitrary>], iteration_bounds = array<i64: 6>, scalar_prefetch = 0 : i64, scratch_operands = 0 : i64, tpu.core_type = #tpu.core_type<tc>, window_params = [{transform_indices = @transform_0, window_bounds = array<i64: 1000, 2048>}, {transform_indices = @transform_1, window_bounds = array<i64: 1, 1, 2048>}, {pipeline_mode = #tpu.pipeline_mode<synchronous>, transform_indices = @transform_2, window_bounds = array<i64: 1, 1>}]} {
    %get3A = arith.constant 0 : index
    %get3A_0 = arith.constant 0 : index
    %get3A_1 = vector.load %arg1[%get3A, %get3A_0] : memref<1000x2048xf32, #tpu.memory_space<vmem>>, vector<1000x2048xf32>
    %get3A_2 = arith.constant 0 : index
    %get3A_3 = arith.constant 0 : index
    %get3A_4 = arith.constant 0 : index
    %get3A_5 = vector.load %arg2[%get3A_2, %get3A_3, %get3A_4] : memref<1x1x2048xi32, #tpu.memory_space<vmem>>, vector<1x1x2048xi32>
    %get3A_6 = vector.shape_cast %get3A_5 : vector<1x1x2048xi32> to vector<2048xi32>
    %reduce_max3A = arith.constant dense<0xFF800000> : vector<2048xf32>
    %reduce_max3A_7 = vector.multi_reduction <maximumf>, %get3A_1, %reduce_max3A [0] : vector<1000x2048xf32> to vector<2048xf32>
    %broadcast_in_dim3A = vector.shape_cast %reduce_max3A_7 : vector<2048xf32> to vector<1x2048xf32>
    %sub3A = vector.broadcast %broadcast_in_dim3A : vector<1x2048xf32> to vector<1000x2048xf32>
    %sub3A_8 = arith.subf %get3A_1, %sub3A : vector<1000x2048xf32>
    %exp3A = math.exp %sub3A_8 : vector<1000x2048xf32>
    %reduce_sum3A = arith.constant dense<0.000000e+00> : vector<2048xf32>
    %reduce_sum3A_9 = vector.multi_reduction <add>, %exp3A, %reduce_sum3A [0] : vector<1000x2048xf32> to vector<2048xf32>
    %broadcast_in_dim3A_10 = vector.shape_cast %reduce_sum3A_9 : vector<2048xf32> to vector<1x2048xf32>
    %log3A = math.log %broadcast_in_dim3A_10 : vector<1x2048xf32>
    %add3A = arith.addf %broadcast_in_dim3A, %log3A : vector<1x2048xf32>
    %iota3A = tpu.iota {dimensions = array<i32: 0>} : vector<1000x2048xi32>
    %broadcast_in_dim3A_11 = vector.shape_cast %get3A_6 : vector<2048xi32> to vector<1x2048xi32>
    %eq3A = vector.broadcast %broadcast_in_dim3A_11 : vector<1x2048xi32> to vector<1000x2048xi32>
    %eq3A_12 = arith.cmpi eq, %iota3A, %eq3A : vector<1000x2048xi32>
    %jit3A = arith.constant 0.000000e+00 : f32
    %broadcast_in_dim3A_13 = vector.broadcast %jit3A : f32 to vector<1000x2048xf32>
    %select_n3A = arith.select %eq3A_12, %get3A_1, %broadcast_in_dim3A_13 : vector<1000x2048xi1>, vector<1000x2048xf32>
    %reduce_sum3A_14 = vector.shape_cast %select_n3A : vector<1000x2048xf32> to vector<1x1000x2048xf32>
    %reduce_sum3A_15 = arith.constant dense<0.000000e+00> : vector<1xf32>
    %reduce_sum3A_16 = vector.multi_reduction <add>, %reduce_sum3A_14, %reduce_sum3A_15 [1, 2] : vector<1x1000x2048xf32> to vector<1xf32>
    %reduce_sum3A_17 = vector.shape_cast %reduce_sum3A_16 : vector<1xf32> to vector<1x1x1xf32>
    %reduce_sum3A_18 = vector.extract %reduce_sum3A_17[0, 0, 0] : f32 from vector<1x1x1xf32>
    %reduce_sum3A_19 = vector.shape_cast %get3A_1 : vector<1000x2048xf32> to vector<1x1000x2048xf32>
    %reduce_sum3A_20 = arith.constant dense<0.000000e+00> : vector<1xf32>
    %reduce_sum3A_21 = vector.multi_reduction <add>, %reduce_sum3A_19, %reduce_sum3A_20 [1, 2] : vector<1x1000x2048xf32> to vector<1xf32>
    %reduce_sum3A_22 = vector.shape_cast %reduce_sum3A_21 : vector<1xf32> to vector<1x1x1xf32>
    %reduce_sum3A_23 = vector.extract %reduce_sum3A_22[0, 0, 0] : f32 from vector<1x1x1xf32>
    %mul3A = arith.constant 1.001001E-4 : f32
    %mul3A_24 = arith.mulf %mul3A, %reduce_sum3A_23 : f32
    %reduce_sum3A_25 = vector.shape_cast %add3A : vector<1x2048xf32> to vector<1x1x2048xf32>
    %reduce_sum3A_26 = arith.constant dense<0.000000e+00> : vector<1xf32>
    %reduce_sum3A_27 = vector.multi_reduction <add>, %reduce_sum3A_25, %reduce_sum3A_26 [1, 2] : vector<1x1x2048xf32> to vector<1xf32>
    %reduce_sum3A_28 = vector.shape_cast %reduce_sum3A_27 : vector<1xf32> to vector<1x1x1xf32>
    %reduce_sum3A_29 = vector.extract %reduce_sum3A_28[0, 0, 0] : f32 from vector<1x1x1xf32>
    %mul3A_30 = arith.constant 1.000000e+00 : f32
    %mul3A_31 = arith.mulf %mul3A_30, %reduce_sum3A_29 : f32
    %sub3A_32 = arith.subf %mul3A_24, %mul3A_31 : f32
    %mul3A_33 = arith.constant 0.899899899 : f32
    %mul3A_34 = arith.mulf %mul3A_33, %reduce_sum3A_18 : f32
    %add3A_35 = arith.addf %sub3A_32, %mul3A_34 : f32
    %reshape3A = vector.broadcast %add3A_35 : f32 to vector<1x1xf32>
    %eq3A_36 = arith.constant 0 : i32
    %eq3A_37 = arith.cmpi eq, %arg0, %eq3A_36 : i32
    %convert_element_type3A = arith.extui %eq3A_37 : i1 to i32
    %cond3A = arith.constant 0 : i32
    %cond3A_38 = arith.cmpi ne, %convert_element_type3A, %cond3A : i32
    scf.if %cond3A_38 {
      %broadcast_in_dim3A_45 = arith.constant 0.000000e+00 : f32
      %broadcast_in_dim3A_46 = vector.broadcast %broadcast_in_dim3A_45 : f32 to vector<1x1xf32>
      %swap3A_47 = arith.constant 0 : index
      %swap3A_48 = arith.constant 0 : index
      %swap3A_49 = vector.load %arg3[%swap3A_47, %swap3A_48] : memref<1x1xf32, #tpu.memory_space<vmem>>, vector<1x1xf32>
      tpu.vector_store %arg3[%swap3A_47, %swap3A_48], %broadcast_in_dim3A_46 {strides = array<i32>} : memref<1x1xf32, #tpu.memory_space<vmem>>, vector<1x1xf32>,
    } else {
    }
    %get3A_39 = arith.constant 0 : index
    %get3A_40 = arith.constant 0 : index
    %get3A_41 = vector.load %arg3[%get3A_39, %get3A_40] : memref<1x1xf32, #tpu.memory_space<vmem>>, vector<1x1xf32>
    %add3A_42 = arith.addf %get3A_41, %reshape3A : vector<1x1xf32>
    %swap3A = arith.constant 0 : index
    %swap3A_43 = arith.constant 0 : index
    %swap3A_44 = vector.load %arg3[%swap3A, %swap3A_43] : memref<1x1xf32, #tpu.memory_space<vmem>>, vector<1x1xf32>
    tpu.vector_store %arg3[%swap3A, %swap3A_43], %add3A_42 {strides = array<i32>} : memref<1x1xf32, #tpu.memory_space<vmem>>, vector<1x1xf32>,
    return
  }
  func.func @transform_0(%arg0: i32) -> (i32, i32) {
    %c0_i32 = arith.constant 0 : i32
    %c0_i32_0 = arith.constant 0 : i32
    return %c0_i32, %arg0 : i32, i32
  }
  func.func @transform_1(%arg0: i32) -> (i32, i32, i32) {
    %c0_i32 = arith.constant 0 : i32
    %c0_i32_0 = arith.constant 0 : i32
    %c0_i32_1 = arith.constant 0 : i32
    return %arg0, %c0_i32, %c0_i32_0 : i32, i32, i32
  }
  func.func @transform_2(%arg0: i32) -> (i32, i32) {
    %c0_i32 = arith.constant 0 : i32
    %c0_i32_0 = arith.constant 0 : i32
    %c0_i32_1 = arith.constant 0 : i32
    return %c0_i32, %c0_i32_0 : i32, i32
  }
}

</mosaic_0001>

<sc_bundles>
// kernel: kernel.4.cloned.1.call-start
scs
__scs_entry_jumppad:
0x0: {  	(pc) =	sbr.rel $0x88, $3  }
0x1: {  	(tag) =	ssettag $0x0;
	lr =	simm.s32 $0x1  }
0x2: {  	[smem:$0x3F9F] =	sst lr;
	_ =	strace $0xD0000000  }
0x3: {  	_ = 	snop  }
0x4: {  	_ = 	snop  }
0x5: {  	_ = 	snop  }
0x6: {  	_ = 	snop  }
0x7: {  	_ = 	snop  }
__scs_overlays_trampoline_lowered:
0x8: {  	[smem:$0x3FAE] =	sst s0  }
0x9: {  	[smem:$0x3FAF] =	sst s1  }
0xa: {  	[smem:$0x3FB0] =	sst s2  }
0xb: {  	[smem:$0x3FB1] =	sst s3  }
0xc: {  	[smem:$0x3FB2] =	sst s4  }
0xd: {  	[smem:$0x3FB3] =	sst s5  }
0xe: {  	[smem:$0x3FB4] =	sst s6  }
0xf: {  	[smem:$0x3FB5] =	sst s7  }
0x10: {  	[smem:$0x3FB6] =	sst s8  }
0x11: {  	[smem:$0x3FB7] =	sst s9;
	s0 =	simm.s32 @!p0 $0x0  }
0x12: {  	s1 =	sld [smem:$0x3F9D];
	s0 =	simm.s32 @p0 $0x1  }
0x13: {  	[smem:$0x3FB8] =	sst s0;
	s0 =	simm.s32 @!p1 $0x0  }
0x14: {  	s2 =	sld [smem:$0x3F9C];
	s0 =	simm.s32 @p1 $0x1  }
0x15: {  	[smem:$0x3FB9] =	sst s0;
	s0 =	simm.s32 @!p2 $0x0  }
0x16: {  	s3 =	sld [smem:$0x3FDB];
	s0 =	simm.s32 @p2 $0x1  }
0x17: {  	s4 =	simm.s32 $0x1BF5;
	[smem:$0x3FBB] =	sst s0  }
0x18: {  	s0 =	sld [smem:$0x3F9E];
	_ =	swait.ge [sflag:s4], $0x0  }
0x19: {  	s7 =	sld [smem:$0x3F9F]  }
0x1a: {  	s8 =	sadd.s32 $0xFFFFE003, lr  }
0x1b: {  	s9 =	sadd.s32 $0xFFFFFEF7, lr;
	s5 =	simm.s32 $0xFFFFFFFF;
	p2 =	slt.u32 s8, $0xFFFFF086  }
0x1c: {  	p1 =	slt.u32 s9, $0xF7A;
	s5 =	simm.s32 @!p2 $0x0  }
0x1d: {  	s5 =	simm.s32 @p1 $0x1;
	p0 =	seq.s32 s7, s2  }
0x1e: {  	s7 =	smul.u32 @!p0 $0xF7A, s2;
	p2 =	seq.s32 @!p0 s5, $0x0  }
0x1f: {  	s9 =	smul.u32 $0xF7A, s1;
	s8 =	simm.s32 @!p0 $0x1BF5;
	p2 =	por !p2, p0  }
0x20: {  	[sflag:s8] =	ssyncset.s32 @!p0 $0xFFFFF086;
	s6 =	sadd.s32 @!p0 s3, s7;
	s7 =	simm.s32 @!p0 $0x108  }
0x21: {  	s3 =	sadd.s32 s3, s9;
	s6 =	sadd.s32 @!p0 $0x88, s6;
	s7 =	simm.s32 @p2 $0x1082  }
0x22: {  	[simem:s7], [sflag:s8] =	dma.local @!p0 [hbm:s6], $0xF7A  }
0x23: {  	s9 =	sor.u32 $0xD0000000, s2;
	s6 =	simm.s32 $0x108;
	_ =	swait.ge @!p0 [sflag:s8], $0x0  }
0x24: {  	s3 =	sadd.s32 $0x88, s3;
	s6 =	simm.s32 @!p1 $0x1082;
	[sflag:s4] =	ssyncset.s32 $0xFFFFF086  }
0x25: {  	[simem:s6], [sflag:s4] =	dma.local [hbm:s3], $0xF7A  }
0x26: {  	[smem:$0x3F9F] =	sst s1;
	(tag) =	ssettag s2;
	_ =	strace s9  }
0x27: {  	s1 =	sld [smem:$0x3FAF]  }
0x28: {  	s2 =	sld [smem:$0x3FB0]  }
0x29: {  	s4 =	sld [smem:$0x3FB2]  }
0x2a: {  	p0 =	seq.s32 s5, $0x0;
	s5 =	sld [smem:$0x3FB3]  }
0x2b: {  	s6 =	sld [smem:$0x3FB4]  }
0x2c: {  	s7 =	sld [smem:$0x3FB5]  }
0x2d: {  	s3 =	simm.s32 $0x108;
	s8 =	sld [smem:$0x3FB6]  }
0x2e: {  	s3 =	simm.s32 @!p0 $0x1082;
	s9 =	sld [smem:$0x3FB7]  }
0x2f: {  	lr =	sadd.s32 s0, s3;
	s0 =	sld [smem:$0x3FAE]  }
0x30: {  	s3 =	sld [smem:$0x3FB1]  }
0x31: {  	[smem:$0x3FBA] =	sst s10  }
0x32: {  	s10 =	sld [smem:$0x3FB8];
	_ =	sdelay $0x3  }
0x33: {  	p0 =	seq.s32 s10, $0x1;
	s10 =	sld [smem:$0x3FBA];
	_ =	sdelay $0x3  }
0x34: {  	[smem:$0x3FBA] =	sst s10  }
0x35: {  	s10 =	sld [smem:$0x3FB9];
	_ =	sdelay $0x3  }
0x36: {  	p1 =	seq.s32 s10, $0x1;
	s10 =	sld [smem:$0x3FBA];
	_ =	sdelay $0x3  }
0x37: {  	[smem:$0x3FBA] =	sst s10  }
0x38: {  	s10 =	sld [smem:$0x3FBB]  }
0x39: {  	_ = 	snop;
	(pc) =	sbr.ind lr, $3  }
0x3a: {  	_ = 	snop  }
0x3b: {  	_ = 	snop  }
0x3c: {  	p2 =	seq.s32 s10, $0x1;
	s10 =	sld [smem:$0x3FBA]  }
0x3d: {  	_ =	shalt  }
0x3e: {  	_ =	shalt  }
0x3f: {  	_ =	shalt  }
0x40: {  	_ =	shalt  }
0x41: {  	_ =	shalt  }
0x42: {  	_ =	shalt  }
0x43: {  	_ =	shalt  }
0x44: {  	_ =	shalt  }
0x45: {  	_ =	shalt  }
0x46: {  	_ =	shalt  }
0x47: {  	_ =	shalt  }
0x48: {  	_ =	shalt  }
0x49: {  	_ =	shalt  }
0x4a: {  	_ =	shalt  }
0x4b: {  	_ =	shalt  }
0x4c: {  	_ =	shalt  }
0x4d: {  	_ =	shalt  }
0x4e: {  	_ =	shalt  }
0x4f: {  	_ =	shalt  }
0x50: {  	_ =	shalt  }
0x51: {  	_ =	shalt  }
0x52: {  	_ =	shalt  }
0x53: {  	_ =	shalt  }
0x54: {  	_ =	shalt  }
0x55: {  	_ =	shalt  }
0x56: {  	_ =	shalt  }
0x57: {  	_ =	shalt  }
0x58: {  	_ =	shalt  }
0x59: {  	_ =	shalt  }
0x5a: {  	_ =	shalt  }
0x5b: {  	_ =	shalt  }
0x5c: {  	_ =	shalt  }
0x5d: {  	_ =	shalt  }
0x5e: {  	_ =	shalt  }
0x5f: {  	_ =	shalt  }
0x60: {  	_ =	shalt  }
0x61: {  	_ =	shalt  }
0x62: {  	_ =	shalt  }
0x63: {  	_ =	shalt  }
0x64: {  	_ =	shalt  }
0x65: {  	_ =	shalt  }
0x66: {  	_ =	shalt  }
0x67: {  	_ =	shalt  }
0x68: {  	_ =	shalt  }
0x69: {  	_ =	shalt  }
0x6a: {  	_ =	shalt  }
0x6b: {  	_ =	shalt  }
0x6c: {  	_ =	shalt  }
0x6d: {  	_ =	shalt  }
0x6e: {  	_ =	shalt  }
0x6f: {  	_ =	shalt  }
0x70: {  	_ =	shalt  }
0x71: {  	_ =	shalt  }
0x72: {  	_ =	shalt  }
0x73: {  	_ =	shalt  }
0x74: {  	_ =	shalt  }
0x75: {  	_ =	shalt  }
0x76: {  	_ =	shalt  }
0x77: {  	_ =	shalt  }
0x78: {  	_ =	shalt  }
0x79: {  	_ =	shalt  }
0x7a: {  	_ =	shalt  }
0x7b: {  	_ =	shalt  }
0x7c: {  	_ =	shalt  }
0x7d: {  	_ =	shalt  }
0x7e: {  	_ =	shalt  }
0x7f: {  	_ =	shalt  }
0x80: {  	_ =	shalt  }
0x81: {  	_ =	shalt  }
0x82: {  	_ =	shalt  }
0x83: {  	_ =	shalt  }
0x84: {  	_ =	shalt  }
0x85: {  	_ =	shalt  }
0x86: {  	_ =	shalt  }
0x87: {  	_ =	shalt  }
.Lfunc_end0:
.L_simem_size_0:
called_computation_lowered:
.L_overlay_start_0:
0x88: {  	s2 =	sld [smem:$0x3FD9]  }
0x89: {  	s3 =	sld [smem:$0x3FFE];
	_ =	sdelay $0x1  }
0x8a: {  	s1 =	srdreg.scid  }
0x8b: {  	s0 =	sand.u32 $0x1, s1  }
0x8c: {  	s17 =	sshll.u32 s0, $0xA;
	s2 =	sadd.s32 s3, s2  }
0x8d: {  	s2 =	sadd.s32 s2, s17  }
0x8e: {  	[smem:$0x3FC6] =	sst s2  }
0x8f: {  	_ = 	snop  }
0x90: {  	s2 =	sld [smem:$0x3FC9]  }
0x91: {  	s18 =	sld [smem:$0x3FC8];
	(tm) =	ssettm $0x1  }
0x92: {  	s4 =	sld [smem:$0x3FFB];
	_ =	sdelay $0x3  }
0x93: {  	_ =	strace s4  }
0x94: {  	s4 =	sld [smem:$0x3FFC];
	_ =	sdelay $0x3  }
0x95: {  	_ =	strace s4  }
0x96: {  	s4 =	sld [smem:$0x3FFD];
	_ =	sdelay $0x3  }
0x97: {  	_ =	strace s4  }
0x98: {  	_ =	strace $0x8FFFFFFF  }
0x99: {  	s19 =	sld [smem:$0x3FDB];
	_ =	sdelay $0x1  }
0x9a: {  	s5 =	simm.s32 $_scs_section_size  }
0x9b: {  	s6 =	simm.s32 $_size__tile_overlayer_lowered;
	s7 =	simm.s32 $_tile_overlayer_lowered  }
0x9c: {  	s22 =	simm.s32 $0x1BFF;
	s21 =	sshll.u32 s7, $0x1;
	s4 =	sadd.s32 s5, s19  }
0x9d: {  	s8 =	simm.s32 $0x0;
	s20 =	sshll.u32 s6, $0x1;
	s6 =	sadd.s32 s21, s4  }
0x9e: {  	[timem:s8], [sflag:s22] =	dma.local [hbm:s6], s20  }
0x9f: {  	_ =	swait.ge [sflag:s22], s20  }
0xa0: {  	s5 =	ssub.s32 $0x0, s20;
	[sflag:s22] =	ssyncset.done $0x0  }
0xa1: {  	[sflag:s22] =	ssyncadd.s32 s5;
	_ =	sdelay $0x1  }
0xa2: {  	s23 =	simm.s32 $0x1B8B  }
0xa3: {  	_ =	swait.ge [sflag:s23], $0x1  }
0xa4: {  	[sflag:s23] =	ssyncset.done $0x0  }
0xa5: {  	s25 =	simm.s32 $0x1B8E;
	s24 =	sld [smem:$0x3FFE];
	[sflag:s23] =	ssyncadd.s32 $0xFFFFFFFF  }
0xa6: {  	s26 =	simm.s32 $execute0_lowered;
	[smem:$0x3FD2] =	sst s25  }
0xa7: {  	s6 =	sshll.u32 s26, $0x1;
	_ =	strace $0x80000046;
	[dreg:$0x1] =	wrdreg $0xFFFFFFFF  }
0xa8: {  	s28 =	simm.s32 $_size_execute0_lowered;
	s4 =	sadd.s32 s4, s6;
	[dreg:$0x0] =	wrdreg $0x0  }
0xa9: {  	s6 =	sshll.u32 s28, $0x1;
	[dreg:$0x2] =	wrdreg s4  }
0xaa: {  	[dreg:$0x3] =	wrdreg s6  }
0xab: {  	[dreg:$0x4] =	wrdreg $0xC0  }
0xac: {  	_ =	task [dreg:s8], $0x5FFFF  }
0xad: {  	[dreg:$0x1] =	wrdreg $0xFFFFFFFF  }
0xae: {  	[dreg:$0x0] =	wrdreg $0x60  }
0xaf: {  	[dreg:$0x2] =	wrdreg s2  }
0xb0: {  	[dreg:$0x3] =	wrdreg s18  }
0xb1: {  	[dreg:$0x4] =	wrdreg s24  }
0xb2: {  	[dreg:$0x5] =	wrdreg $0x9  }
0xb3: {  	_ =	task.clear_ibuf [dreg:s8], $0x6FFFF;
	_ =	strace $0x90000046  }
0xb4: {  	s29 =	simm.s32 $0x9;
	_ =	strace $0x80000048  }
0xb5: {  	_ =	swait.ge [sflag:s29], $0x1  }
0xb6: {  	[sflag:s29] =	ssyncadd.s32 $0xFFFFFFFF  }
0xb7: {  	_ =	strace $0x90000048  }
0xb8: {  	_ =	sfence  }
0xb9: {  	s30 =	sld [smem:$0x0];
	_ =	sdelay $0x2  }
0xba: {  	s31 =	sshll.u32 s1, $0xD;
	s1 =	sshrl.u32 s1, $0x2  }
0xbb: {  	s3 =	sand.u32 $0x4000, s31;
	s1 =	sadd.s32 s1, s30  }
0xbc: {  	s0 =	sor.u32 s3, s0;
	s1 =	sshll.u32 s1, $0x11  }
0xbd: {  	s0 =	sor.u32 s1, s0  }
0xbe: {  	s0 =	sadd.s32 $0x8F2B, s0  }
0xbf: {  	[sflag:s0] =	ssyncadd.remote.s32 $0x1  }
0xc0: {  	_ =	sfence.sel $0xFFFF  }
0xc1: {  	[dreg:$0x0] =	wrdreg $0xFFFFFFFF;
	(pc) =	sbr.abs _section_cstart, $3  }
0xc2: {  	[dreg:$0x1] =	wrdreg $0xFFFFFFFF  }
0xc3: {  	_ =	task.clear_ibuf [dreg:s8], $0x2FFFF;
	_ =	strace $0x9FFFFFFF  }
0xc4: {  	(tm) =	ssettm $0x7FFFFFFF  }
0xc5: {  	_ =	shalt  }
tec
execute0_lowered:
.L_overlay_start_1:
0x0: {  	(tag) =	ssettag $0x1  }
0x1: {  	s4 =	rddreg [dreg:$0x0]  }
0x2: {  	s3 =	rddreg [dreg:$0x1]  }
0x3: {  	s5 =	rddreg [dreg:$0x2]  }
0x4: {  	s0 =	rddreg [dreg:$0x3]  }
0x5: {  	s6 =	srdreg.scid;
	s1 =	stileid.u32;
	s2 =	simm.s32 $0x0  }
0x6: {  	s11 =	simm.s32 $0x3;
	s12 =	simm.s32 $0x400;
	s13 =	simm.s32 $0x20000  }
0x7: {  	s14 =	simm.s32 $0x80;
	s15 =	simm.s32 $0x1;
	s16 =	simm.s32 $0x6480  }
0x8: {  	s17 =	simm.s32 $0x2;
	s18 =	simm.s32 $0xC880;
	s19 =	simm.s32 $0x0  }
0x9: {  	s6 =	sand.u32 $0x1, s6;
	s7 =	sshll.u32 s1, $0x1;
	[smem:$0x7FF] =	sst s2  }
0xa: {  	s7 =	sor.u32 s6, s7;
	_ =	strace $0x80000047;
	s28 =	ssub.s32 $0x2, s6  }
0xb: {  	s8 =	sshll.u32 s7, $0x4;
	s29 =	sor.u32 $0x60, s7;
	s30 =	sshrl.u32 s28, $0x1  }
0xc: {  	s9 =	sadd.s32 s8, s5;
	s31 =	sshll.u32 s29, $0x4;
	s6 =	sshll.u32 s29, $0x7  }
0xd: {  	s10 =	ssub.s32 s28, s30;
	s3 =	sadd.s32 s3, s31;
	s4 =	sadd.s32 s4, s6  }
0xe: {  	s9 =	sadd.s32 $0x200, s9;
	s10 =	smax.u32 s10, $0x1;
	s5 =	sadd.s32 $0x64000, s4  }
0xf: {  	s6 =	sadd.s32 $0xC8000, s4;
	s7 =	sadd.s32 $0x12C000, s4;
	s8 =	sadd.s32 $0x190000, s4  }
.LBB2_1:
0x10: {  	[tilespmem:s2], [sflag:$0x3] =	stream.linear.gather [hbm4b:s3+s2], $0x80, $0x38;
	[tilespmem:$0xC900] =	vst v63  }
0x11: {  	_ =	swait.ge [sflag:s11], $0x80  }
0x12: {  	[sflag:s11] =	ssyncset.done $0x0  }
0x13: {  	[sflag:s11] =	ssyncadd.s32 $0xFFFFFF80  }
0x14: {  	v6 =	vld [tilespmem:$0x0]  }
0x15: {  	v7 =	vld [tilespmem:$0x10]  }
0x16: {  	v4 =	vld [tilespmem:$0x20]  }
0x17: {  	v3 =	vld [tilespmem:$0x30]  }
0x18: {  	v1 =	vld [tilespmem:$0x40]  }
0x19: {  	v2 =	vld [tilespmem:$0x50]  }
0x1a: {  	v0 =	vld [tilespmem:$0x60]  }
0x1b: {  	v5 =	vld [tilespmem:$0x70];
	[tilespmem:s14], [sflag:$0x1] =	stream.strided.gather [hbm4b:s4+s12], $0x6400, s13, s12, $0x38  }
0x1c: {  	_ =	swait.ge [sflag:s15], $0x6400  }
0x1d: {  	[sflag:s15] =	ssyncset.done $0x0  }
0x1e: {  	s22 =	simm.s32 $0x0;
	[sflag:s15] =	ssyncadd.s32 $0xFFFF9C00  }
0x1f: {  	[tilespmem:s16], [sflag:$0x2] =	stream.strided.gather [hbm4b:s5+s12], $0x6400, s13, s12, $0x38;
	[tilespmem:$0xC900] =	vst v63  }
0x20: {  	v8 =	vld [tilespmem:s22+$0xF0]  }
0x21: {  	v9 =	vld [tilespmem:s22+$0x80]  }
0x22: {  	v10 =	vld [tilespmem:s22+$0x90]  }
0x23: {  	v13 =	vld [tilespmem:s22+$0xA0]  }
0x24: {  	v14 =	vld [tilespmem:s22+$0xB0]  }
0x25: {  	v11 =	vimm.f32 $-Inf;
	v12 =	vimm.f32 $-Inf;
	v15 =	vld [tilespmem:s22+$0xC0]  }
0x26: {  	v17 =	vimm.f32 $-Inf;
	v18 =	vimm.f32 $-Inf;
	v16 =	vimm.f32 $-Inf;
	v19 =	vld [tilespmem:s22+$0xD0]  }
0x27: {  	s20 =	simm.s32 $0x80;
	s21 =	simm.s32 $0x400;
	v20 =	vld [tilespmem:s22+$0xE0];
	v8 =	vmax.f32 v11, v8;
	v9 =	vmax.f32 v11, v9;
	v10 =	vmax.f32 v11, v10  }
.LBB2_2:
0x28: {  	p0 =	sne.s32 s21, $0x18E00;
	v21 =	vld [tilespmem:s20+$0xF0];
	v11 =	vmax.f32 v11, v13  }
0x29: {  	v22 =	vld [tilespmem:s20+$0x80];
	v12 =	vmax.f32 v12, v14  }
0x2a: {  	v23 =	vld [tilespmem:s20+$0x90];
	v17 =	vmax.f32 v17, v15  }
.Ltmp0:
0x2b: {  	v13 =	vld [tilespmem:s20+$0xA0];
	v18 =	vmax.f32 v18, v19;
	(pc) =	sbr.rel @p0 .LBB2_2-.Ltmp0, $4  }
0x2c: {  	v14 =	vld [tilespmem:s20+$0xB0];
	v16 =	vmax.f32 v16, v20  }
0x2d: {  	v15 =	vld [tilespmem:s20+$0xC0];
	v8 =	vmax.f32 v8, v21  }
0x2e: {  	v9 =	vmax.f32 v9, v22;
	v19 =	vld [tilespmem:s20+$0xD0]  }
0x2f: {  	v10 =	vmax.f32 v10, v23;
	v20 =	vld [tilespmem:s20+$0xE0];
	s20 =	sshra.s32 s21, $0x2;
	s21 =	sadd.s32 $0x200, s21  }
0x30: {  	v21 =	vld [tilespmem:s20+$0xF0]  }
0x31: {  	v22 =	vld [tilespmem:s20+$0x80]  }
0x32: {  	v23 =	vld [tilespmem:s20+$0x90]  }
0x33: {  	v24 =	vld [tilespmem:s20+$0xA0]  }
0x34: {  	v25 =	vld [tilespmem:s20+$0xB0]  }
0x35: {  	v26 =	vld [tilespmem:s20+$0xC0]  }
0x36: {  	v27 =	vld [tilespmem:s20+$0xD0]  }
0x37: {  	v13 =	vmax.f32 v11, v13;
	s31 =	simm.s32 $0x1;
	v43 =	vimm.f32 $0.0e+00;
	v12 =	vmax.f32 v12, v14  }
0x38: {  	s30 =	simm.s32 $0xC0;
	v44 =	vmov s31;
	v14 =	vmax.f32 v17, v15;
	v15 =	vmax.f32 v18, v19  }
0x39: {  	v32 =	vld [tilespmem:s30+$0xFFFFFFC0];
	v16 =	vmax.f32 v16, v20;
	v8 =	vmax.f32 v8, v21;
	v11 =	vmax.f32 v9, v22  }
0x3a: {  	v34 =	vld [tilespmem:s30+$0xFFFFFFD0];
	v9 =	vmax.f32 v10, v23;
	v10 =	vmax.f32 v13, v24;
	v18 =	vmax.f32 v12, v25  }
0x3b: {  	s21 =	simm.s32 $0x0;
	v36 =	vld [tilespmem:s30+$0xFFFFFFE0];
	v17 =	vmax.f32 v14, v26;
	v13 =	vmax.f32 v15, v27;
	v20 =	vsub.f32 $-Inf, v11  }
0x3c: {  	v19 =	vld [tilespmem:s20+$0xE0];
	v23 =	vmov s21;
	v12 =	vsub.f32 $-Inf, v9;
	v15 =	vsub.f32 $-Inf, v10  }
0x3d: {  	vm4 =	veq.s32 v23, v6;
	vm5 =	veq.s32 v23, v7;
	vm6 =	veq.s32 v23, v4  }
0x3e: {  	vm3 =	veq.s32 v23, v3;
	vm2 =	veq.s32 v23, v1;
	vm0 =	veq.s32 v23, v2  }
0x3f: {  	vm1 =	veq.s32 v23, v0;
	vm7 =	veq.s32 v23, v5;
	v24 =	vsub.f32 v32, v11  }
0x40: {  	v30 =	vsub.f32 v34, v9;
	v39 =	vsub.f32 v36, v10;
	v14 =	vmul.f32 $1.442695020e+00, v20  }
0x41: {  	v37 =	vld [tilespmem:s30+$0x10];
	v16 =	vmax.f32 v16, v19;
	v12 =	vmul.f32 $1.442695020e+00, v12;
	v19 =	vsub.f32 $-Inf, v18  }
0x42: {  	(erf) = vpow2.f32 v14;
	v14 =	vmul.f32 $1.442695020e+00, v15;
	v15 =	vsub.f32 $-Inf, v17  }
0x43: {  	(erf) = vpow2.f32 v12;
	v12 =	vmul.f32 $1.442695020e+00, v19;
	v19 =	vsub.f32 $-Inf, v13  }
0x44: {  	v28 =	vld [tilespmem:s30+$0x20];
	(erf) = vpow2.f32 v14;
	v14 =	vmul.f32 $1.442695020e+00, v15;
	v15 =	vsub.f32 $-Inf, v16  }
0x45: {  	v22 =	vld [tilespmem:s30+$0x30];
	(erf) = vpow2.f32 v12;
	v12 =	vmul.f32 $1.442695020e+00, v19;
	v19 =	vsub.f32 $-Inf, v8  }
0x46: {  	v41 =	vsub.f32 v37, v13;
	(erf) = vpow2.f32 v14;
	v14 =	vmul.f32 $1.442695020e+00, v15  }
0x47: {  	v27 =	vld [tilespmem:s30+$0xFFFFFFF0];
	v25 =	vnsel vm4, $0x0, v32;
	(erf) = vpow2.f32 v12;
	v12 =	vmul.f32 $1.442695020e+00, v19  }
0x48: {  	v38 =	vnsel vm5, $0x0, v34;
	v40 =	vnsel vm6, $0x0, v36;
	(erf) = vpow2.f32 v14  }
0x49: {  	v59 =	vnsel vm1, $0x0, v28;
	vm1 =	veq.s32 v44, v6;
	(erf) = vpow2.f32 v12  }
0x4a: {  	v26 =	vld [tilespmem:s30+$0x0];
	v24 =	vmul.f32 $1.442695020e+00, v24;
	v30 =	vmul.f32 $1.442695020e+00, v30;
	v23 =	vsub.f32 v22, v8  }
0x4b: {  	v39 =	vmul.f32 $1.442695020e+00, v39;
	v58 =	vmul.f32 $1.442695020e+00, v41;
	v41 =	vimm.f32 $0.0e+00;
	v12 =	vpop (erf)  }
0x4c: {  	v42 =	vnsel vm3, $0x0, v27;
	vm3 =	veq.s32 v44, v4;
	v23 =	vmul.f32 $1.442695020e+00, v23;
	v14 =	vpop (erf)  }
0x4d: {  	v31 =	vmul.f32 $0.0e+00, v12;
	v12 =	vimm.f32 $0.0e+00;
	v15 =	vpop (erf);
	v33 =	vmul.f32 $0.0e+00, v14  }
0x4e: {  	v38 =	vadd.f32 v38, v12;
	v19 =	vpop (erf);
	(erf) = vpow2.f32 v23;
	v23 =	vsub.f32 v27, v18  }
0x4f: {  	v35 =	vmul.f32 $0.0e+00, v15;
	v20 =	vpop (erf);
	(erf) = vpow2.f32 v24;
	v24 =	vsub.f32 v26, v17  }
0x50: {  	v40 =	vadd.f32 v40, v12;
	v14 =	vpop (erf);
	(erf) = vpow2.f32 v30;
	v23 =	vmul.f32 $1.442695020e+00, v23  }
0x51: {  	v30 =	vsub.f32 v28, v16;
	v15 =	vpop (erf);
	(erf) = vpow2.f32 v39;
	v24 =	vmul.f32 $1.442695020e+00, v24  }
0x52: {  	v32 =	vadd.f32 v32, v12;
	v19 =	vmul.f32 $0.0e+00, v19;
	v21 =	vpop (erf);
	(erf) = vpow2.f32 v23  }
0x53: {  	v34 =	vadd.f32 v34, v12;
	v30 =	vmul.f32 $1.442695020e+00, v30;
	(erf) = vpow2.f32 v24  }
0x54: {  	v36 =	vadd.f32 v36, v12;
	v20 =	vmul.f32 $0.0e+00, v20;
	(erf) = vpow2.f32 v58  }
0x55: {  	v14 =	vmul.f32 $0.0e+00, v14;
	v39 =	vadd.f32 v25, v12;
	(erf) = vpow2.f32 v30  }
0x56: {  	v25 =	vadd.f32 v59, v12;
	v15 =	vmul.f32 $0.0e+00, v15;
	v23 =	vnsel vm2, $0x0, v26  }
0x57: {  	v29 =	vmul.f32 $0.0e+00, v21;
	v21 =	vadd.f32 v22, v12;
	v22 =	vnsel vm7, $0x0, v22;
	v60 =	vpop (erf)  }
0x58: {  	v24 =	vnsel vm0, $0x0, v37;
	v23 =	vadd.f32 v23, v12;
	v22 =	vadd.f32 v22, v12;
	v61 =	vpop (erf)  }
0x59: {  	vm2 =	veq.s32 v44, v7;
	v24 =	vadd.f32 v24, v12;
	v30 =	vadd.f32 v42, v12;
	v62 =	vpop (erf)  }
0x5a: {  	s20 =	simm.s32 $0x140;
	vm0 =	veq.s32 v44, v3;
	v29 =	vadd.f32 v60, v29;
	v31 =	vadd.f32 v61, v31;
	v63 =	vpop (erf)  }
0x5b: {  	v45 =	vld [tilespmem:s20+$0x30];
	s21 =	simm.s32 $0x2;
	v42 =	vimm.f32 $0.0e+00;
	v33 =	vadd.f32 v62, v33;
	v35 =	vadd.f32 v63, v35;
	v46 =	vpop (erf)  }
.LBB2_4:
0x5c: {  	p0 =	sne.s32 s21, $0xC7;
	v47 =	vld [tilespmem:s20+$0xFFFFFFC0];
	vm4 =	veq.s32 v44, v1;
	v19 =	vadd.f32 v46, v19;
	v12 =	vadd.f32 v27, v12;
	v27 =	vpop (erf)  }
0x5d: {  	vm5 =	veq.s32 v44, v2;
	v43 =	vadd.f32 v26, v43;
	v46 =	vld [tilespmem:s20+$0xFFFFFFD0];
	v20 =	vadd.f32 v27, v20;
	v26 =	vpop (erf)  }
0x5e: {  	vm6 =	veq.s32 v44, v0;
	v42 =	vadd.f32 v37, v42;
	v48 =	vld [tilespmem:s20+$0xFFFFFFE0];
	v14 =	vadd.f32 v26, v14;
	v26 =	vpop (erf)  }
0x5f: {  	vm7 =	veq.s32 v44, v5;
	v41 =	vadd.f32 v28, v41;
	v27 =	vld [tilespmem:s20+$0xFFFFFFF0];
	v15 =	vadd.f32 v26, v15  }
0x60: {  	v26 =	vld [tilespmem:s20+$0x0];
	v44 =	vsub.f32 v45, v8;
	v21 =	vadd.f32 v45, v21;
	v28 =	vnsel vm7, $0x0, v45  }
0x61: {  	v45 =	vsub.f32 v47, v11;
	v49 =	vnsel vm1, $0x0, v47;
	v37 =	vld [tilespmem:s20+$0x10];
	v22 =	vadd.f32 v28, v22  }
0x62: {  	v50 =	vsub.f32 v46, v9;
	v51 =	vnsel vm2, $0x0, v46;
	v28 =	vld [tilespmem:s20+$0x20];
	v44 =	vmul.f32 $1.442695020e+00, v44  }
0x63: {  	v45 =	vmul.f32 $1.442695020e+00, v45;
	v52 =	vsub.f32 v48, v10;
	v53 =	vnsel vm3, $0x0, v48  }
0x64: {  	v50 =	vmul.f32 $1.442695020e+00, v50;
	v54 =	vsub.f32 v27, v18;
	(erf) = vpow2.f32 v44  }
0x65: {  	v44 =	vmul.f32 $1.442695020e+00, v52;
	v52 =	vsub.f32 v26, v17;
	(erf) = vpow2.f32 v45  }
0x66: {  	v45 =	vmul.f32 $1.442695020e+00, v54;
	v54 =	vsub.f32 v37, v13;
	(erf) = vpow2.f32 v50  }
0x67: {  	v50 =	vmul.f32 $1.442695020e+00, v52;
	v52 =	vsub.f32 v28, v16;
	(erf) = vpow2.f32 v44  }
0x68: {  	v44 =	vnsel vm0, $0x0, v27;
	v54 =	vmul.f32 $1.442695020e+00, v54;
	(erf) = vpow2.f32 v45  }
0x69: {  	v45 =	vnsel vm4, $0x0, v26;
	v52 =	vmul.f32 $1.442695020e+00, v52;
	(erf) = vpow2.f32 v50  }
0x6a: {  	v55 =	vnsel vm6, $0x0, v28;
	v50 =	vnsel vm5, $0x0, v37;
	(erf) = vpow2.f32 v54  }
0x6b: {  	v39 =	vadd.f32 v49, v39;
	v38 =	vadd.f32 v51, v38;
	(erf) = vpow2.f32 v52  }
0x6c: {  	v40 =	vadd.f32 v53, v40;
	v30 =	vadd.f32 v44, v30  }
.Ltmp1:
0x6d: {  	v44 =	vmov s21;
	v23 =	vadd.f32 v45, v23;
	v24 =	vadd.f32 v50, v24;
	v45 =	vpop (erf);
	(pc) =	sbr.rel @p0 .LBB2_4-.Ltmp1, $4  }
0x6e: {  	v25 =	vadd.f32 v55, v25;
	vm1 =	veq.s32 v44, v6;
	v29 =	vadd.f32 v45, v29;
	v45 =	vpop (erf)  }
0x6f: {  	v32 =	vadd.f32 v47, v32;
	vm2 =	veq.s32 v44, v7;
	v31 =	vadd.f32 v45, v31;
	v45 =	vpop (erf)  }
0x70: {  	v34 =	vadd.f32 v46, v34;
	s20 =	sadd.s32 $0x80, s20;
	vm3 =	veq.s32 v44, v4;
	v33 =	vadd.f32 v45, v33;
	v46 =	vpop (erf)  }
0x71: {  	v36 =	vadd.f32 v48, v36;
	s21 =	sadd.s32 $0x1, s21;
	vm0 =	veq.s32 v44, v3;
	v45 =	vld [tilespmem:s20+$0x30];
	v35 =	vadd.f32 v46, v35;
	v46 =	vpop (erf)  }
0x72: {  	v47 =	vld [tilespmem:s20+$0xFFFFFFC0]  }
0x73: {  	v48 =	vld [tilespmem:s20+$0xFFFFFFD0]  }
0x74: {  	v51 =	vld [tilespmem:s20+$0x0]  }
0x75: {  	v49 =	vld [tilespmem:s20+$0xFFFFFFE0]  }
0x76: {  	v50 =	vld [tilespmem:s20+$0xFFFFFFF0]  }
0x77: {  	v52 =	vsub.f32 v45, v8  }
0x78: {  	v54 =	vld [tilespmem:s20+$0x10];
	v53 =	vsub.f32 v47, v11;
	v55 =	vsub.f32 v48, v9  }
0x79: {  	v56 =	vld [tilespmem:s20+$0x20];
	v60 =	vsub.f32 v51, v17;
	v52 =	vmul.f32 $1.442695020e+00, v52  }
0x7a: {  	v57 =	vsub.f32 v49, v10;
	v53 =	vmul.f32 $1.442695020e+00, v53;
	v55 =	vmul.f32 $1.442695020e+00, v55  }
0x7b: {  	v58 =	vsub.f32 v50, v18;
	v62 =	vmul.f32 $1.442695020e+00, v60;
	(erf) = vpow2.f32 v52  }
0x7c: {  	v52 =	vmul.f32 $1.442695020e+00, v57;
	(erf) = vpow2.f32 v53  }
0x7d: {  	v61 =	vsub.f32 v54, v13;
	v53 =	vmul.f32 $1.442695020e+00, v58;
	(erf) = vpow2.f32 v55  }
0x7e: {  	v63 =	vsub.f32 v56, v16;
	(erf) = vpow2.f32 v52  }
0x7f: {  	v60 =	vmul.f32 $1.442695020e+00, v61;
	(erf) = vpow2.f32 v53  }
0x80: {  	v61 =	vmul.f32 $1.442695020e+00, v63;
	(erf) = vpow2.f32 v62  }
0x81: {  	v62 =	vpop (erf);
	(erf) = vpow2.f32 v60  }
0x82: {  	v63 =	vpop (erf);
	(erf) = vpow2.f32 v61  }
0x83: {  	v53 =	vpop (erf)  }
0x84: {  	v57 =	vpop (erf)  }
0x85: {  	v58 =	vpop (erf)  }
0x86: {  	v19 =	vadd.f32 v46, v19;
	v12 =	vadd.f32 v27, v12;
	vm4 =	veq.s32 v44, v5;
	v46 =	vpop (erf)  }
0x87: {  	vm13 =	veq.s32 v44, v1;
	v27 =	vnsel vm2, $0x0, v48;
	v34 =	vadd.f32 v48, v34;
	v59 =	vpop (erf)  }
0x88: {  	vm14 =	veq.s32 v44, v2;
	v27 =	vadd.f32 v27, v38;
	v38 =	vadd.f32 v47, v32;
	v60 =	vpop (erf)  }
0x89: {  	v55 =	vadd.f32 v26, v43;
	v26 =	vnsel vm4, $0x0, v45;
	v52 =	vadd.f32 v37, v42;
	v61 =	vpop (erf)  }
0x8a: {  	vm15 =	veq.s32 v44, v0;
	v37 =	vadd.f32 v26, v22;
	v15 =	vadd.f32 v53, v15;
	v22 =	vpop (erf)  }
0x8b: {  	v44 =	vnsel vm13, $0x0, v51;
	v53 =	vadd.f32 v28, v41;
	v41 =	vadd.f32 v45, v21;
	v45 =	vpop (erf)  }
0x8c: {  	v20 =	vadd.f32 v62, v20;
	v14 =	vadd.f32 v63, v14;
	v21 =	vnsel vm1, $0x0, v47;
	_ =	swait.ge [sflag:s17], $0x6400  }
0x8d: {  	v28 =	vnsel vm3, $0x0, v49;
	v26 =	vadd.f32 v21, v39;
	v21 =	vnsel vm0, $0x0, v50;
	[sflag:s17] =	ssyncset.done $0x0  }
0x8e: {  	s22 =	simm.s32 $0x0;
	v28 =	vadd.f32 v28, v40;
	v30 =	vadd.f32 v21, v30;
	v21 =	vnsel vm14, $0x0, v54;
	[sflag:s17] =	ssyncadd.s32 $0xFFFF9C00  }
0x8f: {  	v39 =	vadd.f32 v44, v23;
	v42 =	vadd.f32 v21, v24;
	v21 =	vnsel vm15, $0x0, v56;
	[tilespmem:s14], [sflag:$0x1] =	stream.strided.gather [hbm4b:s6+s12], $0x6400, s13, s12, $0x38;
	[tilespmem:$0xC900] =	vst v63  }
0x90: {  	v43 =	vadd.f32 v21, v25;
	v25 =	vadd.f32 v57, v29;
	v57 =	vld [tilespmem:s22+$0x64F0]  }
0x91: {  	v23 =	vadd.f32 v51, v55;
	v24 =	vadd.f32 v50, v12;
	v62 =	vld [tilespmem:s22+$0x6480]  }
0x92: {  	v48 =	vimm.f32 $-Inf;
	v29 =	vadd.f32 v58, v31;
	v32 =	vadd.f32 v46, v33;
	v63 =	vld [tilespmem:s22+$0x6490]  }
0x93: {  	v12 =	vimm.f32 $-Inf;
	v31 =	vadd.f32 v49, v36;
	v44 =	vadd.f32 v59, v35;
	v21 =	vld [tilespmem:s22+$0x64A0]  }
0x94: {  	v50 =	vimm.f32 $-Inf;
	v33 =	vadd.f32 v60, v19;
	v40 =	vadd.f32 v61, v20;
	v46 =	vld [tilespmem:s22+$0x64B0]  }
0x95: {  	v49 =	vimm.f32 $-Inf;
	v20 =	vadd.f32 v54, v52;
	v35 =	vadd.f32 v22, v14;
	v47 =	vld [tilespmem:s22+$0x64C0]  }
0x96: {  	v22 =	vadd.f32 v56, v53;
	v36 =	vadd.f32 v45, v15;
	v45 =	vimm.f32 $-Inf;
	v51 =	vld [tilespmem:s22+$0x64D0]  }
0x97: {  	s20 =	simm.s32 $0x80;
	s21 =	simm.s32 $0x400;
	v52 =	vld [tilespmem:s22+$0x64E0];
	v14 =	vmax.f32 v12, v57;
	v15 =	vmax.f32 v12, v62;
	v19 =	vmax.f32 v12, v63  }
.LBB2_6:
0x98: {  	p0 =	sne.s32 s21, $0x18E00;
	v53 =	vld [tilespmem:s20+$0x64F0];
	v12 =	vmax.f32 v12, v21  }
0x99: {  	v54 =	vld [tilespmem:s20+$0x6480];
	v45 =	vmax.f32 v45, v46  }
0x9a: {  	v55 =	vld [tilespmem:s20+$0x6490];
	v48 =	vmax.f32 v48, v47  }
.Ltmp2:
0x9b: {  	v21 =	vld [tilespmem:s20+$0x64A0];
	v49 =	vmax.f32 v49, v51;
	(pc) =	sbr.rel @p0 .LBB2_6-.Ltmp2, $4  }
0x9c: {  	v46 =	vld [tilespmem:s20+$0x64B0];
	v50 =	vmax.f32 v50, v52  }
0x9d: {  	v47 =	vld [tilespmem:s20+$0x64C0];
	v14 =	vmax.f32 v14, v53  }
0x9e: {  	v15 =	vmax.f32 v15, v54;
	v51 =	vld [tilespmem:s20+$0x64D0]  }
0x9f: {  	v19 =	vmax.f32 v19, v55;
	v52 =	vld [tilespmem:s20+$0x64E0];
	s20 =	sshra.s32 s21, $0x2;
	s21 =	sadd.s32 $0x200, s21  }
0xa0: {  	v53 =	vld [tilespmem:s20+$0x64F0]  }
0xa1: {  	v54 =	vld [tilespmem:s20+$0x6480]  }
0xa2: {  	v55 =	vld [tilespmem:s20+$0x6490]  }
0xa3: {  	v56 =	vld [tilespmem:s20+$0x64A0]  }
0xa4: {  	v57 =	vld [tilespmem:s20+$0x64B0]  }
0xa5: {  	v58 =	vld [tilespmem:s20+$0x64C0]  }
0xa6: {  	v59 =	vld [tilespmem:s20+$0x64D0]  }
0xa7: {  	v60 =	vld [tilespmem:s20+$0x64E0]  }
0xa8: {  	v12 =	vmax.f32 v12, v21;
	v21 =	vmax.f32 v45, v46;
	v61 =	vmax.f32 v48, v47  }
0xa9: {  	v62 =	vmax.f32 v49, v51;
	v63 =	vmax.f32 v50, v52;
	v52 =	vmax.f32 v14, v53  }
0xaa: {  	v14 =	vmax.f32 v15, v54;
	v15 =	vmax.f32 v19, v55;
	v12 =	vmax.f32 v12, v56  }
0xab: {  	v53 =	vmax.f32 v21, v57;
	v45 =	vmax.f32 v61, v58;
	v46 =	vmax.f32 v62, v59  }
0xac: {  	v47 =	vmax.f32 v63, v60;
	v21 =	vmax.f32 v11, v14;
	v19 =	vmax.f32 v9, v15  }
0xad: {  	v12 =	vmax.f32 v10, v12;
	v15 =	vmax.f32 v18, v53;
	v54 =	vsub.f32 v11, v21  }
0xae: {  	v14 =	vmax.f32 v17, v45;
	v11 =	vmax.f32 v13, v46;
	v55 =	vsub.f32 v9, v19  }
0xaf: {  	v9 =	vmax.f32 v16, v47;
	v57 =	vsub.f32 v10, v12;
	v56 =	vmul.f32 $1.442695020e+00, v54  }
0xb0: {  	v10 =	vmax.f32 v8, v52;
	v18 =	vsub.f32 v18, v15;
	v45 =	vmul.f32 $1.442695020e+00, v55  }
0xb1: {  	v17 =	vsub.f32 v17, v14;
	v58 =	vmul.f32 $1.442695020e+00, v57;
	(erf) = vpow2.f32 v56  }
0xb2: {  	v13 =	vsub.f32 v13, v11;
	v18 =	vmul.f32 $1.442695020e+00, v18;
	(erf) = vpow2.f32 v45  }
0xb3: {  	v16 =	vsub.f32 v16, v9;
	v17 =	vmul.f32 $1.442695020e+00, v17;
	(erf) = vpow2.f32 v58  }
0xb4: {  	v8 =	vsub.f32 v8, v10;
	v13 =	vmul.f32 $1.442695020e+00, v13;
	(erf) = vpow2.f32 v18  }
0xb5: {  	v16 =	vmul.f32 $1.442695020e+00, v16;
	(erf) = vpow2.f32 v17  }
0xb6: {  	v8 =	vmul.f32 $1.442695020e+00, v8;
	(erf) = vpow2.f32 v13  }
0xb7: {  	s31 =	simm.s32 $0x0;
	(erf) = vpow2.f32 v16  }
0xb8: {  	v51 =	vld [tilespmem:s31+$0x64A0];
	(erf) = vpow2.f32 v8;
	_ =	sdelay $0x1  }
0xb9: {  	v8 =	vpop (erf)  }
0xba: {  	v13 =	vpop (erf)  }
0xbb: {  	v16 =	vpop (erf)  }
0xbc: {  	s30 =	simm.s32 $0x0;
	v56 =	vsub.f32 v51, v12;
	v48 =	vmul.f32 v8, v29;
	v29 =	vld [tilespmem:s31+$0x64F0];
	v17 =	vpop (erf)  }
0xbd: {  	v49 =	vmul.f32 v13, v32;
	v50 =	vmul.f32 v16, v44;
	v16 =	vmov s30;
	v8 =	vpop (erf)  }
0xbe: {  	v17 =	vmul.f32 v17, v33;
	v16 =	vadd.s32 $0xC8, v16;
	v33 =	vmul.f32 $1.442695020e+00, v56;
	v13 =	vpop (erf)  }
0xbf: {  	v60 =	vbroadcast v16, $0x0;
	v18 =	vpop (erf);
	v13 =	vmul.f32 v13, v35;
	v35 =	vld [tilespmem:s31+$0x6480]  }
0xc0: {  	v8 =	vmul.f32 v8, v40;
	v59 =	vpop (erf);
	v16 =	vmul.f32 v18, v36;
	v36 =	vld [tilespmem:s31+$0x6490]  }
0xc1: {  	v44 =	vld [tilespmem:s31+$0x64B0];
	vm4 =	veq.s32 v60, v6;
	v32 =	vmul.f32 v59, v25;
	v25 =	vsub.f32 v29, v10  }
0xc2: {  	v47 =	vld [tilespmem:s31+$0x64D0];
	vm5 =	veq.s32 v60, v7;
	vm6 =	veq.s32 v60, v4;
	vm3 =	veq.s32 v60, v3  }
0xc3: {  	v45 =	vld [tilespmem:s31+$0x64C0];
	vm2 =	veq.s32 v60, v1;
	vm0 =	veq.s32 v60, v2;
	v63 =	vmul.f32 $1.442695020e+00, v25  }
0xc4: {  	v46 =	vld [tilespmem:s31+$0x64E0];
	vm7 =	veq.s32 v60, v5;
	v18 =	vadd.f32 v29, v41;
	v61 =	vsub.f32 v35, v21  }
0xc5: {  	v29 =	vnsel vm7, $0x0, v29;
	v62 =	vsub.f32 v36, v19;
	(erf) = vpow2.f32 v63  }
0xc6: {  	v58 =	vsub.f32 v44, v15;
	v25 =	vadd.f32 v29, v37;
	v29 =	vmul.f32 $1.442695020e+00, v61  }
0xc7: {  	vm1 =	veq.s32 v60, v0;
	v59 =	vsub.f32 v47, v11;
	v57 =	vmul.f32 $1.442695020e+00, v62  }
0xc8: {  	v41 =	vmul.f32 $1.442695020e+00, v58;
	(erf) = vpow2.f32 v29;
	v29 =	vsub.f32 v45, v14  }
0xc9: {  	v60 =	vsub.f32 v46, v9;
	v53 =	vmul.f32 $1.442695020e+00, v59;
	(erf) = vpow2.f32 v57  }
0xca: {  	v37 =	vnsel vm6, $0x0, v51;
	(erf) = vpow2.f32 v33;
	v29 =	vmul.f32 $1.442695020e+00, v29  }
0xcb: {  	v58 =	vnsel vm1, $0x0, v46;
	v40 =	vnsel vm4, $0x0, v35;
	(erf) = vpow2.f32 v41  }
0xcc: {  	v37 =	vadd.f32 v37, v28;
	v63 =	vmul.f32 $1.442695020e+00, v60;
	(erf) = vpow2.f32 v29  }
0xcd: {  	v52 =	vnsel vm5, $0x0, v36;
	v36 =	vadd.f32 v36, v34;
	(erf) = vpow2.f32 v53  }
0xce: {  	v61 =	vnsel vm3, $0x0, v44;
	v33 =	vadd.f32 v35, v38;
	v59 =	vpop (erf);
	(erf) = vpow2.f32 v63  }
0xcf: {  	s20 =	simm.s32 $0x1;
	v62 =	vnsel vm2, $0x0, v45;
	v41 =	vadd.f32 v40, v26;
	v40 =	vadd.f32 v52, v27  }
0xd0: {  	v26 =	vadd.f32 v61, v30;
	v30 =	vmov s20;
	v27 =	vadd.f32 v62, v39  }
0xd1: {  	v39 =	vadd.f32 v51, v31;
	v29 =	vnsel vm0, $0x0, v47;
	v60 =	vadd.s32 $0xC8, v30;
	v61 =	vpop (erf)  }
0xd2: {  	v28 =	vadd.f32 v29, v42;
	v29 =	vadd.f32 v58, v43;
	v42 =	vbroadcast v60, $0x0;
	v62 =	vpop (erf)  }
0xd3: {  	v30 =	vadd.f32 v59, v32;
	v32 =	vadd.f32 v61, v48;
	v63 =	vpop (erf)  }
0xd4: {  	s22 =	simm.s32 $0x80;
	s21 =	simm.s32 $0x400;
	vm0 =	veq.s32 v42, v6;
	v35 =	vadd.f32 v62, v49;
	v38 =	vadd.f32 v63, v50;
	v31 =	vpop (erf)  }
.LBB2_8:
0xd5: {  	p0 =	sne.s32 s21, $0x18E00;
	vm5 =	veq.s32 v42, v7;
	v34 =	vld [tilespmem:s22+$0x64F0];
	v17 =	vadd.f32 v31, v17;
	v24 =	vadd.f32 v44, v24;
	v31 =	vpop (erf)  }
0xd6: {  	vm6 =	veq.s32 v42, v4;
	v23 =	vadd.f32 v45, v23;
	v43 =	vld [tilespmem:s22+$0x6480];
	v8 =	vadd.f32 v31, v8;
	v31 =	vpop (erf)  }
0xd7: {  	vm1 =	veq.s32 v42, v3;
	v20 =	vadd.f32 v47, v20;
	v48 =	vld [tilespmem:s22+$0x6490];
	v13 =	vadd.f32 v31, v13;
	v31 =	vpop (erf)  }
0xd8: {  	vm2 =	veq.s32 v42, v1;
	v22 =	vadd.f32 v46, v22;
	v49 =	vld [tilespmem:s22+$0x64A0];
	v16 =	vadd.f32 v31, v16  }
0xd9: {  	vm3 =	veq.s32 v42, v2;
	vm4 =	veq.s32 v42, v0;
	vm7 =	veq.s32 v42, v5;
	v44 =	vld [tilespmem:s22+$0x64B0]  }
0xda: {  	v45 =	vld [tilespmem:s22+$0x64C0];
	v31 =	vsub.f32 v34, v10;
	v18 =	vadd.f32 v34, v18;
	v34 =	vnsel vm7, $0x0, v34  }
0xdb: {  	v42 =	vsub.f32 v43, v21;
	v50 =	vnsel vm0, $0x0, v43;
	v47 =	vld [tilespmem:s22+$0x64D0];
	v25 =	vadd.f32 v34, v25  }
0xdc: {  	v34 =	vsub.f32 v48, v19;
	v51 =	vnsel vm5, $0x0, v48;
	v46 =	vld [tilespmem:s22+$0x64E0];
	v31 =	vmul.f32 $1.442695020e+00, v31  }
0xdd: {  	v42 =	vmul.f32 $1.442695020e+00, v42;
	v52 =	vsub.f32 v49, v12;
	v53 =	vnsel vm6, $0x0, v49  }
0xde: {  	v34 =	vmul.f32 $1.442695020e+00, v34;
	v54 =	vsub.f32 v44, v15;
	(erf) = vpow2.f32 v31  }
0xdf: {  	v31 =	vmul.f32 $1.442695020e+00, v52;
	v52 =	vsub.f32 v45, v14;
	(erf) = vpow2.f32 v42  }
0xe0: {  	v42 =	vmul.f32 $1.442695020e+00, v54;
	v54 =	vsub.f32 v47, v11;
	(erf) = vpow2.f32 v34  }
0xe1: {  	v34 =	vmul.f32 $1.442695020e+00, v52;
	v52 =	vsub.f32 v46, v9;
	(erf) = vpow2.f32 v31  }
0xe2: {  	v31 =	vnsel vm1, $0x0, v44;
	v54 =	vmul.f32 $1.442695020e+00, v54;
	(erf) = vpow2.f32 v42  }
0xe3: {  	v42 =	vnsel vm2, $0x0, v45;
	v52 =	vmul.f32 $1.442695020e+00, v52;
	(erf) = vpow2.f32 v34  }
0xe4: {  	v55 =	vnsel vm4, $0x0, v46;
	v34 =	vnsel vm3, $0x0, v47;
	(erf) = vpow2.f32 v54  }
0xe5: {  	v41 =	vadd.f32 v50, v41;
	v40 =	vadd.f32 v51, v40;
	(erf) = vpow2.f32 v52  }
0xe6: {  	s20 =	sadd.s32 $0x1, s20;
	v37 =	vadd.f32 v53, v37;
	v26 =	vadd.f32 v31, v26  }
.Ltmp3:
0xe7: {  	v51 =	vmov s20;
	v27 =	vadd.f32 v42, v27;
	v28 =	vadd.f32 v34, v28;
	v34 =	vpop (erf);
	(pc) =	sbr.rel @p0 .LBB2_8-.Ltmp3, $4  }
0xe8: {  	v50 =	vadd.s32 $0xC8, v51;
	v29 =	vadd.f32 v55, v29;
	v30 =	vadd.f32 v34, v30;
	v34 =	vpop (erf)  }
0xe9: {  	v33 =	vadd.f32 v43, v33;
	v42 =	vbroadcast v50, $0x0;
	v32 =	vadd.f32 v34, v32;
	v31 =	vpop (erf)  }
0xea: {  	v36 =	vadd.f32 v48, v36;
	v35 =	vadd.f32 v31, v35;
	v31 =	vpop (erf)  }
0xeb: {  	s22 =	sshra.s32 s21, $0x2;
	s21 =	sadd.s32 $0x200, s21;
	v39 =	vadd.f32 v49, v39;
	vm0 =	veq.s32 v42, v6;
	v38 =	vadd.f32 v31, v38;
	v31 =	vpop (erf)  }
0xec: {  	v34 =	vld [tilespmem:s22+$0x64F0]  }
0xed: {  	v43 =	vld [tilespmem:s22+$0x6480]  }
0xee: {  	v48 =	vld [tilespmem:s22+$0x6490]  }
0xef: {  	v49 =	vld [tilespmem:s22+$0x64A0]  }
0xf0: {  	v50 =	vld [tilespmem:s22+$0x64B0]  }
0xf1: {  	v51 =	vld [tilespmem:s22+$0x64C0];
	v52 =	vsub.f32 v34, v10  }
0xf2: {  	v54 =	vld [tilespmem:s22+$0x64D0];
	v53 =	vsub.f32 v43, v21  }
0xf3: {  	v56 =	vld [tilespmem:s22+$0x64E0];
	v55 =	vsub.f32 v48, v19;
	v52 =	vmul.f32 $1.442695020e+00, v52  }
0xf4: {  	v57 =	vsub.f32 v49, v12;
	v53 =	vmul.f32 $1.442695020e+00, v53  }
0xf5: {  	v61 =	vsub.f32 v50, v15;
	v55 =	vmul.f32 $1.442695020e+00, v55;
	(erf) = vpow2.f32 v52  }
0xf6: {  	v62 =	vsub.f32 v51, v14;
	v57 =	vmul.f32 $1.442695020e+00, v57;
	(erf) = vpow2.f32 v53  }
0xf7: {  	v63 =	vsub.f32 v54, v11;
	v52 =	vmul.f32 $1.442695020e+00, v61;
	(erf) = vpow2.f32 v55  }
0xf8: {  	v60 =	vsub.f32 v56, v9;
	v53 =	vmul.f32 $1.442695020e+00, v62;
	(erf) = vpow2.f32 v57  }
0xf9: {  	v55 =	vmul.f32 $1.442695020e+00, v63;
	(erf) = vpow2.f32 v52  }
0xfa: {  	v61 =	vmul.f32 $1.442695020e+00, v60;
	(erf) = vpow2.f32 v53  }
0xfb: {  	v62 =	vpop (erf);
	(erf) = vpow2.f32 v55  }
0xfc: {  	v63 =	vpop (erf);
	(erf) = vpow2.f32 v61  }
0xfd: {  	v60 =	vpop (erf)  }
0xfe: {  	v17 =	vadd.f32 v31, v17;
	v57 =	vpop (erf)  }
0xff: {  	v24 =	vadd.f32 v44, v24;
	vm1 =	veq.s32 v42, v7;
	v23 =	vadd.f32 v45, v23;
	v58 =	vpop (erf)  }
0x100: {  	vm2 =	veq.s32 v42, v4;
	v20 =	vadd.f32 v47, v20;
	vm3 =	veq.s32 v42, v5;
	v53 =	vpop (erf)  }
0x101: {  	vm12 =	veq.s32 v42, v3;
	vm13 =	veq.s32 v42, v1;
	vm14 =	veq.s32 v42, v2;
	v55 =	vpop (erf)  }
0x102: {  	vm15 =	veq.s32 v42, v0;
	v45 =	vadd.f32 v34, v18;
	v18 =	vnsel vm3, $0x0, v34;
	v47 =	vpop (erf)  }
0x103: {  	v31 =	vnsel vm0, $0x0, v43;
	v44 =	vadd.f32 v18, v25;
	v52 =	vadd.f32 v46, v22;
	v22 =	vpop (erf)  }
0x104: {  	v18 =	vnsel vm1, $0x0, v48;
	v31 =	vadd.f32 v31, v41;
	v25 =	vnsel vm2, $0x0, v49;
	v59 =	vpop (erf)  }
0x105: {  	v34 =	vadd.f32 v18, v40;
	v18 =	vnsel vm12, $0x0, v50;
	v16 =	vadd.f32 v60, v16;
	v60 =	vpop (erf)  }
0x106: {  	v37 =	vadd.f32 v25, v37;
	v25 =	vnsel vm13, $0x0, v51;
	v40 =	vadd.f32 v18, v26;
	_ =	swait.ge [sflag:s15], $0x6400  }
0x107: {  	v18 =	vnsel vm14, $0x0, v54;
	v27 =	vadd.f32 v25, v27;
	v26 =	vadd.f32 v50, v24;
	[sflag:s15] =	ssyncset.done $0x0  }
0x108: {  	s31 =	simm.s32 $0x0;
	v25 =	vadd.f32 v51, v23;
	v28 =	vadd.f32 v18, v28;
	v18 =	vnsel vm15, $0x0, v56;
	[sflag:s15] =	ssyncadd.s32 $0xFFFF9C00  }
0x109: {  	v23 =	vadd.f32 v54, v20;
	v42 =	vadd.f32 v18, v29;
	[tilespmem:s16], [sflag:$0x2] =	stream.strided.gather [hbm4b:s7+s12], $0x6400, s13, s12, $0x38;
	[tilespmem:$0xC900] =	vst v63  }
0x10a: {  	v29 =	vadd.f32 v49, v39;
	v8 =	vadd.f32 v62, v8;
	v61 =	vld [tilespmem:s31+$0xF0]  }
0x10b: {  	v13 =	vadd.f32 v63, v13;
	v24 =	vadd.f32 v56, v52;
	v62 =	vld [tilespmem:s31+$0x80]  }
0x10c: {  	v20 =	vimm.f32 $-Inf;
	v30 =	vadd.f32 v57, v30;
	v41 =	vadd.f32 v58, v32;
	v63 =	vld [tilespmem:s31+$0x90]  }
0x10d: {  	v50 =	vimm.f32 $-Inf;
	v32 =	vadd.f32 v43, v33;
	v33 =	vadd.f32 v53, v35;
	v18 =	vld [tilespmem:s31+$0xA0]  }
0x10e: {  	v49 =	vimm.f32 $-Inf;
	v35 =	vadd.f32 v48, v36;
	v43 =	vadd.f32 v22, v8;
	v22 =	vld [tilespmem:s31+$0xB0]  }
0x10f: {  	v48 =	vimm.f32 $-Inf;
	v46 =	vadd.f32 v55, v38;
	v36 =	vadd.f32 v47, v17;
	v47 =	vld [tilespmem:s31+$0xC0]  }
0x110: {  	v8 =	vimm.f32 $-Inf;
	v38 =	vadd.f32 v59, v13;
	v39 =	vadd.f32 v60, v16;
	v51 =	vld [tilespmem:s31+$0xD0]  }
0x111: {  	s20 =	simm.s32 $0x80;
	s21 =	simm.s32 $0x400;
	v52 =	vld [tilespmem:s31+$0xE0];
	v13 =	vmax.f32 v8, v61;
	v16 =	vmax.f32 v8, v62;
	v17 =	vmax.f32 v8, v63  }
.LBB2_10:
0x112: {  	p0 =	sne.s32 s21, $0x18E00;
	v53 =	vld [tilespmem:s20+$0xF0];
	v8 =	vmax.f32 v8, v18  }
0x113: {  	v54 =	vld [tilespmem:s20+$0x80];
	v20 =	vmax.f32 v20, v22  }
0x114: {  	v55 =	vld [tilespmem:s20+$0x90];
	v48 =	vmax.f32 v48, v47  }
.Ltmp4:
0x115: {  	v18 =	vld [tilespmem:s20+$0xA0];
	v49 =	vmax.f32 v49, v51;
	(pc) =	sbr.rel @p0 .LBB2_10-.Ltmp4, $4  }
0x116: {  	v22 =	vld [tilespmem:s20+$0xB0];
	v50 =	vmax.f32 v50, v52  }
0x117: {  	v47 =	vld [tilespmem:s20+$0xC0];
	v13 =	vmax.f32 v13, v53  }
0x118: {  	v16 =	vmax.f32 v16, v54;
	v51 =	vld [tilespmem:s20+$0xD0]  }
0x119: {  	v17 =	vmax.f32 v17, v55;
	v52 =	vld [tilespmem:s20+$0xE0];
	s20 =	sshra.s32 s21, $0x2;
	s21 =	sadd.s32 $0x200, s21  }
0x11a: {  	v53 =	vld [tilespmem:s20+$0xF0]  }
0x11b: {  	v54 =	vld [tilespmem:s20+$0x80]  }
0x11c: {  	v55 =	vld [tilespmem:s20+$0x90]  }
0x11d: {  	v56 =	vld [tilespmem:s20+$0xA0]  }
0x11e: {  	v57 =	vld [tilespmem:s20+$0xB0]  }
0x11f: {  	v58 =	vld [tilespmem:s20+$0xC0]  }
0x120: {  	v59 =	vld [tilespmem:s20+$0xD0]  }
0x121: {  	v60 =	vld [tilespmem:s20+$0xE0]  }
0x122: {  	v8 =	vmax.f32 v8, v18;
	v18 =	vmax.f32 v20, v22;
	v20 =	vmax.f32 v48, v47  }
0x123: {  	v22 =	vmax.f32 v49, v51;
	v61 =	vmax.f32 v50, v52;
	v62 =	vmax.f32 v13, v53  }
0x124: {  	v13 =	vmax.f32 v16, v54;
	v16 =	vmax.f32 v17, v55;
	v8 =	vmax.f32 v8, v56  }
0x125: {  	v17 =	vmax.f32 v18, v57;
	v63 =	vmax.f32 v20, v58;
	v52 =	vmax.f32 v22, v59  }
0x126: {  	v47 =	vmax.f32 v61, v60;
	v22 =	vmax.f32 v21, v13;
	v20 =	vmax.f32 v19, v16  }
0x127: {  	v18 =	vmax.f32 v12, v8;
	v17 =	vmax.f32 v15, v17;
	v21 =	vsub.f32 v21, v22  }
0x128: {  	v16 =	vmax.f32 v14, v63;
	v13 =	vmax.f32 v11, v52;
	v19 =	vsub.f32 v19, v20  }
0x129: {  	v8 =	vmax.f32 v9, v47;
	v53 =	vsub.f32 v12, v18;
	v21 =	vmul.f32 $1.442695020e+00, v21  }
0x12a: {  	v12 =	vmax.f32 v10, v62;
	v15 =	vsub.f32 v15, v17;
	v19 =	vmul.f32 $1.442695020e+00, v19  }
0x12b: {  	v14 =	vsub.f32 v14, v16;
	(erf) = vpow2.f32 v21;
	v21 =	vmul.f32 $1.442695020e+00, v53  }
0x12c: {  	v11 =	vsub.f32 v11, v13;
	v15 =	vmul.f32 $1.442695020e+00, v15;
	(erf) = vpow2.f32 v19  }
0x12d: {  	v9 =	vsub.f32 v9, v8;
	v14 =	vmul.f32 $1.442695020e+00, v14;
	(erf) = vpow2.f32 v21  }
0x12e: {  	v10 =	vsub.f32 v10, v12;
	v11 =	vmul.f32 $1.442695020e+00, v11;
	(erf) = vpow2.f32 v15  }
0x12f: {  	v9 =	vmul.f32 $1.442695020e+00, v9;
	(erf) = vpow2.f32 v14  }
0x130: {  	v10 =	vmul.f32 $1.442695020e+00, v10;
	(erf) = vpow2.f32 v11  }
0x131: {  	(erf) = vpow2.f32 v9  }
0x132: {  	(erf) = vpow2.f32 v10  }
0x133: {  	s21 =	simm.s32 $0xC0  }
0x134: {  	v51 =	vld [tilespmem:s21+$0xFFFFFFE0];
	v9 =	vpop (erf)  }
0x135: {  	v50 =	vld [tilespmem:s21+$0xFFFFFFD0];
	v10 =	vpop (erf)  }
0x136: {  	v52 =	vld [tilespmem:s21+$0xFFFFFFF0];
	v11 =	vpop (erf)  }
0x137: {  	s30 =	simm.s32 $0x0;
	v15 =	vld [tilespmem:s21+$0x30];
	v14 =	vpop (erf)  }
0x138: {  	v47 =	vmul.f32 v9, v41;
	v48 =	vmul.f32 v11, v46;
	v11 =	vmov s30;
	v9 =	vpop (erf)  }
0x139: {  	v55 =	vsub.f32 v51, v18;
	v33 =	vmul.f32 v10, v33;
	v11 =	vadd.s32 $0x190, v11;
	v10 =	vpop (erf)  }
0x13a: {  	v54 =	vsub.f32 v50, v20;
	v49 =	vmul.f32 v14, v36;
	v36 =	vld [tilespmem:s21+$0xFFFFFFC0];
	v21 =	vbroadcast v11, $0x0;
	v14 =	vpop (erf)  }
0x13b: {  	v56 =	vsub.f32 v52, v17;
	v9 =	vmul.f32 v9, v43;
	v19 =	vpop (erf);
	v11 =	vmul.f32 v14, v39  }
0x13c: {  	vm5 =	veq.s32 v21, v6;
	v39 =	vmul.f32 v19, v30;
	v19 =	vsub.f32 v15, v12  }
0x13d: {  	v46 =	vld [tilespmem:s21+$0x10];
	vm6 =	veq.s32 v21, v7;
	vm4 =	veq.s32 v21, v4;
	vm3 =	veq.s32 v21, v3  }
0x13e: {  	v43 =	vld [tilespmem:s21+$0x0];
	vm0 =	veq.s32 v21, v1;
	vm1 =	veq.s32 v21, v2;
	v19 =	vmul.f32 $1.442695020e+00, v19  }
0x13f: {  	vm2 =	veq.s32 v21, v0;
	vm7 =	veq.s32 v21, v5;
	v21 =	vsub.f32 v36, v22  }
0x140: {  	v10 =	vmul.f32 v10, v38;
	v14 =	vadd.f32 v15, v45;
	v45 =	vld [tilespmem:s21+$0x20];
	(erf) = vpow2.f32 v19  }
0x141: {  	v38 =	vmul.f32 $1.442695020e+00, v54;
	v15 =	vnsel vm7, $0x0, v15;
	v21 =	vmul.f32 $1.442695020e+00, v21  }
0x142: {  	v58 =	vsub.f32 v46, v13;
	v60 =	vnsel vm3, $0x0, v52;
	v62 =	vnsel vm1, $0x0, v46  }
0x143: {  	v57 =	vsub.f32 v43, v16;
	v19 =	vmul.f32 $1.442695020e+00, v55;
	(erf) = vpow2.f32 v21  }
0x144: {  	v15 =	vadd.f32 v15, v44;
	v44 =	vmul.f32 $1.442695020e+00, v56;
	(erf) = vpow2.f32 v38  }
0x145: {  	v41 =	vmul.f32 $1.442695020e+00, v57;
	v59 =	vsub.f32 v45, v8;
	(erf) = vpow2.f32 v19  }
0x146: {  	v30 =	vnsel vm5, $0x0, v36;
	v38 =	vmul.f32 $1.442695020e+00, v58;
	(erf) = vpow2.f32 v44  }
0x147: {  	v32 =	vadd.f32 v36, v32;
	v53 =	vmul.f32 $1.442695020e+00, v59;
	(erf) = vpow2.f32 v41  }
0x148: {  	v61 =	vnsel vm0, $0x0, v43;
	v21 =	vnsel vm6, $0x0, v50;
	(erf) = vpow2.f32 v38  }
0x149: {  	v41 =	vadd.f32 v21, v34;
	v21 =	vadd.f32 v62, v28;
	v28 =	vpop (erf);
	(erf) = vpow2.f32 v53  }
0x14a: {  	s31 =	simm.s32 $0x1;
	v63 =	vnsel vm2, $0x0, v45;
	v19 =	vnsel vm4, $0x0, v51;
	v44 =	vadd.f32 v30, v31  }
0x14b: {  	v30 =	vadd.f32 v60, v40;
	v31 =	vmov s31;
	v40 =	vadd.f32 v52, v26  }
0x14c: {  	v31 =	vadd.s32 $0x190, v31;
	v34 =	vadd.f32 v50, v35;
	v38 =	vadd.f32 v19, v37;
	v60 =	vpop (erf)  }
0x14d: {  	v19 =	vadd.f32 v61, v27;
	v27 =	vadd.f32 v63, v42;
	v42 =	vbroadcast v31, $0x0;
	v61 =	vpop (erf)  }
0x14e: {  	v37 =	vadd.f32 v51, v29;
	v28 =	vadd.f32 v28, v39;
	v62 =	vpop (erf)  }
0x14f: {  	s20 =	simm.s32 $0x140;
	vm0 =	veq.s32 v42, v6;
	v31 =	vadd.f32 v60, v47;
	v33 =	vadd.f32 v61, v33;
	v63 =	vpop (erf)  }
0x150: {  	s21 =	simm.s32 $0x2;
	v29 =	vld [tilespmem:s20+$0x30];
	vm1 =	veq.s32 v42, v7;
	v36 =	vadd.f32 v62, v48;
	v39 =	vadd.f32 v63, v49;
	v26 =	vpop (erf)  }
.LBB2_12:
0x151: {  	p0 =	sne.s32 s21, $0xC7;
	v35 =	vld [tilespmem:s20+$0xFFFFFFC0];
	vm6 =	veq.s32 v42, v4;
	v9 =	vadd.f32 v26, v9;
	v25 =	vadd.f32 v43, v25;
	v26 =	vpop (erf)  }
0x152: {  	vm2 =	veq.s32 v42, v3;
	v23 =	vadd.f32 v46, v23;
	v47 =	vld [tilespmem:s20+$0xFFFFFFD0];
	v10 =	vadd.f32 v26, v10;
	v26 =	vpop (erf)  }
0x153: {  	vm3 =	veq.s32 v42, v1;
	v24 =	vadd.f32 v45, v24;
	v48 =	vld [tilespmem:s20+$0xFFFFFFE0];
	v11 =	vadd.f32 v26, v11  }
0x154: {  	vm4 =	veq.s32 v42, v2;
	vm5 =	veq.s32 v42, v0;
	vm7 =	veq.s32 v42, v5;
	v26 =	vld [tilespmem:s20+$0xFFFFFFF0]  }
0x155: {  	v43 =	vld [tilespmem:s20+$0x0];
	v42 =	vsub.f32 v29, v12;
	v14 =	vadd.f32 v29, v14;
	v29 =	vnsel vm7, $0x0, v29  }
0x156: {  	v49 =	vsub.f32 v35, v22;
	v50 =	vnsel vm0, $0x0, v35;
	v46 =	vld [tilespmem:s20+$0x10];
	v15 =	vadd.f32 v29, v15  }
0x157: {  	v29 =	vsub.f32 v47, v20;
	v51 =	vnsel vm1, $0x0, v47;
	v45 =	vld [tilespmem:s20+$0x20];
	v42 =	vmul.f32 $1.442695020e+00, v42  }
0x158: {  	v49 =	vmul.f32 $1.442695020e+00, v49;
	v52 =	vsub.f32 v48, v18;
	v53 =	vnsel vm6, $0x0, v48  }
0x159: {  	v29 =	vmul.f32 $1.442695020e+00, v29;
	v54 =	vsub.f32 v26, v17;
	(erf) = vpow2.f32 v42  }
0x15a: {  	v42 =	vmul.f32 $1.442695020e+00, v52;
	v52 =	vsub.f32 v43, v16;
	(erf) = vpow2.f32 v49  }
0x15b: {  	v49 =	vmul.f32 $1.442695020e+00, v54;
	v54 =	vsub.f32 v46, v13;
	(erf) = vpow2.f32 v29  }
0x15c: {  	v29 =	vmul.f32 $1.442695020e+00, v52;
	v52 =	vsub.f32 v45, v8;
	(erf) = vpow2.f32 v42  }
0x15d: {  	v42 =	vnsel vm2, $0x0, v26;
	v54 =	vmul.f32 $1.442695020e+00, v54;
	(erf) = vpow2.f32 v49  }
0x15e: {  	v49 =	vnsel vm3, $0x0, v43;
	v52 =	vmul.f32 $1.442695020e+00, v52;
	(erf) = vpow2.f32 v29  }
0x15f: {  	v55 =	vnsel vm5, $0x0, v45;
	v29 =	vnsel vm4, $0x0, v46;
	(erf) = vpow2.f32 v54  }
0x160: {  	v44 =	vadd.f32 v50, v44;
	v41 =	vadd.f32 v51, v41;
	(erf) = vpow2.f32 v52  }
0x161: {  	v38 =	vadd.f32 v53, v38;
	v30 =	vadd.f32 v42, v30  }
0x162: {  	v42 =	vmov s21;
	v19 =	vadd.f32 v49, v19;
	v21 =	vadd.f32 v29, v21;
	v29 =	vpop (erf)  }
.Ltmp5:
0x163: {  	v27 =	vadd.f32 v55, v27;
	v42 =	vadd.s32 $0x190, v42;
	v28 =	vadd.f32 v29, v28;
	v29 =	vpop (erf);
	(pc) =	sbr.rel @p0 .LBB2_12-.Ltmp5, $4  }
0x164: {  	v32 =	vadd.f32 v35, v32;
	v42 =	vbroadcast v42, $0x0;
	v31 =	vadd.f32 v29, v31;
	v29 =	vpop (erf)  }
0x165: {  	v34 =	vadd.f32 v47, v34;
	v33 =	vadd.f32 v29, v33;
	v29 =	vpop (erf)  }
0x166: {  	s20 =	sadd.s32 $0x80, s20;
	v37 =	vadd.f32 v48, v37;
	vm0 =	veq.s32 v42, v6;
	v36 =	vadd.f32 v29, v36;
	v35 =	vpop (erf)  }
0x167: {  	v40 =	vadd.f32 v26, v40;
	s21 =	sadd.s32 $0x1, s21;
	vm1 =	veq.s32 v42, v7;
	v29 =	vld [tilespmem:s20+$0x30];
	v39 =	vadd.f32 v35, v39;
	v26 =	vpop (erf)  }
0x168: {  	v47 =	vld [tilespmem:s20+$0xFFFFFFC0]  }
0x169: {  	v48 =	vld [tilespmem:s20+$0xFFFFFFD0]  }
0x16a: {  	v49 =	vld [tilespmem:s20+$0xFFFFFFE0]  }
0x16b: {  	v50 =	vld [tilespmem:s20+$0xFFFFFFF0]  }
0x16c: {  	v51 =	vld [tilespmem:s20+$0x0];
	v35 =	vsub.f32 v29, v12  }
0x16d: {  	v53 =	vld [tilespmem:s20+$0x10];
	v52 =	vsub.f32 v47, v22  }
0x16e: {  	v55 =	vld [tilespmem:s20+$0x20];
	v54 =	vsub.f32 v48, v20;
	v35 =	vmul.f32 $1.442695020e+00, v35  }
0x16f: {  	v56 =	vsub.f32 v49, v18;
	v52 =	vmul.f32 $1.442695020e+00, v52  }
0x170: {  	v60 =	vsub.f32 v50, v17;
	v54 =	vmul.f32 $1.442695020e+00, v54;
	(erf) = vpow2.f32 v35  }
0x171: {  	v61 =	vsub.f32 v51, v16;
	v56 =	vmul.f32 $1.442695020e+00, v56;
	(erf) = vpow2.f32 v52  }
0x172: {  	v62 =	vsub.f32 v53, v13;
	v35 =	vmul.f32 $1.442695020e+00, v60;
	(erf) = vpow2.f32 v54  }
0x173: {  	v63 =	vsub.f32 v55, v8;
	v52 =	vmul.f32 $1.442695020e+00, v61;
	(erf) = vpow2.f32 v56  }
0x174: {  	v54 =	vmul.f32 $1.442695020e+00, v62;
	(erf) = vpow2.f32 v35  }
0x175: {  	v59 =	vmul.f32 $1.442695020e+00, v63;
	(erf) = vpow2.f32 v52  }
0x176: {  	(erf) = vpow2.f32 v54  }
0x177: {  	v60 =	vpop (erf);
	(erf) = vpow2.f32 v59  }
0x178: {  	v61 =	vpop (erf)  }
0x179: {  	v54 =	vpop (erf)  }
0x17a: {  	v9 =	vadd.f32 v26, v9;
	v58 =	vadd.f32 v43, v25;
	v56 =	vpop (erf)  }
0x17b: {  	vm2 =	veq.s32 v42, v4;
	vm3 =	veq.s32 v42, v5;
	v24 =	vadd.f32 v45, v24;
	v57 =	vpop (erf)  }
0x17c: {  	v45 =	vadd.f32 v29, v14;
	v14 =	vnsel vm3, $0x0, v29;
	v52 =	vadd.f32 v46, v23;
	v25 =	vpop (erf)  }
0x17d: {  	v46 =	vadd.f32 v14, v15;
	v14 =	vnsel vm1, $0x0, v48;
	v59 =	vadd.f32 v61, v11;
	v11 =	vpop (erf)  }
0x17e: {  	vm12 =	veq.s32 v42, v3;
	vm13 =	veq.s32 v42, v1;
	vm14 =	veq.s32 v42, v2;
	v23 =	vpop (erf)  }
0x17f: {  	vm15 =	veq.s32 v42, v0;
	v26 =	vnsel vm0, $0x0, v47;
	v10 =	vadd.f32 v60, v10;
	v60 =	vpop (erf)  }
0x180: {  	v32 =	vadd.f32 v47, v32;
	v15 =	vnsel vm2, $0x0, v49;
	v29 =	vadd.f32 v14, v41;
	v14 =	vpop (erf)  }
0x181: {  	v34 =	vadd.f32 v48, v34;
	v35 =	vadd.f32 v15, v38;
	v15 =	vnsel vm12, $0x0, v50;
	_ =	swait.ge [sflag:s17], $0x6400  }
0x182: {  	v26 =	vadd.f32 v26, v44;
	v30 =	vadd.f32 v15, v30;
	v15 =	vnsel vm14, $0x0, v53;
	[sflag:s17] =	ssyncset.done $0x0  }
0x183: {  	s22 =	simm.s32 $0x0;
	v62 =	vnsel vm13, $0x0, v51;
	v41 =	vadd.f32 v15, v21;
	v15 =	vnsel vm15, $0x0, v55;
	[sflag:s17] =	ssyncadd.s32 $0xFFFF9C00  }
0x184: {  	v38 =	vadd.f32 v62, v19;
	v42 =	vadd.f32 v15, v27;
	[tilespmem:s14], [sflag:$0x1] =	stream.strided.gather [hbm4b:s8+s12], $0x6400, s13, s12, $0x38;
	[tilespmem:$0xC900] =	vst v63  }
0x185: {  	v15 =	vadd.f32 v51, v58;
	v27 =	vadd.f32 v54, v28;
	v19 =	vld [tilespmem:s22+$0x64F0]  }
0x186: {  	v28 =	vadd.f32 v56, v31;
	v31 =	vadd.f32 v57, v33;
	v21 =	vld [tilespmem:s22+$0x6480]  }
0x187: {  	v43 =	vadd.f32 v25, v36;
	v36 =	vadd.f32 v49, v37;
	v63 =	vld [tilespmem:s22+$0x6490]  }
0x188: {  	v48 =	vimm.f32 $-Inf;
	v25 =	vadd.f32 v50, v40;
	v40 =	vadd.f32 v23, v9;
	v23 =	vld [tilespmem:s22+$0x64A0]  }
0x189: {  	v49 =	vimm.f32 $-Inf;
	v50 =	vimm.f32 $-Inf;
	v39 =	vadd.f32 v11, v39;
	v44 =	vld [tilespmem:s22+$0x64B0]  }
0x18a: {  	v11 =	vadd.f32 v53, v52;
	v9 =	vimm.f32 $-Inf;
	v33 =	vadd.f32 v60, v10;
	v47 =	vld [tilespmem:s22+$0x64C0]  }
0x18b: {  	v37 =	vadd.f32 v14, v59;
	v14 =	vadd.f32 v55, v24;
	v24 =	vimm.f32 $-Inf;
	v51 =	vld [tilespmem:s22+$0x64D0]  }
0x18c: {  	s20 =	simm.s32 $0x80;
	s21 =	simm.s32 $0x400;
	v52 =	vld [tilespmem:s22+$0x64E0];
	v10 =	vmax.f32 v9, v19;
	v19 =	vmax.f32 v9, v21;
	v21 =	vmax.f32 v9, v63  }
.LBB2_14:
0x18d: {  	p0 =	sne.s32 s21, $0x18E00;
	v53 =	vld [tilespmem:s20+$0x64F0];
	v9 =	vmax.f32 v9, v23  }
0x18e: {  	v54 =	vld [tilespmem:s20+$0x6480];
	v24 =	vmax.f32 v24, v44  }
0x18f: {  	v55 =	vld [tilespmem:s20+$0x6490];
	v48 =	vmax.f32 v48, v47  }
.Ltmp6:
0x190: {  	v23 =	vld [tilespmem:s20+$0x64A0];
	v49 =	vmax.f32 v49, v51;
	(pc) =	sbr.rel @p0 .LBB2_14-.Ltmp6, $4  }
0x191: {  	v44 =	vld [tilespmem:s20+$0x64B0];
	v50 =	vmax.f32 v50, v52  }
0x192: {  	v47 =	vld [tilespmem:s20+$0x64C0];
	v10 =	vmax.f32 v10, v53  }
0x193: {  	v19 =	vmax.f32 v19, v54;
	v51 =	vld [tilespmem:s20+$0x64D0]  }
0x194: {  	v21 =	vmax.f32 v21, v55;
	v52 =	vld [tilespmem:s20+$0x64E0];
	s20 =	sshra.s32 s21, $0x2;
	s21 =	sadd.s32 $0x200, s21  }
0x195: {  	v53 =	vld [tilespmem:s20+$0x64F0]  }
0x196: {  	v54 =	vld [tilespmem:s20+$0x6480]  }
0x197: {  	v55 =	vld [tilespmem:s20+$0x6490]  }
0x198: {  	v56 =	vld [tilespmem:s20+$0x64A0]  }
0x199: {  	v57 =	vld [tilespmem:s20+$0x64B0]  }
0x19a: {  	v58 =	vld [tilespmem:s20+$0x64C0]  }
0x19b: {  	v59 =	vld [tilespmem:s20+$0x64D0]  }
0x19c: {  	v60 =	vld [tilespmem:s20+$0x64E0]  }
0x19d: {  	v9 =	vmax.f32 v9, v23;
	v23 =	vmax.f32 v24, v44;
	v24 =	vmax.f32 v48, v47  }
0x19e: {  	v61 =	vmax.f32 v49, v51;
	v62 =	vmax.f32 v50, v52;
	v63 =	vmax.f32 v10, v53  }
0x19f: {  	v10 =	vmax.f32 v19, v54;
	v19 =	vmax.f32 v21, v55;
	v21 =	vmax.f32 v9, v56  }
0x1a0: {  	v23 =	vmax.f32 v23, v57;
	v52 =	vmax.f32 v24, v58;
	v44 =	vmax.f32 v61, v59  }
0x1a1: {  	v47 =	vmax.f32 v62, v60;
	v10 =	vmax.f32 v22, v10;
	v9 =	vmax.f32 v20, v19  }
0x1a2: {  	v24 =	vmax.f32 v18, v21;
	v23 =	vmax.f32 v17, v23;
	v53 =	vsub.f32 v22, v10  }
0x1a3: {  	v21 =	vmax.f32 v13, v44;
	v19 =	vmax.f32 v8, v47;
	v54 =	vsub.f32 v20, v9  }
0x1a4: {  	v22 =	vmax.f32 v16, v52;
	v18 =	vsub.f32 v18, v24;
	v55 =	vmul.f32 $1.442695020e+00, v53  }
0x1a5: {  	v20 =	vmax.f32 v12, v63;
	v17 =	vsub.f32 v17, v23;
	v44 =	vmul.f32 $1.442695020e+00, v54  }
0x1a6: {  	v16 =	vsub.f32 v16, v22;
	v18 =	vmul.f32 $1.442695020e+00, v18;
	(erf) = vpow2.f32 v55  }
0x1a7: {  	v13 =	vsub.f32 v13, v21;
	v17 =	vmul.f32 $1.442695020e+00, v17;
	(erf) = vpow2.f32 v44  }
0x1a8: {  	v8 =	vsub.f32 v8, v19;
	v16 =	vmul.f32 $1.442695020e+00, v16;
	(erf) = vpow2.f32 v18  }
0x1a9: {  	v12 =	vsub.f32 v12, v20;
	v13 =	vmul.f32 $1.442695020e+00, v13;
	(erf) = vpow2.f32 v17  }
0x1aa: {  	v8 =	vmul.f32 $1.442695020e+00, v8;
	(erf) = vpow2.f32 v16  }
0x1ab: {  	v12 =	vmul.f32 $1.442695020e+00, v12;
	(erf) = vpow2.f32 v13  }
0x1ac: {  	s31 =	simm.s32 $0x0;
	(erf) = vpow2.f32 v8  }
0x1ad: {  	v51 =	vld [tilespmem:s31+$0x6490];
	(erf) = vpow2.f32 v12  }
0x1ae: {  	v52 =	vld [tilespmem:s31+$0x64A0]  }
0x1af: {  	v44 =	vld [tilespmem:s31+$0x64E0];
	v8 =	vpop (erf)  }
0x1b0: {  	v12 =	vpop (erf)  }
0x1b1: {  	v13 =	vpop (erf)  }
0x1b2: {  	v18 =	vld [tilespmem:s31+$0x64F0];
	v16 =	vpop (erf)  }
0x1b3: {  	v56 =	vsub.f32 v51, v9;
	v34 =	vadd.f32 v51, v34;
	v47 =	vmul.f32 v8, v28;
	v8 =	vpop (erf)  }
0x1b4: {  	s30 =	simm.s32 $0x0;
	v57 =	vsub.f32 v52, v24;
	v60 =	vsub.f32 v44, v19;
	v48 =	vmul.f32 v12, v31;
	v12 =	vpop (erf)  }
0x1b5: {  	v49 =	vmul.f32 v13, v43;
	v13 =	vmov s30;
	v17 =	vpop (erf);
	v12 =	vmul.f32 v12, v33;
	v33 =	vld [tilespmem:s31+$0x6480]  }
0x1b6: {  	v63 =	vmul.f32 $1.442695020e+00, v60;
	v16 =	vmul.f32 v16, v39;
	v13 =	vadd.s32 $0x258, v13;
	v28 =	vpop (erf)  }
0x1b7: {  	v31 =	vbroadcast v13, $0x0;
	v50 =	vmul.f32 v28, v27;
	v27 =	vsub.f32 v18, v20  }
0x1b8: {  	v36 =	vadd.f32 v52, v36;
	v39 =	vmul.f32 $1.442695020e+00, v57;
	v8 =	vmul.f32 v8, v40;
	v40 =	vld [tilespmem:s31+$0x64B0]  }
0x1b9: {  	v43 =	vld [tilespmem:s31+$0x64C0];
	v13 =	vmul.f32 v17, v37;
	vm4 =	veq.s32 v31, v6;
	v27 =	vmul.f32 $1.442695020e+00, v27  }
0x1ba: {  	vm5 =	veq.s32 v31, v7;
	v17 =	vadd.f32 v18, v45;
	v45 =	vld [tilespmem:s31+$0x64D0];
	v28 =	vsub.f32 v33, v10  }
0x1bb: {  	vm6 =	veq.s32 v31, v4;
	vm3 =	veq.s32 v31, v3;
	(erf) = vpow2.f32 v27  }
0x1bc: {  	vm2 =	veq.s32 v31, v1;
	vm7 =	veq.s32 v31, v5;
	v28 =	vmul.f32 $1.442695020e+00, v28  }
0x1bd: {  	v37 =	vmul.f32 $1.442695020e+00, v56;
	v18 =	vnsel vm7, $0x0, v18;
	v58 =	vsub.f32 v40, v23  }
0x1be: {  	v18 =	vadd.f32 v18, v46;
	(erf) = vpow2.f32 v28;
	v28 =	vsub.f32 v43, v22  }
0x1bf: {  	v46 =	vmul.f32 $1.442695020e+00, v58;
	v59 =	vsub.f32 v45, v21;
	(erf) = vpow2.f32 v37  }
0x1c0: {  	vm0 =	veq.s32 v31, v2;
	(erf) = vpow2.f32 v39;
	v28 =	vmul.f32 $1.442695020e+00, v28  }
0x1c1: {  	vm1 =	veq.s32 v31, v0;
	v61 =	vmul.f32 $1.442695020e+00, v59;
	(erf) = vpow2.f32 v46  }
0x1c2: {  	v53 =	vnsel vm6, $0x0, v52;
	v62 =	vnsel vm2, $0x0, v43;
	(erf) = vpow2.f32 v28  }
0x1c3: {  	v31 =	vnsel vm4, $0x0, v33;
	v46 =	vnsel vm3, $0x0, v40;
	(erf) = vpow2.f32 v61  }
0x1c4: {  	v39 =	vadd.f32 v31, v26;
	v26 =	vadd.f32 v46, v30;
	v30 =	vpop (erf);
	(erf) = vpow2.f32 v63  }
0x1c5: {  	s20 =	simm.s32 $0x1;
	v60 =	vnsel vm1, $0x0, v44;
	v35 =	vadd.f32 v53, v35;
	v27 =	vnsel vm5, $0x0, v51  }
0x1c6: {  	v32 =	vadd.f32 v33, v32;
	v37 =	vadd.f32 v27, v29;
	v29 =	vmov s20  }
0x1c7: {  	v27 =	vadd.f32 v62, v38;
	v31 =	vadd.s32 $0x258, v29;
	v28 =	vnsel vm0, $0x0, v45;
	v61 =	vpop (erf)  }
0x1c8: {  	v29 =	vadd.f32 v60, v42;
	v28 =	vadd.f32 v28, v41;
	v41 =	vbroadcast v31, $0x0;
	v62 =	vpop (erf)  }
0x1c9: {  	v30 =	vadd.f32 v30, v50;
	v31 =	vadd.f32 v61, v47;
	v63 =	vpop (erf)  }
0x1ca: {  	s22 =	simm.s32 $0x80;
	s21 =	simm.s32 $0x400;
	vm0 =	veq.s32 v41, v6;
	v33 =	vadd.f32 v62, v48;
	v38 =	vadd.f32 v63, v49;
	v42 =	vpop (erf)  }
.LBB2_16:
0x1cb: {  	p0 =	sne.s32 s21, $0x18E00;
	vm5 =	veq.s32 v41, v7;
	v46 =	vld [tilespmem:s22+$0x64F0];
	v16 =	vadd.f32 v42, v16;
	v25 =	vadd.f32 v40, v25;
	v40 =	vpop (erf)  }
0x1cc: {  	vm6 =	veq.s32 v41, v4;
	v15 =	vadd.f32 v43, v15;
	v42 =	vld [tilespmem:s22+$0x6480];
	v8 =	vadd.f32 v40, v8;
	v40 =	vpop (erf)  }
0x1cd: {  	vm1 =	veq.s32 v41, v3;
	v11 =	vadd.f32 v45, v11;
	v47 =	vld [tilespmem:s22+$0x6490];
	v12 =	vadd.f32 v40, v12;
	v40 =	vpop (erf)  }
0x1ce: {  	vm2 =	veq.s32 v41, v1;
	v14 =	vadd.f32 v44, v14;
	v48 =	vld [tilespmem:s22+$0x64A0];
	v13 =	vadd.f32 v40, v13  }
0x1cf: {  	vm3 =	veq.s32 v41, v2;
	vm4 =	veq.s32 v41, v0;
	vm7 =	veq.s32 v41, v5;
	v40 =	vld [tilespmem:s22+$0x64B0]  }
0x1d0: {  	v43 =	vld [tilespmem:s22+$0x64C0];
	v41 =	vsub.f32 v46, v20;
	v17 =	vadd.f32 v46, v17;
	v44 =	vnsel vm7, $0x0, v46  }
0x1d1: {  	v46 =	vsub.f32 v42, v10;
	v49 =	vnsel vm0, $0x0, v42;
	v45 =	vld [tilespmem:s22+$0x64D0];
	v18 =	vadd.f32 v44, v18  }
0x1d2: {  	v50 =	vsub.f32 v47, v9;
	v51 =	vnsel vm5, $0x0, v47;
	v44 =	vld [tilespmem:s22+$0x64E0];
	v41 =	vmul.f32 $1.442695020e+00, v41  }
0x1d3: {  	v46 =	vmul.f32 $1.442695020e+00, v46;
	v52 =	vsub.f32 v48, v24;
	v53 =	vnsel vm6, $0x0, v48  }
0x1d4: {  	v50 =	vmul.f32 $1.442695020e+00, v50;
	v54 =	vsub.f32 v40, v23;
	(erf) = vpow2.f32 v41  }
0x1d5: {  	v41 =	vmul.f32 $1.442695020e+00, v52;
	v52 =	vsub.f32 v43, v22;
	(erf) = vpow2.f32 v46  }
0x1d6: {  	v46 =	vmul.f32 $1.442695020e+00, v54;
	v54 =	vsub.f32 v45, v21;
	(erf) = vpow2.f32 v50  }
0x1d7: {  	v50 =	vmul.f32 $1.442695020e+00, v52;
	v52 =	vsub.f32 v44, v19;
	(erf) = vpow2.f32 v41  }
0x1d8: {  	v41 =	vnsel vm1, $0x0, v40;
	v54 =	vmul.f32 $1.442695020e+00, v54;
	(erf) = vpow2.f32 v46  }
0x1d9: {  	v46 =	vnsel vm2, $0x0, v43;
	v52 =	vmul.f32 $1.442695020e+00, v52;
	(erf) = vpow2.f32 v50  }
0x1da: {  	v55 =	vnsel vm4, $0x0, v44;
	v50 =	vnsel vm3, $0x0, v45;
	(erf) = vpow2.f32 v54  }
0x1db: {  	v39 =	vadd.f32 v49, v39;
	v37 =	vadd.f32 v51, v37;
	(erf) = vpow2.f32 v52  }
0x1dc: {  	s20 =	sadd.s32 $0x1, s20;
	v35 =	vadd.f32 v53, v35;
	v26 =	vadd.f32 v41, v26  }
.Ltmp7:
0x1dd: {  	v41 =	vmov s20;
	v27 =	vadd.f32 v46, v27;
	v28 =	vadd.f32 v50, v28;
	v46 =	vpop (erf);
	(pc) =	sbr.rel @p0 .LBB2_16-.Ltmp7, $4  }
0x1de: {  	v29 =	vadd.f32 v55, v29;
	v41 =	vadd.s32 $0x258, v41;
	v30 =	vadd.f32 v46, v30;
	v46 =	vpop (erf)  }
0x1df: {  	v32 =	vadd.f32 v42, v32;
	v41 =	vbroadcast v41, $0x0;
	v31 =	vadd.f32 v46, v31;
	v42 =	vpop (erf)  }
0x1e0: {  	v34 =	vadd.f32 v47, v34;
	v33 =	vadd.f32 v42, v33;
	v42 =	vpop (erf)  }
0x1e1: {  	s22 =	sshra.s32 s21, $0x2;
	s21 =	sadd.s32 $0x200, s21;
	v36 =	vadd.f32 v48, v36;
	vm0 =	veq.s32 v41, v6;
	v38 =	vadd.f32 v42, v38;
	v42 =	vpop (erf)  }
0x1e2: {  	v46 =	vld [tilespmem:s22+$0x64F0]  }
0x1e3: {  	v47 =	vld [tilespmem:s22+$0x6480]  }
0x1e4: {  	v48 =	vld [tilespmem:s22+$0x6490]  }
0x1e5: {  	v49 =	vld [tilespmem:s22+$0x64A0]  }
0x1e6: {  	v50 =	vld [tilespmem:s22+$0x64B0]  }
0x1e7: {  	v51 =	vld [tilespmem:s22+$0x64C0];
	v52 =	vsub.f32 v46, v20  }
0x1e8: {  	v54 =	vld [tilespmem:s22+$0x64D0];
	v53 =	vsub.f32 v47, v10  }
0x1e9: {  	v56 =	vld [tilespmem:s22+$0x64E0];
	v55 =	vsub.f32 v48, v9;
	v52 =	vmul.f32 $1.442695020e+00, v52  }
0x1ea: {  	v57 =	vsub.f32 v49, v24;
	v53 =	vmul.f32 $1.442695020e+00, v53  }
0x1eb: {  	v60 =	vsub.f32 v50, v23;
	v55 =	vmul.f32 $1.442695020e+00, v55;
	(erf) = vpow2.f32 v52  }
0x1ec: {  	v61 =	vsub.f32 v51, v22;
	v57 =	vmul.f32 $1.442695020e+00, v57;
	(erf) = vpow2.f32 v53  }
0x1ed: {  	v62 =	vsub.f32 v54, v21;
	v52 =	vmul.f32 $1.442695020e+00, v60;
	(erf) = vpow2.f32 v55  }
0x1ee: {  	v63 =	vsub.f32 v56, v19;
	v53 =	vmul.f32 $1.442695020e+00, v61;
	(erf) = vpow2.f32 v57  }
0x1ef: {  	v58 =	vmul.f32 $1.442695020e+00, v62;
	(erf) = vpow2.f32 v52  }
0x1f0: {  	v59 =	vmul.f32 $1.442695020e+00, v63;
	(erf) = vpow2.f32 v53  }
0x1f1: {  	v60 =	vpop (erf);
	(erf) = vpow2.f32 v58  }
0x1f2: {  	v61 =	vpop (erf);
	(erf) = vpow2.f32 v59  }
0x1f3: {  	v62 =	vpop (erf)  }
0x1f4: {  	vm1 =	veq.s32 v41, v7;
	v16 =	vadd.f32 v42, v16;
	vm2 =	veq.s32 v41, v4;
	v58 =	vpop (erf)  }
0x1f5: {  	v15 =	vadd.f32 v43, v15;
	vm3 =	veq.s32 v41, v3;
	v11 =	vadd.f32 v45, v11;
	v63 =	vpop (erf)  }
0x1f6: {  	vm4 =	veq.s32 v41, v1;
	v14 =	vadd.f32 v44, v14;
	v52 =	vadd.f32 v61, v12;
	v12 =	vpop (erf)  }
0x1f7: {  	vm5 =	veq.s32 v41, v5;
	vm14 =	veq.s32 v41, v2;
	v53 =	vadd.f32 v62, v13;
	v13 =	vpop (erf)  }
0x1f8: {  	v45 =	vadd.f32 v46, v17;
	v17 =	vnsel vm5, $0x0, v46;
	v43 =	vadd.f32 v47, v32;
	v46 =	vpop (erf)  }
0x1f9: {  	vm15 =	veq.s32 v41, v0;
	v32 =	vadd.f32 v49, v36;
	v44 =	vadd.f32 v17, v18;
	v18 =	vpop (erf)  }
0x1fa: {  	v57 =	vadd.f32 v40, v25;
	v25 =	vnsel vm0, $0x0, v47;
	v59 =	vnsel vm2, $0x0, v49;
	v55 =	vpop (erf)  }
0x1fb: {  	v17 =	vnsel vm1, $0x0, v48;
	v25 =	vadd.f32 v25, v39;
	v39 =	vadd.f32 v59, v35;
	v35 =	vpop (erf)  }
0x1fc: {  	v37 =	vadd.f32 v17, v37;
	v17 =	vnsel vm3, $0x0, v50;
	v8 =	vadd.f32 v60, v8;
	_ =	swait.ge [sflag:s15], $0x6400  }
0x1fd: {  	v60 =	vnsel vm4, $0x0, v51;
	v40 =	vadd.f32 v17, v26;
	v17 =	vnsel vm14, $0x0, v54;
	[sflag:s15] =	ssyncset.done $0x0  }
0x1fe: {  	s31 =	simm.s32 $0x0;
	v41 =	vadd.f32 v60, v27;
	v28 =	vadd.f32 v17, v28;
	v17 =	vnsel vm15, $0x0, v56;
	[sflag:s15] =	ssyncadd.s32 $0xFFFF9C00  }
0x1ff: {  	v42 =	vadd.f32 v17, v29;
	v29 =	vadd.f32 v48, v34;
	v61 =	vld [tilespmem:s31+$0xF0]  }
0x200: {  	v34 =	vadd.f32 v50, v57;
	v26 =	vadd.f32 v58, v30;
	v62 =	vld [tilespmem:s31+$0x80]  }
0x201: {  	v48 =	vimm.f32 $-Inf;
	v27 =	vadd.f32 v63, v31;
	v30 =	vadd.f32 v12, v33;
	v63 =	vld [tilespmem:s31+$0x90]  }
0x202: {  	v50 =	vimm.f32 $-Inf;
	v12 =	vadd.f32 v51, v15;
	v15 =	vadd.f32 v56, v14;
	v17 =	vld [tilespmem:s31+$0xA0]  }
0x203: {  	v49 =	vimm.f32 $-Inf;
	v38 =	vadd.f32 v13, v38;
	v31 =	vadd.f32 v46, v16;
	v46 =	vld [tilespmem:s31+$0xB0]  }
0x204: {  	v13 =	vadd.f32 v54, v11;
	v36 =	vadd.f32 v18, v8;
	v8 =	vimm.f32 $-Inf;
	v47 =	vld [tilespmem:s31+$0xC0]  }
0x205: {  	v18 =	vimm.f32 $-Inf;
	v33 =	vadd.f32 v55, v52;
	v35 =	vadd.f32 v35, v53;
	v51 =	vld [tilespmem:s31+$0xD0]  }
0x206: {  	s20 =	simm.s32 $0x80;
	s21 =	simm.s32 $0x400;
	v52 =	vld [tilespmem:s31+$0xE0];
	v11 =	vmax.f32 v8, v61;
	v14 =	vmax.f32 v8, v62;
	v16 =	vmax.f32 v8, v63  }
.LBB2_18:
0x207: {  	p0 =	sne.s32 s21, $0x18E00;
	v53 =	vld [tilespmem:s20+$0xF0];
	v8 =	vmax.f32 v8, v17  }
0x208: {  	v54 =	vld [tilespmem:s20+$0x80];
	v18 =	vmax.f32 v18, v46  }
0x209: {  	v55 =	vld [tilespmem:s20+$0x90];
	v48 =	vmax.f32 v48, v47  }
.Ltmp8:
0x20a: {  	v17 =	vld [tilespmem:s20+$0xA0];
	v49 =	vmax.f32 v49, v51;
	(pc) =	sbr.rel @p0 .LBB2_18-.Ltmp8, $4  }
0x20b: {  	v46 =	vld [tilespmem:s20+$0xB0];
	v50 =	vmax.f32 v50, v52  }
0x20c: {  	v47 =	vld [tilespmem:s20+$0xC0];
	v11 =	vmax.f32 v11, v53  }
0x20d: {  	v14 =	vmax.f32 v14, v54;
	v51 =	vld [tilespmem:s20+$0xD0]  }
0x20e: {  	v16 =	vmax.f32 v16, v55;
	v52 =	vld [tilespmem:s20+$0xE0];
	s20 =	sshra.s32 s21, $0x2;
	s21 =	sadd.s32 $0x200, s21  }
0x20f: {  	v53 =	vld [tilespmem:s20+$0xF0]  }
0x210: {  	v54 =	vld [tilespmem:s20+$0x80]  }
0x211: {  	v55 =	vld [tilespmem:s20+$0x90]  }
0x212: {  	v56 =	vld [tilespmem:s20+$0xA0]  }
0x213: {  	v57 =	vld [tilespmem:s20+$0xB0]  }
0x214: {  	v58 =	vld [tilespmem:s20+$0xC0]  }
0x215: {  	v59 =	vld [tilespmem:s20+$0xD0]  }
0x216: {  	v8 =	vmax.f32 v8, v17  }
0x217: {  	v60 =	vld [tilespmem:s20+$0xE0];
	v17 =	vmax.f32 v18, v46;
	v18 =	vmax.f32 v48, v47;
	v63 =	vmax.f32 v49, v51  }
0x218: {  	v52 =	vmax.f32 v50, v52;
	v53 =	vmax.f32 v11, v53;
	v11 =	vmax.f32 v14, v54  }
0x219: {  	v14 =	vmax.f32 v16, v55;
	v8 =	vmax.f32 v8, v56;
	v57 =	vmax.f32 v17, v57  }
0x21a: {  	v58 =	vmax.f32 v18, v58;
	v46 =	vmax.f32 v63, v59;
	v18 =	vmax.f32 v10, v11  }
0x21b: {  	v17 =	vmax.f32 v9, v14;
	v16 =	vmax.f32 v24, v8;
	v8 =	vsub.f32 v10, v18  }
0x21c: {  	v47 =	vmax.f32 v52, v60;
	v14 =	vmax.f32 v23, v57;
	v61 =	vsub.f32 v9, v17  }
0x21d: {  	v11 =	vmax.f32 v22, v58;
	v24 =	vsub.f32 v24, v16;
	v62 =	vmul.f32 $1.442695020e+00, v8  }
0x21e: {  	v10 =	vmax.f32 v21, v46;
	v23 =	vsub.f32 v23, v14;
	v46 =	vmul.f32 $1.442695020e+00, v61  }
0x21f: {  	v9 =	vmax.f32 v19, v47;
	v24 =	vmul.f32 $1.442695020e+00, v24;
	(erf) = vpow2.f32 v62  }
0x220: {  	v22 =	vsub.f32 v22, v11;
	v23 =	vmul.f32 $1.442695020e+00, v23;
	(erf) = vpow2.f32 v46  }
0x221: {  	v21 =	vsub.f32 v21, v10;
	v19 =	vsub.f32 v19, v9;
	(erf) = vpow2.f32 v24  }
0x222: {  	v8 =	vmax.f32 v20, v53;
	v22 =	vmul.f32 $1.442695020e+00, v22;
	(erf) = vpow2.f32 v23  }
0x223: {  	v21 =	vmul.f32 $1.442695020e+00, v21;
	v20 =	vsub.f32 v20, v8  }
0x224: {  	v19 =	vmul.f32 $1.442695020e+00, v19;
	(erf) = vpow2.f32 v22  }
0x225: {  	v20 =	vmul.f32 $1.442695020e+00, v20;
	(erf) = vpow2.f32 v21  }
0x226: {  	(erf) = vpow2.f32 v19  }
0x227: {  	(erf) = vpow2.f32 v20  }
0x228: {  	v19 =	vpop (erf)  }
0x229: {  	v20 =	vpop (erf)  }
0x22a: {  	v21 =	vpop (erf)  }
0x22b: {  	s30 =	simm.s32 $0x0;
	s21 =	simm.s32 $0xC0;
	v22 =	vpop (erf)  }
0x22c: {  	v49 =	vmul.f32 v21, v38;
	v21 =	vmov s30;
	v50 =	vmul.f32 v22, v31;
	v22 =	vld [tilespmem:s21+$0x30]  }
0x22d: {  	v46 =	vmul.f32 v19, v27;
	v19 =	vpop (erf);
	v21 =	vadd.s32 $0x320, v21  }
0x22e: {  	v47 =	vmul.f32 v20, v30;
	v20 =	vpop (erf);
	v21 =	vbroadcast v21, $0x0  }
0x22f: {  	v48 =	vld [tilespmem:s21+$0xFFFFFFC0];
	v38 =	vmul.f32 v19, v36;
	v19 =	vpop (erf);
	v36 =	vmul.f32 v20, v33  }
0x230: {  	v52 =	vld [tilespmem:s21+$0xFFFFFFD0];
	v20 =	vpop (erf);
	v35 =	vmul.f32 v19, v35;
	vm5 =	veq.s32 v21, v6;
	vm6 =	veq.s32 v21, v7  }
0x231: {  	v53 =	vld [tilespmem:s21+$0xFFFFFFE0];
	vm4 =	veq.s32 v21, v4;
	v51 =	vmul.f32 v20, v26;
	v20 =	vsub.f32 v22, v8  }
0x232: {  	v54 =	vld [tilespmem:s21+$0xFFFFFFF0];
	vm3 =	veq.s32 v21, v3;
	vm0 =	veq.s32 v21, v1;
	vm1 =	veq.s32 v21, v2  }
0x233: {  	vm2 =	veq.s32 v21, v0;
	vm7 =	veq.s32 v21, v5;
	v26 =	vld [tilespmem:s21+$0x0];
	v27 =	vmul.f32 $1.442695020e+00, v20  }
0x234: {  	v31 =	vld [tilespmem:s21+$0x10];
	v19 =	vadd.f32 v22, v45;
	v21 =	vnsel vm7, $0x0, v22;
	v22 =	vsub.f32 v48, v18  }
0x235: {  	v29 =	vadd.f32 v52, v29;
	v24 =	vsub.f32 v52, v17;
	v33 =	vld [tilespmem:s21+$0x20];
	(erf) = vpow2.f32 v27  }
0x236: {  	v20 =	vadd.f32 v21, v44;
	v21 =	vmul.f32 $1.442695020e+00, v22;
	v22 =	vsub.f32 v53, v16  }
0x237: {  	v34 =	vadd.f32 v54, v34;
	v24 =	vmul.f32 $1.442695020e+00, v24;
	v30 =	vsub.f32 v54, v14  }
0x238: {  	v22 =	vmul.f32 $1.442695020e+00, v22;
	v27 =	vsub.f32 v26, v11;
	(erf) = vpow2.f32 v21  }
0x239: {  	v30 =	vmul.f32 $1.442695020e+00, v30;
	(erf) = vpow2.f32 v24;
	v24 =	vsub.f32 v31, v10  }
0x23a: {  	v63 =	vsub.f32 v33, v9;
	v27 =	vmul.f32 $1.442695020e+00, v27;
	(erf) = vpow2.f32 v22  }
0x23b: {  	v32 =	vadd.f32 v53, v32;
	(erf) = vpow2.f32 v30;
	v60 =	vmul.f32 $1.442695020e+00, v24  }
0x23c: {  	v23 =	vnsel vm5, $0x0, v48;
	v44 =	vmul.f32 $1.442695020e+00, v63;
	(erf) = vpow2.f32 v27  }
0x23d: {  	v62 =	vnsel vm1, $0x0, v31;
	v21 =	vnsel vm6, $0x0, v52;
	(erf) = vpow2.f32 v60  }
0x23e: {  	v24 =	vadd.f32 v21, v37;
	v21 =	vadd.f32 v62, v28;
	v28 =	vpop (erf);
	(erf) = vpow2.f32 v44  }
0x23f: {  	s31 =	simm.s32 $0x1;
	v45 =	vnsel vm3, $0x0, v54;
	v61 =	vnsel vm0, $0x0, v26;
	v22 =	vnsel vm4, $0x0, v53  }
0x240: {  	v63 =	vnsel vm2, $0x0, v33;
	v27 =	vadd.f32 v22, v39;
	v22 =	vmov s31  }
0x241: {  	v30 =	vadd.f32 v23, v25;
	v60 =	vadd.s32 $0x320, v22;
	v37 =	vadd.f32 v28, v51;
	v28 =	vpop (erf)  }
0x242: {  	v23 =	vadd.f32 v45, v40;
	v25 =	vadd.f32 v61, v41;
	v39 =	vbroadcast v60, $0x0;
	v61 =	vpop (erf)  }
0x243: {  	v22 =	vadd.f32 v63, v42;
	v46 =	vadd.f32 v28, v46;
	v62 =	vpop (erf)  }
0x244: {  	s20 =	simm.s32 $0x140;
	vm0 =	veq.s32 v39, v6;
	v28 =	vadd.f32 v48, v43;
	v48 =	vadd.f32 v61, v47;
	v63 =	vpop (erf)  }
0x245: {  	s21 =	simm.s32 $0x2;
	v40 =	vld [tilespmem:s20+$0x30];
	vm1 =	veq.s32 v39, v7;
	v49 =	vadd.f32 v62, v49;
	v47 =	vadd.f32 v63, v50;
	v58 =	vpop (erf)  }
.LBB2_20:
0x246: {  	p0 =	sne.s32 s21, $0xC7;
	v41 =	vld [tilespmem:s20+$0xFFFFFFC0];
	vm6 =	veq.s32 v39, v4;
	v38 =	vadd.f32 v58, v38;
	v12 =	vadd.f32 v26, v12;
	v26 =	vpop (erf)  }
0x247: {  	vm2 =	veq.s32 v39, v3;
	v13 =	vadd.f32 v31, v13;
	v42 =	vld [tilespmem:s20+$0xFFFFFFD0];
	v36 =	vadd.f32 v26, v36;
	v26 =	vpop (erf)  }
0x248: {  	vm3 =	veq.s32 v39, v1;
	v15 =	vadd.f32 v33, v15;
	v43 =	vld [tilespmem:s20+$0xFFFFFFE0];
	v35 =	vadd.f32 v26, v35  }
0x249: {  	vm4 =	veq.s32 v39, v2;
	vm5 =	veq.s32 v39, v0;
	vm7 =	veq.s32 v39, v5;
	v44 =	vld [tilespmem:s20+$0xFFFFFFF0]  }
0x24a: {  	v26 =	vld [tilespmem:s20+$0x0];
	v39 =	vsub.f32 v40, v8;
	v19 =	vadd.f32 v40, v19;
	v33 =	vnsel vm7, $0x0, v40  }
0x24b: {  	v40 =	vsub.f32 v41, v18;
	v45 =	vnsel vm0, $0x0, v41;
	v31 =	vld [tilespmem:s20+$0x10];
	v20 =	vadd.f32 v33, v20  }
0x24c: {  	v50 =	vsub.f32 v42, v17;
	v51 =	vnsel vm1, $0x0, v42;
	v33 =	vld [tilespmem:s20+$0x20];
	v39 =	vmul.f32 $1.442695020e+00, v39  }
0x24d: {  	v40 =	vmul.f32 $1.442695020e+00, v40;
	v52 =	vsub.f32 v43, v16;
	v53 =	vnsel vm6, $0x0, v43  }
0x24e: {  	v50 =	vmul.f32 $1.442695020e+00, v50;
	v54 =	vsub.f32 v44, v14;
	(erf) = vpow2.f32 v39  }
0x24f: {  	v39 =	vmul.f32 $1.442695020e+00, v52;
	v52 =	vsub.f32 v26, v11;
	(erf) = vpow2.f32 v40  }
0x250: {  	v40 =	vmul.f32 $1.442695020e+00, v54;
	v54 =	vsub.f32 v31, v10;
	(erf) = vpow2.f32 v50  }
0x251: {  	v50 =	vmul.f32 $1.442695020e+00, v52;
	v52 =	vsub.f32 v33, v9;
	(erf) = vpow2.f32 v39  }
0x252: {  	v39 =	vnsel vm2, $0x0, v44;
	v54 =	vmul.f32 $1.442695020e+00, v54;
	(erf) = vpow2.f32 v40  }
0x253: {  	v40 =	vnsel vm3, $0x0, v26;
	v52 =	vmul.f32 $1.442695020e+00, v52;
	(erf) = vpow2.f32 v50  }
0x254: {  	v55 =	vnsel vm5, $0x0, v33;
	v50 =	vnsel vm4, $0x0, v31;
	(erf) = vpow2.f32 v54  }
0x255: {  	v30 =	vadd.f32 v45, v30;
	v24 =	vadd.f32 v51, v24;
	(erf) = vpow2.f32 v52  }
0x256: {  	v27 =	vadd.f32 v53, v27;
	v23 =	vadd.f32 v39, v23  }
0x257: {  	v39 =	vmov s21;
	v25 =	vadd.f32 v40, v25;
	v21 =	vadd.f32 v50, v21;
	v40 =	vpop (erf)  }
.Ltmp9:
0x258: {  	v22 =	vadd.f32 v55, v22;
	v39 =	vadd.s32 $0x320, v39;
	v37 =	vadd.f32 v40, v37;
	v40 =	vpop (erf);
	(pc) =	sbr.rel @p0 .LBB2_20-.Ltmp9, $4  }
0x259: {  	v28 =	vadd.f32 v41, v28;
	v39 =	vbroadcast v39, $0x0;
	v46 =	vadd.f32 v40, v46;
	v40 =	vpop (erf)  }
0x25a: {  	v29 =	vadd.f32 v42, v29;
	v48 =	vadd.f32 v40, v48;
	v40 =	vpop (erf)  }
0x25b: {  	s20 =	sadd.s32 $0x80, s20;
	v32 =	vadd.f32 v43, v32;
	vm0 =	veq.s32 v39, v6;
	v49 =	vadd.f32 v40, v49;
	v41 =	vpop (erf)  }
0x25c: {  	v34 =	vadd.f32 v44, v34;
	s21 =	sadd.s32 $0x1, s21;
	vm1 =	veq.s32 v39, v7;
	v40 =	vld [tilespmem:s20+$0x30];
	v47 =	vadd.f32 v41, v47;
	v58 =	vpop (erf)  }
0x25d: {  	v7 =	vld [tilespmem:s20+$0xFFFFFFC0];
	_ =	sdelay $0x3  }
0x25e: {  	v6 =	vsub.f32 v40, v8  }
0x25f: {  	v41 =	vsub.f32 v7, v18  }
0x260: {  	v6 =	vmul.f32 $1.442695020e+00, v6  }
0x261: {  	v41 =	vmul.f32 $1.442695020e+00, v41  }
0x262: {  	(erf) = vpow2.f32 v6  }
0x263: {  	v43 =	vld [tilespmem:s20+$0xFFFFFFD0];
	(erf) = vpow2.f32 v41  }
0x264: {  	v44 =	vld [tilespmem:s20+$0xFFFFFFE0]  }
0x265: {  	v45 =	vld [tilespmem:s20+$0xFFFFFFF0]  }
0x266: {  	v42 =	vld [tilespmem:s20+$0x10]  }
0x267: {  	v41 =	vld [tilespmem:s20+$0x0];
	_ =	sdelay $0x1  }
0x268: {  	v59 =	vpop (erf);
	v62 =	vld [tilespmem:s20+$0x20];
	v50 =	vsub.f32 v43, v17  }
0x269: {  	v56 =	vpop (erf);
	v52 =	vsub.f32 v44, v16  }
0x26a: {  	v53 =	vsub.f32 v45, v14;
	v50 =	vmul.f32 $1.442695020e+00, v50;
	v51 =	vpop (erf)  }
0x26b: {  	v57 =	vsub.f32 v42, v10;
	v52 =	vmul.f32 $1.442695020e+00, v52;
	v54 =	vsub.f32 v41, v11;
	v55 =	vpop (erf)  }
0x26c: {  	v53 =	vmul.f32 $1.442695020e+00, v53;
	(erf) = vpow2.f32 v50;
	v46 =	vadd.f32 v55, v46  }
0x26d: {  	v60 =	vsub.f32 v62, v9;
	(erf) = vpow2.f32 v52;
	v63 =	vmul.f32 $1.442695020e+00, v54  }
0x26e: {  	[tilespmem:$0x1FFE0] =	vst v62;
	v61 =	vmul.f32 $1.442695020e+00, v57;
	(erf) = vpow2.f32 v53;
	v62 =	vand.u32 $0x7FFFFF, v46  }
0x26f: {  	v54 =	vmul.f32 $1.442695020e+00, v60;
	(erf) = vpow2.f32 v63;
	v50 =	vor.u32 $0x3F800000, v62  }
0x270: {  	(erf) = vpow2.f32 v61;
	v63 =	vadd.f32 $1.000000000e+00, v50  }
0x271: {  	(erf) = vpow2.f32 v54  }
0x272: {  	(erf) = vrcp.f32 v63;
	_ =	sdelay $0x2  }
0x273: {  	v52 =	vpop (erf)  }
0x274: {  	v54 =	vpop (erf)  }
0x275: {  	v57 =	vpop (erf)  }
0x276: {  	v6 =	vshra.s32 v46, $0x17;
	v50 =	vadd.f32 $-1.000000000e+00, v50;
	v60 =	vpop (erf)  }
0x277: {  	v53 =	vadd.s32 $0xFFFFFF81, v6;
	v62 =	vpop (erf)  }
0x278: {  	v53 =	vcvt.s32.f32 v53;
	v50 =	vadd.f32 v50, v50;
	v61 =	vpop (erf)  }
0x279: {  	v6 =	vpop (erf)  }
0x27a: {  	v53 =	vmul.f32 $6.931471820e-01, v53;
	v50 =	vmul.f32 v6, v50;
	_ =	sdelay $0x1  }
0x27b: {  	v50 =	vadd.f32 v50, v53;
	_ =	sdelay $0x1  }
0x27c: {  	v53 =	vsub.f32 $0.0e+00, v50;
	_ =	sdelay $0x1  }
0x27d: {  	v53 =	vmul.f32 $1.442695020e+00, v53;
	_ =	sdelay $0x1  }
0x27e: {  	(erf) = vpow2.f32 v53;
	_ =	sdelay $0x8  }
0x27f: {  	v53 =	vpop (erf)  }
0x280: {  	v50 =	vadd.f32 $-1.000000000e+00, v50;
	v53 =	vmul.f32 v53, v46;
	_ =	sdelay $0x1  }
0x281: {  	v50 =	vadd.f32 v53, v50  }
0x282: {  	v48 =	vadd.f32 v52, v48  }
0x283: {  	v63 =	vsub.f32 $0.0e+00, v50  }
0x284: {  	v6 =	vand.u32 $0x7FFFFF, v48  }
0x285: {  	v53 =	vor.u32 $0x3F800000, v6;
	v52 =	vmul.f32 $1.442695020e+00, v63  }
0x286: {  	v63 =	vadd.f32 $1.000000000e+00, v53  }
0x287: {  	(erf) = vpow2.f32 v52  }
0x288: {  	(erf) = vrcp.f32 v63;
	_ =	sdelay $0x5  }
0x289: {  	v6 =	vshra.s32 v48, $0x17;
	v53 =	vadd.f32 $-1.000000000e+00, v53  }
0x28a: {  	[tilespmem:$0x1FFC0] =	vst v51;
	v51 =	vadd.s32 $0xFFFFFF81, v6  }
0x28b: {  	v55 =	vcvt.s32.f32 v51;
	v53 =	vadd.f32 v53, v53;
	v63 =	vpop (erf)  }
0x28c: {  	[tilespmem:$0x1FFD0] =	vst v63;
	v63 =	vpop (erf)  }
0x28d: {  	v55 =	vmul.f32 $6.931471820e-01, v55;
	v53 =	vmul.f32 v63, v53;
	_ =	sdelay $0x1  }
0x28e: {  	v53 =	vadd.f32 v53, v55;
	_ =	sdelay $0x1  }
0x28f: {  	v55 =	vsub.f32 $0.0e+00, v53;
	_ =	sdelay $0x1  }
0x290: {  	v55 =	vmul.f32 $1.442695020e+00, v55;
	_ =	sdelay $0x1  }
0x291: {  	(erf) = vpow2.f32 v55;
	_ =	sdelay $0x8  }
0x292: {  	v55 =	vpop (erf)  }
0x293: {  	v53 =	vadd.f32 $-1.000000000e+00, v53;
	v55 =	vmul.f32 v55, v48;
	_ =	sdelay $0x1  }
0x294: {  	v53 =	vadd.f32 v55, v53  }
0x295: {  	v49 =	vadd.f32 v54, v49  }
0x296: {  	v6 =	vsub.f32 $0.0e+00, v53  }
0x297: {  	v51 =	vand.u32 $0x7FFFFF, v49  }
0x298: {  	v55 =	vor.u32 $0x3F800000, v51;
	v54 =	vmul.f32 $1.442695020e+00, v6  }
0x299: {  	v52 =	vadd.f32 $1.000000000e+00, v55  }
0x29a: {  	(erf) = vpow2.f32 v54  }
0x29b: {  	(erf) = vrcp.f32 v52;
	_ =	sdelay $0x5  }
0x29c: {  	v55 =	vadd.f32 $-1.000000000e+00, v55;
	v6 =	vshra.s32 v49, $0x17  }
0x29d: {  	v51 =	vadd.s32 $0xFFFFFF81, v6  }
0x29e: {  	v55 =	vadd.f32 v55, v55;
	v63 =	vcvt.s32.f32 v51;
	v52 =	vpop (erf)  }
0x29f: {  	v54 =	vpop (erf)  }
0x2a0: {  	v6 =	vmul.f32 $6.931471820e-01, v63;
	v51 =	vmul.f32 v54, v55;
	_ =	sdelay $0x1  }
0x2a1: {  	v51 =	vadd.f32 v51, v6;
	_ =	sdelay $0x1  }
0x2a2: {  	v55 =	vsub.f32 $0.0e+00, v51;
	_ =	sdelay $0x1  }
0x2a3: {  	v55 =	vmul.f32 $1.442695020e+00, v55;
	_ =	sdelay $0x1  }
0x2a4: {  	(erf) = vpow2.f32 v55;
	_ =	sdelay $0x8  }
0x2a5: {  	v55 =	vpop (erf)  }
0x2a6: {  	v51 =	vadd.f32 $-1.000000000e+00, v51;
	v55 =	vmul.f32 v55, v49;
	_ =	sdelay $0x1  }
0x2a7: {  	v55 =	vadd.f32 v55, v51  }
0x2a8: {  	v47 =	vadd.f32 v57, v47  }
0x2a9: {  	v51 =	vsub.f32 $0.0e+00, v55  }
0x2aa: {  	v57 =	vand.u32 $0x7FFFFF, v47  }
0x2ab: {  	v57 =	vor.u32 $0x3F800000, v57;
	v51 =	vmul.f32 $1.442695020e+00, v51  }
0x2ac: {  	v54 =	vadd.f32 $1.000000000e+00, v57  }
0x2ad: {  	(erf) = vpow2.f32 v51  }
0x2ae: {  	(erf) = vrcp.f32 v54;
	_ =	sdelay $0x3  }
0x2af: {  	v57 =	vadd.f32 $-1.000000000e+00, v57;
	_ =	sdelay $0x1  }
0x2b0: {  	v63 =	vshra.s32 v47, $0x17  }
0x2b1: {  	v51 =	vadd.s32 $0xFFFFFF81, v63  }
0x2b2: {  	v63 =	vadd.f32 v57, v57;
	v51 =	vcvt.s32.f32 v51;
	v57 =	vpop (erf)  }
0x2b3: {  	v6 =	vpop (erf)  }
0x2b4: {  	[tilespmem:$0x1FFF0] =	vst v52;
	v51 =	vmul.f32 $6.931471820e-01, v51;
	v52 =	vmul.f32 v6, v63;
	_ =	sdelay $0x1  }
0x2b5: {  	v51 =	vadd.f32 v52, v51;
	_ =	sdelay $0x1  }
0x2b6: {  	v52 =	vsub.f32 $0.0e+00, v51;
	_ =	sdelay $0x1  }
0x2b7: {  	v52 =	vmul.f32 $1.442695020e+00, v52;
	_ =	sdelay $0x1  }
0x2b8: {  	(erf) = vpow2.f32 v52;
	_ =	sdelay $0x8  }
0x2b9: {  	v52 =	vpop (erf)  }
0x2ba: {  	v51 =	vadd.f32 $-1.000000000e+00, v51;
	v52 =	vmul.f32 v52, v47  }
0x2bb: {  	v38 =	vadd.f32 v58, v38  }
0x2bc: {  	v58 =	vadd.f32 v52, v51  }
0x2bd: {  	v38 =	vadd.f32 v60, v38  }
0x2be: {  	v51 =	vsub.f32 $0.0e+00, v58  }
0x2bf: {  	v6 =	vand.u32 $0x7FFFFF, v38  }
0x2c0: {  	v52 =	vor.u32 $0x3F800000, v6;
	v51 =	vmul.f32 $1.442695020e+00, v51  }
0x2c1: {  	v54 =	vadd.f32 $1.000000000e+00, v52  }
0x2c2: {  	(erf) = vpow2.f32 v51  }
0x2c3: {  	(erf) = vrcp.f32 v54;
	_ =	sdelay $0x5  }
0x2c4: {  	v6 =	vshra.s32 v38, $0x17;
	v52 =	vadd.f32 $-1.000000000e+00, v52  }
0x2c5: {  	v51 =	vadd.s32 $0xFFFFFF81, v6  }
0x2c6: {  	v52 =	vadd.f32 v52, v52;
	v51 =	vcvt.s32.f32 v51;
	v60 =	vpop (erf)  }
0x2c7: {  	v54 =	vpop (erf)  }
0x2c8: {  	v51 =	vmul.f32 $6.931471820e-01, v51;
	v52 =	vmul.f32 v54, v52;
	_ =	sdelay $0x1  }
0x2c9: {  	v51 =	vadd.f32 v52, v51;
	_ =	sdelay $0x1  }
0x2ca: {  	v52 =	vsub.f32 $0.0e+00, v51;
	_ =	sdelay $0x1  }
0x2cb: {  	v52 =	vmul.f32 $1.442695020e+00, v52;
	_ =	sdelay $0x1  }
0x2cc: {  	(erf) = vpow2.f32 v52;
	_ =	sdelay $0x8  }
0x2cd: {  	v52 =	vpop (erf)  }
0x2ce: {  	v51 =	vadd.f32 $-1.000000000e+00, v51;
	v52 =	vmul.f32 v52, v38  }
0x2cf: {  	v36 =	vadd.f32 v59, v36  }
0x2d0: {  	v59 =	vadd.f32 v52, v51  }
0x2d1: {  	v36 =	vadd.f32 v62, v36  }
0x2d2: {  	v51 =	vsub.f32 $0.0e+00, v59  }
0x2d3: {  	v6 =	vand.u32 $0x7FFFFF, v36  }
0x2d4: {  	v52 =	vor.u32 $0x3F800000, v6;
	v51 =	vmul.f32 $1.442695020e+00, v51  }
0x2d5: {  	v54 =	vadd.f32 $1.000000000e+00, v52  }
0x2d6: {  	(erf) = vpow2.f32 v51  }
0x2d7: {  	(erf) = vrcp.f32 v54;
	_ =	sdelay $0x5  }
0x2d8: {  	v6 =	vshra.s32 v36, $0x17;
	v52 =	vadd.f32 $-1.000000000e+00, v52  }
0x2d9: {  	v51 =	vadd.s32 $0xFFFFFF81, v6  }
0x2da: {  	v52 =	vadd.f32 v52, v52;
	v51 =	vcvt.s32.f32 v51;
	v62 =	vpop (erf)  }
0x2db: {  	v54 =	vpop (erf)  }
0x2dc: {  	v51 =	vmul.f32 $6.931471820e-01, v51;
	v52 =	vmul.f32 v54, v52;
	_ =	sdelay $0x1  }
0x2dd: {  	v51 =	vadd.f32 v52, v51;
	_ =	sdelay $0x1  }
0x2de: {  	v52 =	vsub.f32 $0.0e+00, v51;
	_ =	sdelay $0x1  }
0x2df: {  	v52 =	vmul.f32 $1.442695020e+00, v52;
	_ =	sdelay $0x1  }
0x2e0: {  	(erf) = vpow2.f32 v52;
	_ =	sdelay $0x8  }
0x2e1: {  	v52 =	vpop (erf)  }
0x2e2: {  	v51 =	vadd.f32 $-1.000000000e+00, v51;
	v52 =	vmul.f32 v52, v36  }
0x2e3: {  	v35 =	vadd.f32 v56, v35  }
0x2e4: {  	v51 =	vadd.f32 v52, v51  }
0x2e5: {  	v35 =	vadd.f32 v61, v35  }
0x2e6: {  	v52 =	vsub.f32 $0.0e+00, v51  }
0x2e7: {  	v6 =	vand.u32 $0x7FFFFF, v35  }
0x2e8: {  	v56 =	vor.u32 $0x3F800000, v6;
	v52 =	vmul.f32 $1.442695020e+00, v52  }
0x2e9: {  	v54 =	vadd.f32 $1.000000000e+00, v56  }
0x2ea: {  	(erf) = vpow2.f32 v52  }
0x2eb: {  	(erf) = vrcp.f32 v54;
	_ =	sdelay $0x5  }
0x2ec: {  	v6 =	vshra.s32 v35, $0x17;
	v56 =	vadd.f32 $-1.000000000e+00, v56  }
0x2ed: {  	v52 =	vadd.s32 $0xFFFFFF81, v6  }
0x2ee: {  	v56 =	vadd.f32 v56, v56;
	v52 =	vcvt.s32.f32 v52;
	v61 =	vpop (erf)  }
0x2ef: {  	v54 =	vpop (erf)  }
0x2f0: {  	v52 =	vmul.f32 $6.931471820e-01, v52;
	v56 =	vmul.f32 v54, v56;
	_ =	sdelay $0x1  }
0x2f1: {  	v52 =	vadd.f32 v56, v52;
	_ =	sdelay $0x1  }
0x2f2: {  	v56 =	vsub.f32 $0.0e+00, v52;
	_ =	sdelay $0x1  }
0x2f3: {  	v56 =	vmul.f32 $1.442695020e+00, v56;
	_ =	sdelay $0x1  }
0x2f4: {  	(erf) = vpow2.f32 v56;
	_ =	sdelay $0x7  }
0x2f5: {  	v63 =	vld [tilespmem:$0x1FFC0]  }
0x2f6: {  	v56 =	vpop (erf)  }
0x2f7: {  	v52 =	vadd.f32 $-1.000000000e+00, v52;
	v56 =	vmul.f32 v56, v35;
	_ =	sdelay $0x1  }
0x2f8: {  	v52 =	vadd.f32 v56, v52  }
0x2f9: {  	v37 =	vadd.f32 v63, v37  }
0x2fa: {  	v56 =	vsub.f32 $0.0e+00, v52  }
0x2fb: {  	v6 =	vand.u32 $0x7FFFFF, v37  }
0x2fc: {  	v63 =	vor.u32 $0x3F800000, v6;
	v56 =	vmul.f32 $1.442695020e+00, v56  }
0x2fd: {  	v54 =	vadd.f32 $1.000000000e+00, v63  }
0x2fe: {  	(erf) = vpow2.f32 v56  }
0x2ff: {  	(erf) = vrcp.f32 v54;
	_ =	sdelay $0x4  }
0x300: {  	v6 =	vadd.f32 $-1.000000000e+00, v63;
	v63 =	vshra.s32 v37, $0x17;
	_ =	sdelay $0x1  }
0x301: {  	v56 =	vadd.s32 $0xFFFFFF81, v63  }
0x302: {  	v6 =	vadd.f32 v6, v6;
	v56 =	vcvt.s32.f32 v56;
	v63 =	vpop (erf)  }
0x303: {  	v54 =	vpop (erf)  }
0x304: {  	v6 =	vmul.f32 v54, v6;
	v54 =	vmul.f32 $6.931471820e-01, v56;
	_ =	sdelay $0x1  }
0x305: {  	vm3 =	veq.s32 v39, v5;
	v5 =	vadd.f32 v6, v54;
	_ =	sdelay $0x1  }
0x306: {  	vm2 =	veq.s32 v39, v4;
	v4 =	vadd.f32 v26, v12;
	v26 =	vsub.f32 $0.0e+00, v5  }
0x307: {  	v12 =	vadd.f32 v31, v13  }
0x308: {  	v13 =	vadd.f32 v33, v15;
	v6 =	vadd.f32 v40, v19;
	v19 =	vmul.f32 $1.442695020e+00, v26  }
0x309: {  	vm13 =	veq.s32 v39, v3;
	vm14 =	veq.s32 v39, v1;
	vm4 =	veq.s32 v39, v2  }
0x30a: {  	vm15 =	veq.s32 v39, v0;
	v54 =	vnsel vm3, $0x0, v40;
	(erf) = vpow2.f32 v19  }
0x30b: {  	v31 =	vnsel vm1, $0x0, v43;
	v33 =	vnsel vm2, $0x0, v44;
	v15 =	vadd.f32 v54, v20;
	v54 =	vld [tilespmem:$0x1FFD0]  }
0x30c: {  	v39 =	vnsel vm13, $0x0, v45;
	v12 =	vadd.f32 v42, v12;
	v0 =	vadd.f32 v31, v24  }
0x30d: {  	v1 =	vadd.f32 v33, v27;
	v2 =	vadd.f32 v39, v23  }
0x30e: {  	v39 =	vadd.f32 v43, v29;
	v43 =	vadd.f32 v45, v34  }
0x30f: {  	v4 =	vadd.f32 v41, v4;
	v33 =	vadd.f32 $-1.000000000e+00, v50;
	v57 =	vmul.f32 v57, v49  }
0x310: {  	v45 =	vadd.f32 $-1.000000000e+00, v53;
	v29 =	vmul.f32 v60, v47;
	v20 =	vmul.f32 v54, v46  }
0x311: {  	v47 =	vadd.f32 $-1.000000000e+00, v52;
	v56 =	vnsel vm0, $0x0, v7;
	v7 =	vadd.f32 v7, v28  }
0x312: {  	v3 =	vadd.f32 v56, v30;
	v30 =	vld [tilespmem:$0x1FFE0];
	v40 =	vnsel vm14, $0x0, v41;
	v20 =	vadd.f32 v20, v33  }
0x313: {  	v56 =	vnsel vm4, $0x0, v42;
	v5 =	vadd.f32 $-1.000000000e+00, v5;
	v19 =	vadd.f32 v40, v25;
	v46 =	vld [tilespmem:$0x1FFF0];
	v50 =	vpop (erf)  }
0x314: {  	v40 =	vadd.f32 v44, v32;
	v44 =	vadd.f32 v20, v18;
	v20 =	vmul.f32 v50, v37  }
0x315: {  	v28 =	vadd.f32 $-1.000000000e+00, v58;
	v42 =	vmul.f32 v61, v36;
	v21 =	vadd.f32 v56, v21  }
0x316: {  	v7 =	vmul.f32 $1.001001000e-04, v7;
	v56 =	vadd.f32 $-1.000000000e+00, v55;
	v5 =	vadd.f32 v20, v5  }
0x317: {  	v41 =	vadd.f32 $-1.000000000e+00, v51;
	v31 =	vnsel vm15, $0x0, v30;
	v32 =	vadd.f32 $-1.000000000e+00, v59  }
0x318: {  	v33 =	vmul.f32 v62, v38;
	v26 =	vmul.f32 v46, v48;
	v27 =	vsub.f32 $0.0e+00, v5  }
0x319: {  	v3 =	vmul.f32 $8.998998990e-01, v3;
	v13 =	vadd.f32 v30, v13;
	v22 =	vadd.f32 v31, v22  }
0x31a: {  	v38 =	vadd.f32 v33, v32;
	v48 =	vadd.f32 v26, v45;
	v18 =	vmul.f32 $1.442695020e+00, v27  }
0x31b: {  	v54 =	vmul.f32 $1.001001000e-04, v39;
	v31 =	vmul.f32 $1.001001000e-04, v40;
	v7 =	vsub.f32 v7, v44  }
0x31c: {  	v40 =	vadd.f32 v38, v11;
	v53 =	vadd.f32 v48, v17;
	(erf) = vpow2.f32 v18  }
0x31d: {  	v4 =	vmul.f32 $1.001001000e-04, v4;
	v26 =	vadd.f32 v57, v56;
	v45 =	vadd.f32 v42, v41  }
0x31e: {  	v0 =	vmul.f32 $8.998998990e-01, v0;
	v3 =	vadd.f32 v7, v3;
	v7 =	vsub.f32 v54, v53  }
0x31f: {  	v1 =	vmul.f32 $8.998998990e-01, v1;
	v44 =	vsub.f32 v4, v40;
	v30 =	vadd.f32 v26, v16  }
0x320: {  	v34 =	vmul.f32 $1.001001000e-04, v43;
	v0 =	vadd.f32 v7, v0;
	v7 =	vadd.f32 v29, v28  }
0x321: {  	v48 =	vmul.f32 v63, v35;
	v49 =	vadd.f32 v45, v10;
	v16 =	vsub.f32 v31, v30  }
0x322: {  	v2 =	vmul.f32 $8.998998990e-01, v2;
	v3 =	vadd.f32 $0.0e+00, v3;
	v7 =	vadd.f32 v7, v14  }
0x323: {  	v55 =	vmul.f32 $8.998998990e-01, v21;
	v51 =	vadd.f32 v48, v47;
	v1 =	vadd.f32 v16, v1  }
0x324: {  	v46 =	vmul.f32 $8.998998990e-01, v19;
	v0 =	vadd.f32 v0, v3;
	v39 =	vsub.f32 v34, v7  }
0x325: {  	v50 =	vmul.f32 $1.001001000e-04, v12;
	v4 =	vadd.f32 v51, v9;
	v53 =	vadd.f32 $-1.000000000e+00, v5;
	v52 =	vpop (erf)  }
0x326: {  	v0 =	vadd.f32 v1, v0;
	v43 =	vadd.f32 v39, v2;
	v54 =	vmul.f32 v52, v37  }
0x327: {  	v56 =	vmul.f32 $1.001001000e-04, v13;
	v1 =	vsub.f32 v50, v49;
	v2 =	vadd.f32 v44, v46  }
0x328: {  	v0 =	vadd.f32 v43, v0;
	v57 =	vadd.f32 v54, v53  }
0x329: {  	v59 =	vmul.f32 $8.998998990e-01, v22;
	v58 =	vsub.f32 v56, v4;
	v1 =	vadd.f32 v1, v55  }
0x32a: {  	v60 =	vmul.f32 $1.001001000e-04, v6;
	v0 =	vadd.f32 v2, v0;
	v2 =	vadd.f32 v57, v8  }
0x32b: {  	v61 =	vadd.f32 v58, v59  }
0x32c: {  	v62 =	vmul.f32 $8.998998990e-01, v15;
	v0 =	vadd.f32 v1, v0;
	v2 =	vsub.f32 v60, v2;
	_ =	sdelay $0x1  }
0x32d: {  	v0 =	vadd.f32 v61, v0;
	v63 =	vadd.f32 v2, v62;
	_ =	sdelay $0x1  }
0x32e: {  	s19 =	sadd.s32 $0x1, s19;
	v0 =	vadd.f32 v63, v0  }
0x32f: {  	p0 =	sne.s32 s19, s10  }
.Ltmp10:
0x330: {  	[tilespmem:$0xC880] =	vst v0;
	(pc) =	sbr.rel @p0 .LBB2_1-.Ltmp10, $4  }
0x331: {  	[hbm4b:s9+s2] =	stream.linear.scatter [tilespmem:s18], [sflag:$0x3], $0x80, $0x38;
	[tilespmem:$0xC900] =	vst v63  }
0x332: {  	_ =	swait.ge [sflag:s11], $0x80  }
0x333: {  	[sflag:s11] =	ssyncset.done $0x0  }
0x334: {  	[sflag:s11] =	ssyncadd.s32 $0xFFFFFF80  }
0x335: {  	_ =	sfence.sel $0x180000  }
0x336: {  	[bflag:$0x0] =	sbarrier.arrive $0xFFFF  }
0x337: {  	p0 =	sne.s32 s1, $0x0;
	_ =	strace $0x90000047  }
0x338: {  	s0 =	sadd.s32 @!p0 $0x100000, s0;
	[bflag:$0x2] =	sbarrier.arrive $0xFFFF  }
0x339: {  	[sflag:s0] =	ssyncadd.tile.s32 @!p0 $0x1;
	_ =	shalt  }
.Lfunc_end2:
_tile_overlayer_lowered:
.L_overlay_start_2:
0x33a: {  	(tag) =	ssettag $0x2  }
0x33b: {  	s0 =	rddreg [dreg:$0x0];
	s2 =	stileid.u32  }
0x33c: {  	s1 =	rddreg [dreg:$0x1];
	p0 =	sne.s32 s2, $0x0  }
0x33d: {  	s3 =	rddreg [dreg:$0x2];
	[bflag:$0x3] =	sbarrier.arrive $0xFFFF;
	s2 =	simm.s32 @!p0 $0x1C03  }
0x33e: {  	[timem:s3], [sflag:s2] =	dma.local @!p0 [hbm:s0], s1  }
0x33f: {  	s0 =	simm.s32 @!p0 $0x3  }
0x340: {  	_ =	swait.ge @!p0 [sflag:s0], s1  }
0x341: {  	s1 =	ssub.s32 @!p0 $0x0, s1;
	[sflag:s0] =	ssyncset.done @!p0 $0x0  }
0x342: {  	[sflag:s0] =	ssyncadd.s32 @!p0 s1  }
0x343: {  	[bflag:$0x3] =	sbarrier.arrive $0xFFFF  }
0x344: {  	_ =	shalt  }

</sc_bundles>
